<compile_context>
chip_gen: v7x
topology: tpu7x:2x2x1
jax: 0.10.2.dev20260603
libtpu: 0.0.44.dev20260713+nightly
codegen_flags: <defaults>
</compile_context>

<pallas_src>
import functools

import jax
import jax.numpy as jnp
from jax import lax
from jax.experimental import pallas as pl
from jax.experimental.pallas import tpu as pltpu
from jax.experimental.pallas import tpu_sc as plsc

NC = 2
NS = 16
NW = NC * NS
CHUNK = 128
GROUP = 8


def _sc_mesh():
    return plsc.VectorSubcoreMesh(core_axis_name="c", subcore_axis_name="s")


def _make_scatter_kernel(n_pad, d, groups_per_tile):
    rpt = n_pad // NS

    @functools.partial(
        pl.kernel,
        out_type=jax.ShapeDtypeStruct((NC, n_pad, d), jnp.float32),
        mesh=_sc_mesh(),
        scratch_types=[
            pltpu.VMEM_SHARED((n_pad, d), jnp.float32),
            pltpu.VMEM((GROUP, CHUNK), jnp.int32),
            pltpu.VMEM((GROUP, CHUNK), jnp.int32),
            pltpu.VMEM((CHUNK, d), jnp.float32),
            pltpu.VMEM((CHUNK, d), jnp.float32),
            pltpu.SemaphoreType.DMA,
            pltpu.SemaphoreType.DMA,
        ],
    )
    def scatter_kernel(g_hbm, row_hbm, col_hbm, out_hbm,
                       acc, rowv, colv, rows0, rows1, sem0, sem1):
        cid = lax.axis_index("c")
        sid = lax.axis_index("s")
        wid = cid * NS + sid
        def zrow(r, carry):
            for k in range(d // 16):
                rows0[r, pl.ds(k * 16, 16)] = jnp.zeros((16,), jnp.float32)
            return carry

        lax.fori_loop(0, CHUNK, zrow, 0, unroll=False)
        for t in range(rpt // CHUNK):
            pltpu.sync_copy(
                rows0, acc.at[pl.ds(sid * rpt + t * CHUNK, CHUNK)])
        plsc.subcore_barrier()
        bufs = (rows0, rows1)
        sems = (sem0, sem1)

        def group_body(gidx, carry):
            pltpu.sync_copy(row_hbm.at[wid, pl.ds(gidx * GROUP, GROUP)], rowv)
            pltpu.sync_copy(col_hbm.at[wid, pl.ds(gidx * GROUP, GROUP)], colv)
            for j in range(GROUP):
                pltpu.async_copy(g_hbm.at[rowv.at[j]], bufs[j % 2],
                                 sems[j % 2]).wait()
                pltpu.sync_copy(bufs[j % 2], acc.at[colv.at[j]], add=True)
            return carry

        lax.fori_loop(0, groups_per_tile, group_body, 0, unroll=False)
        plsc.subcore_barrier()
        pltpu.sync_copy(acc.at[pl.ds(sid * rpt, rpt)],
                        out_hbm.at[cid, pl.ds(sid * rpt, rpt)])

    return scatter_kernel


def _mm_scale_body(dis_ref, x_ref, w_ref, o_ref):
    h = lax.dot_general(x_ref[...], w_ref[...], (((1,), (1,)), ((), ())),
                        preferred_element_type=jnp.float32)
    o_ref[...] = h * dis_ref[...]


def _layer2_body(dis_ref, p_ref, g1_ref, b1_ref, w2_ref, o_ref):
    dis = dis_ref[...]
    x1 = dis * (p_ref[0] + p_ref[1] + g1_ref[...]) + b1_ref[...]
    xr = jnp.maximum(x1, 0.0)
    h2 = lax.dot_general(xr, w2_ref[...], (((1,), (1,)), ((), ())),
                         preferred_element_type=jnp.float32)
    o_ref[...] = h2 * dis


def _final_body(dis_ref, q_ref, g2_ref, b2_ref, o_ref):
    o_ref[...] = (dis_ref[...] * (q_ref[0] + q_ref[1] + g2_ref[...])
                  + b2_ref[...])


def _tc_call(body, n, d, extra_specs, extra_args, row_block):
    grid = n // row_block
    dis_spec = pl.BlockSpec((row_block, 1), lambda i: (i, 0))
    return pl.pallas_call(
        body,
        grid=(grid,),
        in_specs=[dis_spec] + extra_specs,
        out_specs=pl.BlockSpec((row_block, d), lambda i: (i, 0)),
        out_shape=jax.ShapeDtypeStruct((n, d), jnp.float32),
    )(*extra_args)


def kernel(x, edge_index, W1, b1, W2, b2):
    n, d_in = x.shape
    d_hid = W1.shape[0]
    d_out = W2.shape[0]
    e = edge_index.shape[1]

    ei = edge_index.astype(jnp.int32)
    row, col = ei[0], ei[1]

    epw = NW * CHUNK * GROUP
    e_pad = ((e + epw - 1) // epw) * epw
    npw = NS * CHUNK
    n_pad = ((n + npw - 1) // npw) * npw
    if n_pad == n:
        n_pad = n + npw
    rpt = n_pad // NS

    pad = e_pad - e
    row_p = jnp.concatenate([row, jnp.zeros((pad,), jnp.int32)])
    col_p = jnp.concatenate([col, jnp.full((pad,), n, jnp.int32)])
    row_sc = row_p.reshape(NW, e_pad // (NW * CHUNK), CHUNK)
    col_sc = col_p.reshape(NW, e_pad // (NW * CHUNK), CHUNK)

    scatter = _make_scatter_kernel(n_pad, d_hid, e_pad // (NW * CHUNK * GROUP))

    ones_g = jnp.ones((n, d_hid), jnp.float32)
    deg_parts = scatter(ones_g, jnp.zeros_like(row_sc), col_sc)

    dis2d = lax.rsqrt(deg_parts[0, :n, 0] + deg_parts[1, :n, 0] + 1.0)[:, None]

    row_block = 1000 if n % 1000 == 0 else 8
    full_w = pl.BlockSpec((d_in, d_in), lambda i: (0, 0))
    xb = pl.BlockSpec((row_block, d_in), lambda i: (i, 0))
    bias_spec = pl.BlockSpec((1, d_hid), lambda i: (0, 0))
    part_spec = pl.BlockSpec((NC, row_block, d_hid), lambda i: (0, i, 0))
    gb = pl.BlockSpec((row_block, d_hid), lambda i: (i, 0))

    g1 = _tc_call(_mm_scale_body, n, d_hid,
                  [xb, full_w], [dis2d, x, W1], row_block)

    p = scatter(g1, row_sc, col_sc)

    g2 = _tc_call(_layer2_body, n, d_out,
                  [part_spec, gb, bias_spec, full_w],
                  [dis2d, p, g1, b1.reshape(1, -1), W2], row_block)

    q = scatter(g2, row_sc, col_sc)

    out = _tc_call(_final_body, n, d_out,
                   [part_spec, gb, bias_spec],
                   [dis2d, q, g2, b2.reshape(1, -1)], row_block)
    return out

# --- scband reference (transcript-rebuilt; emitter-appended) ---
"""Pipeline reference for scband-gcn-41918880809100 (READ-ONLY COPY).

The authoritative reference and input builder live on the scoring server;
editing this copy changes nothing except your own understanding.
"""

import jax, jax.numpy as jnp
import numpy as np

N_NODES = 10000
N_EDGES = 320000
IN_DIM = 128
HID_DIM = 128
OUT_DIM = 128


def propagate(x, edge_index):
    # add_remaining_self_loops (assume random edges; add self loops for all nodes)
    n = x.shape[0]
    loop = jnp.arange(n, dtype=edge_index.dtype)
    ei = jnp.concatenate([edge_index, jnp.stack([loop, loop], axis=0)], axis=1)
    row, col = ei[0], ei[1]
    deg = jnp.zeros((n,), dtype=x.dtype).at[col].add(1.0)
    deg_inv_sqrt = deg ** -0.5
    edge_weight = deg_inv_sqrt[row] * deg_inv_sqrt[col]
    out = edge_weight[:, None] * x[row]
    # scatter-add to edge_index[-1] (== col)
    return jnp.zeros_like(x).at[col].add(out)


def setup_inputs(seed: int = 0) -> dict:
    key = jax.random.key(seed)
    k1, k2, k3, k4, k5 = jax.random.split(key, 5)
    x = jax.random.normal(k1, (N_NODES, IN_DIM), dtype=jnp.float32)
    edge_index = jax.random.randint(k2, (2, N_EDGES), 0, N_NODES, dtype=jnp.int64)
    # Linear weights (torch Linear: y = x @ W.T), Kaiming-uniform-ish init
    bound1 = 1.0 / np.sqrt(IN_DIM)
    W1 = jax.random.uniform(k3, (HID_DIM, IN_DIM), jnp.float32, -bound1, bound1)
    b1 = jnp.zeros((HID_DIM,), dtype=jnp.float32)
    bound2 = 1.0 / np.sqrt(HID_DIM)
    W2 = jax.random.uniform(k4, (OUT_DIM, HID_DIM), jnp.float32, -bound2, bound2)
    b2 = jnp.zeros((OUT_DIM,), dtype=jnp.float32)
    return {"x": x, "edge_index": edge_index, "W1": W1, "b1": b1, "W2": W2, "b2": b2}


def reference(x, edge_index, W1, b1, W2, b2):
    # conv1
    h = x @ W1.T
    x1 = propagate(h, edge_index) + b1
    # relu
    xr = jax.nn.relu(x1)
    # conv2
    h2 = xr @ W2.T
    x2 = propagate(h2, edge_index) + b2
    return x2

if __name__ == "__main__":
    import jax
    _d = setup_inputs()
    print(jax.jit(kernel)(*tuple(_d.values())))

</pallas_src>

<mosaic_0001>
#map = affine_map<(d0, d1) -> (0, 0)>
#map1 = affine_map<(d0, d1) -> (0, 0, 0)>
module attributes {stable_mosaic.version = 14 : i64} {
  func.func @scatter_kernel(%arg0: i32, %arg1: i32, %arg2: memref<10000x128xf32, #tpu.memory_space<hbm>>, %arg3: memref<32x80x128xi32, #tpu.memory_space<hbm>>, %arg4: memref<32x80x128xi32, #tpu.memory_space<hbm>>, %arg5: memref<2x10240x128xf32, #tpu.memory_space<hbm>>, %arg6: memref<10240x128xf32, #tpu.memory_space<vmem_shared>>, %arg7: memref<8x128xi32, #tpu.memory_space<vmem>>, %arg8: memref<8x128xi32, #tpu.memory_space<vmem>>, %arg9: memref<128x128xf32, #tpu.memory_space<vmem>>, %arg10: memref<128x128xf32, #tpu.memory_space<vmem>>, %arg11: memref<!tpu.dma_semaphore, #tpu.memory_space<semaphore_mem>>, %arg12: memref<!tpu.dma_semaphore, #tpu.memory_space<semaphore_mem>>) attributes {dimension_semantics = [#tpu.dimension_semantics<core_parallel>, #tpu.dimension_semantics<subcore_parallel>], iteration_bounds = array<i64: 2, 16>, scalar_prefetch = 0 : i64, scratch_operands = 7 : i64, tpu.core_type = #tpu.core_type<sc_vector_subcore>, window_params = [{transform_indices = #map}, {transform_indices = #map1}, {transform_indices = #map1}, {transform_indices = #map1}]} {
    %mul3A = arith.constant 16 : i32
    %mul3A_0 = arith.muli %arg0, %mul3A : i32
    %add3A = arith.addi %mul3A_0, %arg1 : i32
    %scan3A = arith.constant 0 : i32
    %scan3A_1 = arith.constant 0 : i32
    %scan3A_2 = arith.constant 128 : i32
    %scan3A_3 = arith.addi %scan3A_1, %scan3A_2 : i32
    %scan3A_4 = arith.constant 1 : i32
    scf.for %scan3A_37 = %scan3A_1 to %scan3A_3 step %scan3A_4  : i32 {
      %broadcast_in_dim3A = arith.constant 0.000000e+00 : f32
      %broadcast_in_dim3A_38 = vector.broadcast %broadcast_in_dim3A : f32 to vector<16xf32>
      %swap3A = arith.index_cast %scan3A_37 : i32 to index
      %swap3A_39 = arith.constant 0 : index
      %swap3A_40 = tpu.vector_load %arg9[%swap3A, %swap3A_39] {strides = array<i32>} : memref<128x128xf32, #tpu.memory_space<vmem>>, vector<1x16xf32>,
      %swap3A_41 = vector.shape_cast %swap3A_40 : vector<1x16xf32> to vector<16xf32>
      %swap3A_42 = vector.shape_cast %broadcast_in_dim3A_38 : vector<16xf32> to vector<1x16xf32>
      tpu.vector_store %arg9[%swap3A, %swap3A_39], %swap3A_42 {strides = array<i32>} : memref<128x128xf32, #tpu.memory_space<vmem>>, vector<1x16xf32>,
      %broadcast_in_dim3A_43 = arith.constant 0.000000e+00 : f32
      %broadcast_in_dim3A_44 = vector.broadcast %broadcast_in_dim3A_43 : f32 to vector<16xf32>
      %swap3A_45 = arith.index_cast %scan3A_37 : i32 to index
      %swap3A_46 = arith.constant 16 : index
      %swap3A_47 = tpu.vector_load %arg9[%swap3A_45, %swap3A_46] {strides = array<i32>} : memref<128x128xf32, #tpu.memory_space<vmem>>, vector<1x16xf32>,
      %swap3A_48 = vector.shape_cast %swap3A_47 : vector<1x16xf32> to vector<16xf32>
      %swap3A_49 = vector.shape_cast %broadcast_in_dim3A_44 : vector<16xf32> to vector<1x16xf32>
      tpu.vector_store %arg9[%swap3A_45, %swap3A_46], %swap3A_49 {strides = array<i32>} : memref<128x128xf32, #tpu.memory_space<vmem>>, vector<1x16xf32>,
      %broadcast_in_dim3A_50 = arith.constant 0.000000e+00 : f32
      %broadcast_in_dim3A_51 = vector.broadcast %broadcast_in_dim3A_50 : f32 to vector<16xf32>
      %swap3A_52 = arith.index_cast %scan3A_37 : i32 to index
      %swap3A_53 = arith.constant 32 : index
      %swap3A_54 = tpu.vector_load %arg9[%swap3A_52, %swap3A_53] {strides = array<i32>} : memref<128x128xf32, #tpu.memory_space<vmem>>, vector<1x16xf32>,
      %swap3A_55 = vector.shape_cast %swap3A_54 : vector<1x16xf32> to vector<16xf32>
      %swap3A_56 = vector.shape_cast %broadcast_in_dim3A_51 : vector<16xf32> to vector<1x16xf32>
      tpu.vector_store %arg9[%swap3A_52, %swap3A_53], %swap3A_56 {strides = array<i32>} : memref<128x128xf32, #tpu.memory_space<vmem>>, vector<1x16xf32>,
      %broadcast_in_dim3A_57 = arith.constant 0.000000e+00 : f32
      %broadcast_in_dim3A_58 = vector.broadcast %broadcast_in_dim3A_57 : f32 to vector<16xf32>
      %swap3A_59 = arith.index_cast %scan3A_37 : i32 to index
      %swap3A_60 = arith.constant 48 : index
      %swap3A_61 = tpu.vector_load %arg9[%swap3A_59, %swap3A_60] {strides = array<i32>} : memref<128x128xf32, #tpu.memory_space<vmem>>, vector<1x16xf32>,
      %swap3A_62 = vector.shape_cast %swap3A_61 : vector<1x16xf32> to vector<16xf32>
      %swap3A_63 = vector.shape_cast %broadcast_in_dim3A_58 : vector<16xf32> to vector<1x16xf32>
      tpu.vector_store %arg9[%swap3A_59, %swap3A_60], %swap3A_63 {strides = array<i32>} : memref<128x128xf32, #tpu.memory_space<vmem>>, vector<1x16xf32>,
      %broadcast_in_dim3A_64 = arith.constant 0.000000e+00 : f32
      %broadcast_in_dim3A_65 = vector.broadcast %broadcast_in_dim3A_64 : f32 to vector<16xf32>
      %swap3A_66 = arith.index_cast %scan3A_37 : i32 to index
      %swap3A_67 = arith.constant 64 : index
      %swap3A_68 = tpu.vector_load %arg9[%swap3A_66, %swap3A_67] {strides = array<i32>} : memref<128x128xf32, #tpu.memory_space<vmem>>, vector<1x16xf32>,
      %swap3A_69 = vector.shape_cast %swap3A_68 : vector<1x16xf32> to vector<16xf32>
      %swap3A_70 = vector.shape_cast %broadcast_in_dim3A_65 : vector<16xf32> to vector<1x16xf32>
      tpu.vector_store %arg9[%swap3A_66, %swap3A_67], %swap3A_70 {strides = array<i32>} : memref<128x128xf32, #tpu.memory_space<vmem>>, vector<1x16xf32>,
      %broadcast_in_dim3A_71 = arith.constant 0.000000e+00 : f32
      %broadcast_in_dim3A_72 = vector.broadcast %broadcast_in_dim3A_71 : f32 to vector<16xf32>
      %swap3A_73 = arith.index_cast %scan3A_37 : i32 to index
      %swap3A_74 = arith.constant 80 : index
      %swap3A_75 = tpu.vector_load %arg9[%swap3A_73, %swap3A_74] {strides = array<i32>} : memref<128x128xf32, #tpu.memory_space<vmem>>, vector<1x16xf32>,
      %swap3A_76 = vector.shape_cast %swap3A_75 : vector<1x16xf32> to vector<16xf32>
      %swap3A_77 = vector.shape_cast %broadcast_in_dim3A_72 : vector<16xf32> to vector<1x16xf32>
      tpu.vector_store %arg9[%swap3A_73, %swap3A_74], %swap3A_77 {strides = array<i32>} : memref<128x128xf32, #tpu.memory_space<vmem>>, vector<1x16xf32>,
      %broadcast_in_dim3A_78 = arith.constant 0.000000e+00 : f32
      %broadcast_in_dim3A_79 = vector.broadcast %broadcast_in_dim3A_78 : f32 to vector<16xf32>
      %swap3A_80 = arith.index_cast %scan3A_37 : i32 to index
      %swap3A_81 = arith.constant 96 : index
      %swap3A_82 = tpu.vector_load %arg9[%swap3A_80, %swap3A_81] {strides = array<i32>} : memref<128x128xf32, #tpu.memory_space<vmem>>, vector<1x16xf32>,
      %swap3A_83 = vector.shape_cast %swap3A_82 : vector<1x16xf32> to vector<16xf32>
      %swap3A_84 = vector.shape_cast %broadcast_in_dim3A_79 : vector<16xf32> to vector<1x16xf32>
      tpu.vector_store %arg9[%swap3A_80, %swap3A_81], %swap3A_84 {strides = array<i32>} : memref<128x128xf32, #tpu.memory_space<vmem>>, vector<1x16xf32>,
      %broadcast_in_dim3A_85 = arith.constant 0.000000e+00 : f32
      %broadcast_in_dim3A_86 = vector.broadcast %broadcast_in_dim3A_85 : f32 to vector<16xf32>
      %swap3A_87 = arith.index_cast %scan3A_37 : i32 to index
      %swap3A_88 = arith.constant 112 : index
      %swap3A_89 = tpu.vector_load %arg9[%swap3A_87, %swap3A_88] {strides = array<i32>} : memref<128x128xf32, #tpu.memory_space<vmem>>, vector<1x16xf32>,
      %swap3A_90 = vector.shape_cast %swap3A_89 : vector<1x16xf32> to vector<16xf32>
      %swap3A_91 = vector.shape_cast %broadcast_in_dim3A_86 : vector<16xf32> to vector<1x16xf32>
      tpu.vector_store %arg9[%swap3A_87, %swap3A_88], %swap3A_91 {strides = array<i32>} : memref<128x128xf32, #tpu.memory_space<vmem>>, vector<1x16xf32>,
    }
    %scan3A_5 = arith.constant 128 : i32
    %mul3A_6 = arith.constant 640 : i32
    %mul3A_7 = arith.muli %arg1, %mul3A_6 : i32
    %add3A_8 = arith.constant 0 : i32
    %add3A_9 = arith.addi %mul3A_7, %add3A_8 : i32
    "tpu.region"() ({
      %run_scoped3A = tpu.sem_alloc : memref<!tpu.dma_semaphore, #tpu.memory_space<semaphore_mem>>
      %dma_start3A = arith.constant 0 : i32
      %dma_start3A_37 = tpu.memref_slice %arg6[%add3A_9, %dma_start3A] : memref<10240x128xf32, #tpu.memory_space<vmem_shared>> -> memref<128x128xf32, #tpu.memory_space<vmem_shared>>
      %dma_start3A_38 = arith.constant 0 : i32
      %dma_start3A_39 = tpu.memref_slice %arg6[%add3A_9, %dma_start3A_38] : memref<10240x128xf32, #tpu.memory_space<vmem_shared>> -> memref<128x128xf32, #tpu.memory_space<vmem_shared>>
      tpu.enqueue_dma source(%arg9 : memref<128x128xf32, #tpu.memory_space<vmem>>) target(%dma_start3A_39 : memref<128x128xf32, #tpu.memory_space<vmem_shared>>) target_semaphore(%run_scoped3A : memref<!tpu.dma_semaphore, #tpu.memory_space<semaphore_mem>>)
      %dma_wait3A = arith.constant 0 : i32
      %dma_wait3A_40 = tpu.memref_slice %arg6[%add3A_9, %dma_wait3A] : memref<10240x128xf32, #tpu.memory_space<vmem_shared>> -> memref<128x128xf32, #tpu.memory_space<vmem_shared>>
      %dma_wait3A_41 = arith.constant 0 : i32
      %dma_wait3A_42 = tpu.memref_slice %arg6[%add3A_9, %dma_wait3A_41] : memref<10240x128xf32, #tpu.memory_space<vmem_shared>> -> memref<128x128xf32, #tpu.memory_space<vmem_shared>>
      tpu.wait_dma2 semaphore(%run_scoped3A : memref<!tpu.dma_semaphore, #tpu.memory_space<semaphore_mem>>) src(%arg9 : memref<128x128xf32, #tpu.memory_space<vmem>>) dst(%dma_wait3A_42 : memref<128x128xf32, #tpu.memory_space<vmem_shared>>)
      tpu.yield
    }) : () -> ()
    %mul3A_10 = arith.constant 640 : i32
    %mul3A_11 = arith.muli %arg1, %mul3A_10 : i32
    %add3A_12 = arith.constant 128 : i32
    %add3A_13 = arith.addi %mul3A_11, %add3A_12 : i32
    "tpu.region"() ({
      %run_scoped3A = tpu.sem_alloc : memref<!tpu.dma_semaphore, #tpu.memory_space<semaphore_mem>>
      %dma_start3A = arith.constant 0 : i32
      %dma_start3A_37 = tpu.memref_slice %arg6[%add3A_13, %dma_start3A] : memref<10240x128xf32, #tpu.memory_space<vmem_shared>> -> memref<128x128xf32, #tpu.memory_space<vmem_shared>>
      %dma_start3A_38 = arith.constant 0 : i32
      %dma_start3A_39 = tpu.memref_slice %arg6[%add3A_13, %dma_start3A_38] : memref<10240x128xf32, #tpu.memory_space<vmem_shared>> -> memref<128x128xf32, #tpu.memory_space<vmem_shared>>
      tpu.enqueue_dma source(%arg9 : memref<128x128xf32, #tpu.memory_space<vmem>>) target(%dma_start3A_39 : memref<128x128xf32, #tpu.memory_space<vmem_shared>>) target_semaphore(%run_scoped3A : memref<!tpu.dma_semaphore, #tpu.memory_space<semaphore_mem>>)
      %dma_wait3A = arith.constant 0 : i32
      %dma_wait3A_40 = tpu.memref_slice %arg6[%add3A_13, %dma_wait3A] : memref<10240x128xf32, #tpu.memory_space<vmem_shared>> -> memref<128x128xf32, #tpu.memory_space<vmem_shared>>
      %dma_wait3A_41 = arith.constant 0 : i32
      %dma_wait3A_42 = tpu.memref_slice %arg6[%add3A_13, %dma_wait3A_41] : memref<10240x128xf32, #tpu.memory_space<vmem_shared>> -> memref<128x128xf32, #tpu.memory_space<vmem_shared>>
      tpu.wait_dma2 semaphore(%run_scoped3A : memref<!tpu.dma_semaphore, #tpu.memory_space<semaphore_mem>>) src(%arg9 : memref<128x128xf32, #tpu.memory_space<vmem>>) dst(%dma_wait3A_42 : memref<128x128xf32, #tpu.memory_space<vmem_shared>>)
      tpu.yield
    }) : () -> ()
    %mul3A_14 = arith.constant 640 : i32
    %mul3A_15 = arith.muli %arg1, %mul3A_14 : i32
    %add3A_16 = arith.constant 256 : i32
    %add3A_17 = arith.addi %mul3A_15, %add3A_16 : i32
    "tpu.region"() ({
      %run_scoped3A = tpu.sem_alloc : memref<!tpu.dma_semaphore, #tpu.memory_space<semaphore_mem>>
      %dma_start3A = arith.constant 0 : i32
      %dma_start3A_37 = tpu.memref_slice %arg6[%add3A_17, %dma_start3A] : memref<10240x128xf32, #tpu.memory_space<vmem_shared>> -> memref<128x128xf32, #tpu.memory_space<vmem_shared>>
      %dma_start3A_38 = arith.constant 0 : i32
      %dma_start3A_39 = tpu.memref_slice %arg6[%add3A_17, %dma_start3A_38] : memref<10240x128xf32, #tpu.memory_space<vmem_shared>> -> memref<128x128xf32, #tpu.memory_space<vmem_shared>>
      tpu.enqueue_dma source(%arg9 : memref<128x128xf32, #tpu.memory_space<vmem>>) target(%dma_start3A_39 : memref<128x128xf32, #tpu.memory_space<vmem_shared>>) target_semaphore(%run_scoped3A : memref<!tpu.dma_semaphore, #tpu.memory_space<semaphore_mem>>)
      %dma_wait3A = arith.constant 0 : i32
      %dma_wait3A_40 = tpu.memref_slice %arg6[%add3A_17, %dma_wait3A] : memref<10240x128xf32, #tpu.memory_space<vmem_shared>> -> memref<128x128xf32, #tpu.memory_space<vmem_shared>>
      %dma_wait3A_41 = arith.constant 0 : i32
      %dma_wait3A_42 = tpu.memref_slice %arg6[%add3A_17, %dma_wait3A_41] : memref<10240x128xf32, #tpu.memory_space<vmem_shared>> -> memref<128x128xf32, #tpu.memory_space<vmem_shared>>
      tpu.wait_dma2 semaphore(%run_scoped3A : memref<!tpu.dma_semaphore, #tpu.memory_space<semaphore_mem>>) src(%arg9 : memref<128x128xf32, #tpu.memory_space<vmem>>) dst(%dma_wait3A_42 : memref<128x128xf32, #tpu.memory_space<vmem_shared>>)
      tpu.yield
    }) : () -> ()
    %mul3A_18 = arith.constant 640 : i32
    %mul3A_19 = arith.muli %arg1, %mul3A_18 : i32
    %add3A_20 = arith.constant 384 : i32
    %add3A_21 = arith.addi %mul3A_19, %add3A_20 : i32
    "tpu.region"() ({
      %run_scoped3A = tpu.sem_alloc : memref<!tpu.dma_semaphore, #tpu.memory_space<semaphore_mem>>
      %dma_start3A = arith.constant 0 : i32
      %dma_start3A_37 = tpu.memref_slice %arg6[%add3A_21, %dma_start3A] : memref<10240x128xf32, #tpu.memory_space<vmem_shared>> -> memref<128x128xf32, #tpu.memory_space<vmem_shared>>
      %dma_start3A_38 = arith.constant 0 : i32
      %dma_start3A_39 = tpu.memref_slice %arg6[%add3A_21, %dma_start3A_38] : memref<10240x128xf32, #tpu.memory_space<vmem_shared>> -> memref<128x128xf32, #tpu.memory_space<vmem_shared>>
      tpu.enqueue_dma source(%arg9 : memref<128x128xf32, #tpu.memory_space<vmem>>) target(%dma_start3A_39 : memref<128x128xf32, #tpu.memory_space<vmem_shared>>) target_semaphore(%run_scoped3A : memref<!tpu.dma_semaphore, #tpu.memory_space<semaphore_mem>>)
      %dma_wait3A = arith.constant 0 : i32
      %dma_wait3A_40 = tpu.memref_slice %arg6[%add3A_21, %dma_wait3A] : memref<10240x128xf32, #tpu.memory_space<vmem_shared>> -> memref<128x128xf32, #tpu.memory_space<vmem_shared>>
      %dma_wait3A_41 = arith.constant 0 : i32
      %dma_wait3A_42 = tpu.memref_slice %arg6[%add3A_21, %dma_wait3A_41] : memref<10240x128xf32, #tpu.memory_space<vmem_shared>> -> memref<128x128xf32, #tpu.memory_space<vmem_shared>>
      tpu.wait_dma2 semaphore(%run_scoped3A : memref<!tpu.dma_semaphore, #tpu.memory_space<semaphore_mem>>) src(%arg9 : memref<128x128xf32, #tpu.memory_space<vmem>>) dst(%dma_wait3A_42 : memref<128x128xf32, #tpu.memory_space<vmem_shared>>)
      tpu.yield
    }) : () -> ()
    %mul3A_22 = arith.constant 640 : i32
    %mul3A_23 = arith.muli %arg1, %mul3A_22 : i32
    %add3A_24 = arith.constant 512 : i32
    %add3A_25 = arith.addi %mul3A_23, %add3A_24 : i32
    "tpu.region"() ({
      %run_scoped3A = tpu.sem_alloc : memref<!tpu.dma_semaphore, #tpu.memory_space<semaphore_mem>>
      %dma_start3A = arith.constant 0 : i32
      %dma_start3A_37 = tpu.memref_slice %arg6[%add3A_25, %dma_start3A] : memref<10240x128xf32, #tpu.memory_space<vmem_shared>> -> memref<128x128xf32, #tpu.memory_space<vmem_shared>>
      %dma_start3A_38 = arith.constant 0 : i32
      %dma_start3A_39 = tpu.memref_slice %arg6[%add3A_25, %dma_start3A_38] : memref<10240x128xf32, #tpu.memory_space<vmem_shared>> -> memref<128x128xf32, #tpu.memory_space<vmem_shared>>
      tpu.enqueue_dma source(%arg9 : memref<128x128xf32, #tpu.memory_space<vmem>>) target(%dma_start3A_39 : memref<128x128xf32, #tpu.memory_space<vmem_shared>>) target_semaphore(%run_scoped3A : memref<!tpu.dma_semaphore, #tpu.memory_space<semaphore_mem>>)
      %dma_wait3A = arith.constant 0 : i32
      %dma_wait3A_40 = tpu.memref_slice %arg6[%add3A_25, %dma_wait3A] : memref<10240x128xf32, #tpu.memory_space<vmem_shared>> -> memref<128x128xf32, #tpu.memory_space<vmem_shared>>
      %dma_wait3A_41 = arith.constant 0 : i32
      %dma_wait3A_42 = tpu.memref_slice %arg6[%add3A_25, %dma_wait3A_41] : memref<10240x128xf32, #tpu.memory_space<vmem_shared>> -> memref<128x128xf32, #tpu.memory_space<vmem_shared>>
      tpu.wait_dma2 semaphore(%run_scoped3A : memref<!tpu.dma_semaphore, #tpu.memory_space<semaphore_mem>>) src(%arg9 : memref<128x128xf32, #tpu.memory_space<vmem>>) dst(%dma_wait3A_42 : memref<128x128xf32, #tpu.memory_space<vmem_shared>>)
      tpu.yield
    }) : () -> ()
    %barrier3A = arith.constant 0 : index
    tpu.barrier barrier_id(%barrier3A)
    %scan3A_26 = arith.constant 0 : i32
    %scan3A_27 = arith.constant 0 : i32
    %scan3A_28 = arith.constant 10 : i32
    %scan3A_29 = arith.addi %scan3A_27, %scan3A_28 : i32
    %scan3A_30 = arith.constant 1 : i32
    scf.for %scan3A_37 = %scan3A_27 to %scan3A_29 step %scan3A_30  : i32 {
      %mul3A_38 = arith.constant 8 : i32
      %mul3A_39 = arith.muli %scan3A_37, %mul3A_38 : i32
      "tpu.region"() ({
        %run_scoped3A_159 = tpu.sem_alloc : memref<!tpu.dma_semaphore, #tpu.memory_space<semaphore_mem>>
        %dma_start3A_160 = arith.constant 0 : i32
        %dma_start3A_161 = tpu.memref_slice %arg3[%add3A, %mul3A_39, %dma_start3A_160] : memref<32x80x128xi32, #tpu.memory_space<hbm>> -> memref<1x8x128xi32, #tpu.memory_space<hbm>>
        %dma_start3A_162 = tpu.memref_squeeze %dma_start3A_161 : memref<1x8x128xi32, #tpu.memory_space<hbm>> -> memref<8x128xi32, #tpu.memory_space<hbm>>
        %dma_start3A_163 = arith.constant 0 : i32
        %dma_start3A_164 = tpu.memref_slice %arg3[%add3A, %mul3A_39, %dma_start3A_163] : memref<32x80x128xi32, #tpu.memory_space<hbm>> -> memref<1x8x128xi32, #tpu.memory_space<hbm>>
        %dma_start3A_165 = tpu.memref_squeeze %dma_start3A_164 : memref<1x8x128xi32, #tpu.memory_space<hbm>> -> memref<8x128xi32, #tpu.memory_space<hbm>>
        tpu.enqueue_dma source(%dma_start3A_165 : memref<8x128xi32, #tpu.memory_space<hbm>>) target(%arg7 : memref<8x128xi32, #tpu.memory_space<vmem>>) target_semaphore(%run_scoped3A_159 : memref<!tpu.dma_semaphore, #tpu.memory_space<semaphore_mem>>)
        %dma_wait3A_166 = arith.constant 0 : i32
        %dma_wait3A_167 = tpu.memref_slice %arg3[%add3A, %mul3A_39, %dma_wait3A_166] : memref<32x80x128xi32, #tpu.memory_space<hbm>> -> memref<1x8x128xi32, #tpu.memory_space<hbm>>
        %dma_wait3A_168 = tpu.memref_squeeze %dma_wait3A_167 : memref<1x8x128xi32, #tpu.memory_space<hbm>> -> memref<8x128xi32, #tpu.memory_space<hbm>>
        %dma_wait3A_169 = arith.constant 0 : i32
        %dma_wait3A_170 = tpu.memref_slice %arg3[%add3A, %mul3A_39, %dma_wait3A_169] : memref<32x80x128xi32, #tpu.memory_space<hbm>> -> memref<1x8x128xi32, #tpu.memory_space<hbm>>
        %dma_wait3A_171 = tpu.memref_squeeze %dma_wait3A_170 : memref<1x8x128xi32, #tpu.memory_space<hbm>> -> memref<8x128xi32, #tpu.memory_space<hbm>>
        tpu.wait_dma2 semaphore(%run_scoped3A_159 : memref<!tpu.dma_semaphore, #tpu.memory_space<semaphore_mem>>) src(%dma_wait3A_171 : memref<8x128xi32, #tpu.memory_space<hbm>>) dst(%arg7 : memref<8x128xi32, #tpu.memory_space<vmem>>)
        tpu.yield
      }) : () -> ()
      %mul3A_40 = arith.constant 8 : i32
      %mul3A_41 = arith.muli %scan3A_37, %mul3A_40 : i32
      "tpu.region"() ({
        %run_scoped3A_159 = tpu.sem_alloc : memref<!tpu.dma_semaphore, #tpu.memory_space<semaphore_mem>>
        %dma_start3A_160 = arith.constant 0 : i32
        %dma_start3A_161 = tpu.memref_slice %arg4[%add3A, %mul3A_41, %dma_start3A_160] : memref<32x80x128xi32, #tpu.memory_space<hbm>> -> memref<1x8x128xi32, #tpu.memory_space<hbm>>
        %dma_start3A_162 = tpu.memref_squeeze %dma_start3A_161 : memref<1x8x128xi32, #tpu.memory_space<hbm>> -> memref<8x128xi32, #tpu.memory_space<hbm>>
        %dma_start3A_163 = arith.constant 0 : i32
        %dma_start3A_164 = tpu.memref_slice %arg4[%add3A, %mul3A_41, %dma_start3A_163] : memref<32x80x128xi32, #tpu.memory_space<hbm>> -> memref<1x8x128xi32, #tpu.memory_space<hbm>>
        %dma_start3A_165 = tpu.memref_squeeze %dma_start3A_164 : memref<1x8x128xi32, #tpu.memory_space<hbm>> -> memref<8x128xi32, #tpu.memory_space<hbm>>
        tpu.enqueue_dma source(%dma_start3A_165 : memref<8x128xi32, #tpu.memory_space<hbm>>) target(%arg8 : memref<8x128xi32, #tpu.memory_space<vmem>>) target_semaphore(%run_scoped3A_159 : memref<!tpu.dma_semaphore, #tpu.memory_space<semaphore_mem>>)
        %dma_wait3A_166 = arith.constant 0 : i32
        %dma_wait3A_167 = tpu.memref_slice %arg4[%add3A, %mul3A_41, %dma_wait3A_166] : memref<32x80x128xi32, #tpu.memory_space<hbm>> -> memref<1x8x128xi32, #tpu.memory_space<hbm>>
        %dma_wait3A_168 = tpu.memref_squeeze %dma_wait3A_167 : memref<1x8x128xi32, #tpu.memory_space<hbm>> -> memref<8x128xi32, #tpu.memory_space<hbm>>
        %dma_wait3A_169 = arith.constant 0 : i32
        %dma_wait3A_170 = tpu.memref_slice %arg4[%add3A, %mul3A_41, %dma_wait3A_169] : memref<32x80x128xi32, #tpu.memory_space<hbm>> -> memref<1x8x128xi32, #tpu.memory_space<hbm>>
        %dma_wait3A_171 = tpu.memref_squeeze %dma_wait3A_170 : memref<1x8x128xi32, #tpu.memory_space<hbm>> -> memref<8x128xi32, #tpu.memory_space<hbm>>
        tpu.wait_dma2 semaphore(%run_scoped3A_159 : memref<!tpu.dma_semaphore, #tpu.memory_space<semaphore_mem>>) src(%dma_wait3A_171 : memref<8x128xi32, #tpu.memory_space<hbm>>) dst(%arg8 : memref<8x128xi32, #tpu.memory_space<vmem>>)
        tpu.yield
      }) : () -> ()
      %dma_start3A = arith.constant 0 : i32
      %dma_start3A_42 = arith.constant 0 : i32
      %dma_start3A_43 = tpu.memref_slice %arg7[%dma_start3A, %dma_start3A_42] : memref<8x128xi32, #tpu.memory_space<vmem>> -> memref<1x128xi32, #tpu.memory_space<vmem>>
      %dma_start3A_44 = tpu.memref_squeeze %dma_start3A_43 : memref<1x128xi32, #tpu.memory_space<vmem>> -> memref<128xi32, #tpu.memory_space<vmem>>
      %dma_start3A_45 = arith.constant 0 : i32
      %dma_start3A_46 = arith.constant 0 : i32
      %dma_start3A_47 = tpu.memref_slice %arg2[%dma_start3A_45, %dma_start3A_46] : memref<10000x128xf32, #tpu.memory_space<hbm>> -> memref<10000x128xf32, #tpu.memory_space<hbm>>
      tpu.enqueue_indirect_dma source(%dma_start3A_47 : memref<10000x128xf32, #tpu.memory_space<hbm>>) target(%arg9 : memref<128x128xf32, #tpu.memory_space<vmem>>) offsets(%dma_start3A_44 : memref<128xi32, #tpu.memory_space<vmem>>) semaphore(%arg11 : memref<!tpu.dma_semaphore, #tpu.memory_space<semaphore_mem>>)
      %dma_wait3A = arith.constant 0 : i32
      %dma_wait3A_48 = arith.constant 0 : i32
      %dma_wait3A_49 = tpu.memref_slice %arg7[%dma_wait3A, %dma_wait3A_48] : memref<8x128xi32, #tpu.memory_space<vmem>> -> memref<1x128xi32, #tpu.memory_space<vmem>>
      %dma_wait3A_50 = tpu.memref_squeeze %dma_wait3A_49 : memref<1x128xi32, #tpu.memory_space<vmem>> -> memref<128xi32, #tpu.memory_space<vmem>>
      %dma_wait3A_51 = arith.constant 0 : i32
      %dma_wait3A_52 = arith.constant 0 : i32
      %dma_wait3A_53 = tpu.memref_slice %arg2[%dma_wait3A_51, %dma_wait3A_52] : memref<10000x128xf32, #tpu.memory_space<hbm>> -> memref<10000x128xf32, #tpu.memory_space<hbm>>
      tpu.wait_indirect_dma semaphore(%arg11 : memref<!tpu.dma_semaphore, #tpu.memory_space<semaphore_mem>>) src(%dma_wait3A_53 : memref<10000x128xf32, #tpu.memory_space<hbm>>) dst(%arg9 : memref<128x128xf32, #tpu.memory_space<vmem>>)
      %run_scoped3A = arith.constant 0 : i32
      "tpu.region"() ({
        %run_scoped3A_159 = tpu.sem_alloc : memref<!tpu.dma_semaphore, #tpu.memory_space<semaphore_mem>>
        %dma_start3A_160 = arith.constant 0 : i32
        %dma_start3A_161 = tpu.memref_slice %arg8[%run_scoped3A, %dma_start3A_160] : memref<8x128xi32, #tpu.memory_space<vmem>> -> memref<1x128xi32, #tpu.memory_space<vmem>>
        %dma_start3A_162 = tpu.memref_squeeze %dma_start3A_161 : memref<1x128xi32, #tpu.memory_space<vmem>> -> memref<128xi32, #tpu.memory_space<vmem>>
        %dma_start3A_163 = arith.constant 0 : i32
        %dma_start3A_164 = arith.constant 0 : i32
        %dma_start3A_165 = tpu.memref_slice %arg6[%dma_start3A_163, %dma_start3A_164] : memref<10240x128xf32, #tpu.memory_space<vmem_shared>> -> memref<10240x128xf32, #tpu.memory_space<vmem_shared>>
        tpu.enqueue_indirect_dma source(%arg9 : memref<128x128xf32, #tpu.memory_space<vmem>>) target(%dma_start3A_165 : memref<10240x128xf32, #tpu.memory_space<vmem_shared>>) offsets(%dma_start3A_162 : memref<128xi32, #tpu.memory_space<vmem>>) semaphore(%run_scoped3A_159 : memref<!tpu.dma_semaphore, #tpu.memory_space<semaphore_mem>>) {add = true}
        %dma_wait3A_166 = arith.constant 0 : i32
        %dma_wait3A_167 = tpu.memref_slice %arg8[%run_scoped3A, %dma_wait3A_166] : memref<8x128xi32, #tpu.memory_space<vmem>> -> memref<1x128xi32, #tpu.memory_space<vmem>>
        %dma_wait3A_168 = tpu.memref_squeeze %dma_wait3A_167 : memref<1x128xi32, #tpu.memory_space<vmem>> -> memref<128xi32, #tpu.memory_space<vmem>>
        %dma_wait3A_169 = arith.constant 0 : i32
        %dma_wait3A_170 = arith.constant 0 : i32
        %dma_wait3A_171 = tpu.memref_slice %arg6[%dma_wait3A_169, %dma_wait3A_170] : memref<10240x128xf32, #tpu.memory_space<vmem_shared>> -> memref<10240x128xf32, #tpu.memory_space<vmem_shared>>
        tpu.wait_indirect_dma semaphore(%run_scoped3A_159 : memref<!tpu.dma_semaphore, #tpu.memory_space<semaphore_mem>>) src(%arg9 : memref<128x128xf32, #tpu.memory_space<vmem>>) dst(%dma_wait3A_171 : memref<10240x128xf32, #tpu.memory_space<vmem_shared>>)
        tpu.yield
      }) : () -> ()
      %dma_start3A_54 = arith.constant 1 : i32
      %dma_start3A_55 = arith.constant 0 : i32
      %dma_start3A_56 = tpu.memref_slice %arg7[%dma_start3A_54, %dma_start3A_55] : memref<8x128xi32, #tpu.memory_space<vmem>> -> memref<1x128xi32, #tpu.memory_space<vmem>>
      %dma_start3A_57 = tpu.memref_squeeze %dma_start3A_56 : memref<1x128xi32, #tpu.memory_space<vmem>> -> memref<128xi32, #tpu.memory_space<vmem>>
      %dma_start3A_58 = arith.constant 0 : i32
      %dma_start3A_59 = arith.constant 0 : i32
      %dma_start3A_60 = tpu.memref_slice %arg2[%dma_start3A_58, %dma_start3A_59] : memref<10000x128xf32, #tpu.memory_space<hbm>> -> memref<10000x128xf32, #tpu.memory_space<hbm>>
      tpu.enqueue_indirect_dma source(%dma_start3A_60 : memref<10000x128xf32, #tpu.memory_space<hbm>>) target(%arg10 : memref<128x128xf32, #tpu.memory_space<vmem>>) offsets(%dma_start3A_57 : memref<128xi32, #tpu.memory_space<vmem>>) semaphore(%arg12 : memref<!tpu.dma_semaphore, #tpu.memory_space<semaphore_mem>>)
      %dma_wait3A_61 = arith.constant 1 : i32
      %dma_wait3A_62 = arith.constant 0 : i32
      %dma_wait3A_63 = tpu.memref_slice %arg7[%dma_wait3A_61, %dma_wait3A_62] : memref<8x128xi32, #tpu.memory_space<vmem>> -> memref<1x128xi32, #tpu.memory_space<vmem>>
      %dma_wait3A_64 = tpu.memref_squeeze %dma_wait3A_63 : memref<1x128xi32, #tpu.memory_space<vmem>> -> memref<128xi32, #tpu.memory_space<vmem>>
      %dma_wait3A_65 = arith.constant 0 : i32
      %dma_wait3A_66 = arith.constant 0 : i32
      %dma_wait3A_67 = tpu.memref_slice %arg2[%dma_wait3A_65, %dma_wait3A_66] : memref<10000x128xf32, #tpu.memory_space<hbm>> -> memref<10000x128xf32, #tpu.memory_space<hbm>>
      tpu.wait_indirect_dma semaphore(%arg12 : memref<!tpu.dma_semaphore, #tpu.memory_space<semaphore_mem>>) src(%dma_wait3A_67 : memref<10000x128xf32, #tpu.memory_space<hbm>>) dst(%arg10 : memref<128x128xf32, #tpu.memory_space<vmem>>)
      %run_scoped3A_68 = arith.constant 1 : i32
      "tpu.region"() ({
        %run_scoped3A_159 = tpu.sem_alloc : memref<!tpu.dma_semaphore, #tpu.memory_space<semaphore_mem>>
        %dma_start3A_160 = arith.constant 0 : i32
        %dma_start3A_161 = tpu.memref_slice %arg8[%run_scoped3A_68, %dma_start3A_160] : memref<8x128xi32, #tpu.memory_space<vmem>> -> memref<1x128xi32, #tpu.memory_space<vmem>>
        %dma_start3A_162 = tpu.memref_squeeze %dma_start3A_161 : memref<1x128xi32, #tpu.memory_space<vmem>> -> memref<128xi32, #tpu.memory_space<vmem>>
        %dma_start3A_163 = arith.constant 0 : i32
        %dma_start3A_164 = arith.constant 0 : i32
        %dma_start3A_165 = tpu.memref_slice %arg6[%dma_start3A_163, %dma_start3A_164] : memref<10240x128xf32, #tpu.memory_space<vmem_shared>> -> memref<10240x128xf32, #tpu.memory_space<vmem_shared>>
        tpu.enqueue_indirect_dma source(%arg10 : memref<128x128xf32, #tpu.memory_space<vmem>>) target(%dma_start3A_165 : memref<10240x128xf32, #tpu.memory_space<vmem_shared>>) offsets(%dma_start3A_162 : memref<128xi32, #tpu.memory_space<vmem>>) semaphore(%run_scoped3A_159 : memref<!tpu.dma_semaphore, #tpu.memory_space<semaphore_mem>>) {add = true}
        %dma_wait3A_166 = arith.constant 0 : i32
        %dma_wait3A_167 = tpu.memref_slice %arg8[%run_scoped3A_68, %dma_wait3A_166] : memref<8x128xi32, #tpu.memory_space<vmem>> -> memref<1x128xi32, #tpu.memory_space<vmem>>
        %dma_wait3A_168 = tpu.memref_squeeze %dma_wait3A_167 : memref<1x128xi32, #tpu.memory_space<vmem>> -> memref<128xi32, #tpu.memory_space<vmem>>
        %dma_wait3A_169 = arith.constant 0 : i32
        %dma_wait3A_170 = arith.constant 0 : i32
        %dma_wait3A_171 = tpu.memref_slice %arg6[%dma_wait3A_169, %dma_wait3A_170] : memref<10240x128xf32, #tpu.memory_space<vmem_shared>> -> memref<10240x128xf32, #tpu.memory_space<vmem_shared>>
        tpu.wait_indirect_dma semaphore(%run_scoped3A_159 : memref<!tpu.dma_semaphore, #tpu.memory_space<semaphore_mem>>) src(%arg10 : memref<128x128xf32, #tpu.memory_space<vmem>>) dst(%dma_wait3A_171 : memref<10240x128xf32, #tpu.memory_space<vmem_shared>>)
        tpu.yield
      }) : () -> ()
      %dma_start3A_69 = arith.constant 2 : i32
      %dma_start3A_70 = arith.constant 0 : i32
      %dma_start3A_71 = tpu.memref_slice %arg7[%dma_start3A_69, %dma_start3A_70] : memref<8x128xi32, #tpu.memory_space<vmem>> -> memref<1x128xi32, #tpu.memory_space<vmem>>
      %dma_start3A_72 = tpu.memref_squeeze %dma_start3A_71 : memref<1x128xi32, #tpu.memory_space<vmem>> -> memref<128xi32, #tpu.memory_space<vmem>>
      %dma_start3A_73 = arith.constant 0 : i32
      %dma_start3A_74 = arith.constant 0 : i32
      %dma_start3A_75 = tpu.memref_slice %arg2[%dma_start3A_73, %dma_start3A_74] : memref<10000x128xf32, #tpu.memory_space<hbm>> -> memref<10000x128xf32, #tpu.memory_space<hbm>>
      tpu.enqueue_indirect_dma source(%dma_start3A_75 : memref<10000x128xf32, #tpu.memory_space<hbm>>) target(%arg9 : memref<128x128xf32, #tpu.memory_space<vmem>>) offsets(%dma_start3A_72 : memref<128xi32, #tpu.memory_space<vmem>>) semaphore(%arg11 : memref<!tpu.dma_semaphore, #tpu.memory_space<semaphore_mem>>)
      %dma_wait3A_76 = arith.constant 2 : i32
      %dma_wait3A_77 = arith.constant 0 : i32
      %dma_wait3A_78 = tpu.memref_slice %arg7[%dma_wait3A_76, %dma_wait3A_77] : memref<8x128xi32, #tpu.memory_space<vmem>> -> memref<1x128xi32, #tpu.memory_space<vmem>>
      %dma_wait3A_79 = tpu.memref_squeeze %dma_wait3A_78 : memref<1x128xi32, #tpu.memory_space<vmem>> -> memref<128xi32, #tpu.memory_space<vmem>>
      %dma_wait3A_80 = arith.constant 0 : i32
      %dma_wait3A_81 = arith.constant 0 : i32
      %dma_wait3A_82 = tpu.memref_slice %arg2[%dma_wait3A_80, %dma_wait3A_81] : memref<10000x128xf32, #tpu.memory_space<hbm>> -> memref<10000x128xf32, #tpu.memory_space<hbm>>
      tpu.wait_indirect_dma semaphore(%arg11 : memref<!tpu.dma_semaphore, #tpu.memory_space<semaphore_mem>>) src(%dma_wait3A_82 : memref<10000x128xf32, #tpu.memory_space<hbm>>) dst(%arg9 : memref<128x128xf32, #tpu.memory_space<vmem>>)
      %run_scoped3A_83 = arith.constant 2 : i32
      "tpu.region"() ({
        %run_scoped3A_159 = tpu.sem_alloc : memref<!tpu.dma_semaphore, #tpu.memory_space<semaphore_mem>>
        %dma_start3A_160 = arith.constant 0 : i32
        %dma_start3A_161 = tpu.memref_slice %arg8[%run_scoped3A_83, %dma_start3A_160] : memref<8x128xi32, #tpu.memory_space<vmem>> -> memref<1x128xi32, #tpu.memory_space<vmem>>
        %dma_start3A_162 = tpu.memref_squeeze %dma_start3A_161 : memref<1x128xi32, #tpu.memory_space<vmem>> -> memref<128xi32, #tpu.memory_space<vmem>>
        %dma_start3A_163 = arith.constant 0 : i32
        %dma_start3A_164 = arith.constant 0 : i32
        %dma_start3A_165 = tpu.memref_slice %arg6[%dma_start3A_163, %dma_start3A_164] : memref<10240x128xf32, #tpu.memory_space<vmem_shared>> -> memref<10240x128xf32, #tpu.memory_space<vmem_shared>>
        tpu.enqueue_indirect_dma source(%arg9 : memref<128x128xf32, #tpu.memory_space<vmem>>) target(%dma_start3A_165 : memref<10240x128xf32, #tpu.memory_space<vmem_shared>>) offsets(%dma_start3A_162 : memref<128xi32, #tpu.memory_space<vmem>>) semaphore(%run_scoped3A_159 : memref<!tpu.dma_semaphore, #tpu.memory_space<semaphore_mem>>) {add = true}
        %dma_wait3A_166 = arith.constant 0 : i32
        %dma_wait3A_167 = tpu.memref_slice %arg8[%run_scoped3A_83, %dma_wait3A_166] : memref<8x128xi32, #tpu.memory_space<vmem>> -> memref<1x128xi32, #tpu.memory_space<vmem>>
        %dma_wait3A_168 = tpu.memref_squeeze %dma_wait3A_167 : memref<1x128xi32, #tpu.memory_space<vmem>> -> memref<128xi32, #tpu.memory_space<vmem>>
        %dma_wait3A_169 = arith.constant 0 : i32
        %dma_wait3A_170 = arith.constant 0 : i32
        %dma_wait3A_171 = tpu.memref_slice %arg6[%dma_wait3A_169, %dma_wait3A_170] : memref<10240x128xf32, #tpu.memory_space<vmem_shared>> -> memref<10240x128xf32, #tpu.memory_space<vmem_shared>>
        tpu.wait_indirect_dma semaphore(%run_scoped3A_159 : memref<!tpu.dma_semaphore, #tpu.memory_space<semaphore_mem>>) src(%arg9 : memref<128x128xf32, #tpu.memory_space<vmem>>) dst(%dma_wait3A_171 : memref<10240x128xf32, #tpu.memory_space<vmem_shared>>)
        tpu.yield
      }) : () -> ()
      %dma_start3A_84 = arith.constant 3 : i32
      %dma_start3A_85 = arith.constant 0 : i32
      %dma_start3A_86 = tpu.memref_slice %arg7[%dma_start3A_84, %dma_start3A_85] : memref<8x128xi32, #tpu.memory_space<vmem>> -> memref<1x128xi32, #tpu.memory_space<vmem>>
      %dma_start3A_87 = tpu.memref_squeeze %dma_start3A_86 : memref<1x128xi32, #tpu.memory_space<vmem>> -> memref<128xi32, #tpu.memory_space<vmem>>
      %dma_start3A_88 = arith.constant 0 : i32
      %dma_start3A_89 = arith.constant 0 : i32
      %dma_start3A_90 = tpu.memref_slice %arg2[%dma_start3A_88, %dma_start3A_89] : memref<10000x128xf32, #tpu.memory_space<hbm>> -> memref<10000x128xf32, #tpu.memory_space<hbm>>
      tpu.enqueue_indirect_dma source(%dma_start3A_90 : memref<10000x128xf32, #tpu.memory_space<hbm>>) target(%arg10 : memref<128x128xf32, #tpu.memory_space<vmem>>) offsets(%dma_start3A_87 : memref<128xi32, #tpu.memory_space<vmem>>) semaphore(%arg12 : memref<!tpu.dma_semaphore, #tpu.memory_space<semaphore_mem>>)
      %dma_wait3A_91 = arith.constant 3 : i32
      %dma_wait3A_92 = arith.constant 0 : i32
      %dma_wait3A_93 = tpu.memref_slice %arg7[%dma_wait3A_91, %dma_wait3A_92] : memref<8x128xi32, #tpu.memory_space<vmem>> -> memref<1x128xi32, #tpu.memory_space<vmem>>
      %dma_wait3A_94 = tpu.memref_squeeze %dma_wait3A_93 : memref<1x128xi32, #tpu.memory_space<vmem>> -> memref<128xi32, #tpu.memory_space<vmem>>
      %dma_wait3A_95 = arith.constant 0 : i32
      %dma_wait3A_96 = arith.constant 0 : i32
      %dma_wait3A_97 = tpu.memref_slice %arg2[%dma_wait3A_95, %dma_wait3A_96] : memref<10000x128xf32, #tpu.memory_space<hbm>> -> memref<10000x128xf32, #tpu.memory_space<hbm>>
      tpu.wait_indirect_dma semaphore(%arg12 : memref<!tpu.dma_semaphore, #tpu.memory_space<semaphore_mem>>) src(%dma_wait3A_97 : memref<10000x128xf32, #tpu.memory_space<hbm>>) dst(%arg10 : memref<128x128xf32, #tpu.memory_space<vmem>>)
      %run_scoped3A_98 = arith.constant 3 : i32
      "tpu.region"() ({
        %run_scoped3A_159 = tpu.sem_alloc : memref<!tpu.dma_semaphore, #tpu.memory_space<semaphore_mem>>
        %dma_start3A_160 = arith.constant 0 : i32
        %dma_start3A_161 = tpu.memref_slice %arg8[%run_scoped3A_98, %dma_start3A_160] : memref<8x128xi32, #tpu.memory_space<vmem>> -> memref<1x128xi32, #tpu.memory_space<vmem>>
        %dma_start3A_162 = tpu.memref_squeeze %dma_start3A_161 : memref<1x128xi32, #tpu.memory_space<vmem>> -> memref<128xi32, #tpu.memory_space<vmem>>
        %dma_start3A_163 = arith.constant 0 : i32
        %dma_start3A_164 = arith.constant 0 : i32
        %dma_start3A_165 = tpu.memref_slice %arg6[%dma_start3A_163, %dma_start3A_164] : memref<10240x128xf32, #tpu.memory_space<vmem_shared>> -> memref<10240x128xf32, #tpu.memory_space<vmem_shared>>
        tpu.enqueue_indirect_dma source(%arg10 : memref<128x128xf32, #tpu.memory_space<vmem>>) target(%dma_start3A_165 : memref<10240x128xf32, #tpu.memory_space<vmem_shared>>) offsets(%dma_start3A_162 : memref<128xi32, #tpu.memory_space<vmem>>) semaphore(%run_scoped3A_159 : memref<!tpu.dma_semaphore, #tpu.memory_space<semaphore_mem>>) {add = true}
        %dma_wait3A_166 = arith.constant 0 : i32
        %dma_wait3A_167 = tpu.memref_slice %arg8[%run_scoped3A_98, %dma_wait3A_166] : memref<8x128xi32, #tpu.memory_space<vmem>> -> memref<1x128xi32, #tpu.memory_space<vmem>>
        %dma_wait3A_168 = tpu.memref_squeeze %dma_wait3A_167 : memref<1x128xi32, #tpu.memory_space<vmem>> -> memref<128xi32, #tpu.memory_space<vmem>>
        %dma_wait3A_169 = arith.constant 0 : i32
        %dma_wait3A_170 = arith.constant 0 : i32
        %dma_wait3A_171 = tpu.memref_slice %arg6[%dma_wait3A_169, %dma_wait3A_170] : memref<10240x128xf32, #tpu.memory_space<vmem_shared>> -> memref<10240x128xf32, #tpu.memory_space<vmem_shared>>
        tpu.wait_indirect_dma semaphore(%run_scoped3A_159 : memref<!tpu.dma_semaphore, #tpu.memory_space<semaphore_mem>>) src(%arg10 : memref<128x128xf32, #tpu.memory_space<vmem>>) dst(%dma_wait3A_171 : memref<10240x128xf32, #tpu.memory_space<vmem_shared>>)
        tpu.yield
      }) : () -> ()
      %dma_start3A_99 = arith.constant 4 : i32
      %dma_start3A_100 = arith.constant 0 : i32
      %dma_start3A_101 = tpu.memref_slice %arg7[%dma_start3A_99, %dma_start3A_100] : memref<8x128xi32, #tpu.memory_space<vmem>> -> memref<1x128xi32, #tpu.memory_space<vmem>>
      %dma_start3A_102 = tpu.memref_squeeze %dma_start3A_101 : memref<1x128xi32, #tpu.memory_space<vmem>> -> memref<128xi32, #tpu.memory_space<vmem>>
      %dma_start3A_103 = arith.constant 0 : i32
      %dma_start3A_104 = arith.constant 0 : i32
      %dma_start3A_105 = tpu.memref_slice %arg2[%dma_start3A_103, %dma_start3A_104] : memref<10000x128xf32, #tpu.memory_space<hbm>> -> memref<10000x128xf32, #tpu.memory_space<hbm>>
      tpu.enqueue_indirect_dma source(%dma_start3A_105 : memref<10000x128xf32, #tpu.memory_space<hbm>>) target(%arg9 : memref<128x128xf32, #tpu.memory_space<vmem>>) offsets(%dma_start3A_102 : memref<128xi32, #tpu.memory_space<vmem>>) semaphore(%arg11 : memref<!tpu.dma_semaphore, #tpu.memory_space<semaphore_mem>>)
      %dma_wait3A_106 = arith.constant 4 : i32
      %dma_wait3A_107 = arith.constant 0 : i32
      %dma_wait3A_108 = tpu.memref_slice %arg7[%dma_wait3A_106, %dma_wait3A_107] : memref<8x128xi32, #tpu.memory_space<vmem>> -> memref<1x128xi32, #tpu.memory_space<vmem>>
      %dma_wait3A_109 = tpu.memref_squeeze %dma_wait3A_108 : memref<1x128xi32, #tpu.memory_space<vmem>> -> memref<128xi32, #tpu.memory_space<vmem>>
      %dma_wait3A_110 = arith.constant 0 : i32
      %dma_wait3A_111 = arith.constant 0 : i32
      %dma_wait3A_112 = tpu.memref_slice %arg2[%dma_wait3A_110, %dma_wait3A_111] : memref<10000x128xf32, #tpu.memory_space<hbm>> -> memref<10000x128xf32, #tpu.memory_space<hbm>>
      tpu.wait_indirect_dma semaphore(%arg11 : memref<!tpu.dma_semaphore, #tpu.memory_space<semaphore_mem>>) src(%dma_wait3A_112 : memref<10000x128xf32, #tpu.memory_space<hbm>>) dst(%arg9 : memref<128x128xf32, #tpu.memory_space<vmem>>)
      %run_scoped3A_113 = arith.constant 4 : i32
      "tpu.region"() ({
        %run_scoped3A_159 = tpu.sem_alloc : memref<!tpu.dma_semaphore, #tpu.memory_space<semaphore_mem>>
        %dma_start3A_160 = arith.constant 0 : i32
        %dma_start3A_161 = tpu.memref_slice %arg8[%run_scoped3A_113, %dma_start3A_160] : memref<8x128xi32, #tpu.memory_space<vmem>> -> memref<1x128xi32, #tpu.memory_space<vmem>>
        %dma_start3A_162 = tpu.memref_squeeze %dma_start3A_161 : memref<1x128xi32, #tpu.memory_space<vmem>> -> memref<128xi32, #tpu.memory_space<vmem>>
        %dma_start3A_163 = arith.constant 0 : i32
        %dma_start3A_164 = arith.constant 0 : i32
        %dma_start3A_165 = tpu.memref_slice %arg6[%dma_start3A_163, %dma_start3A_164] : memref<10240x128xf32, #tpu.memory_space<vmem_shared>> -> memref<10240x128xf32, #tpu.memory_space<vmem_shared>>
        tpu.enqueue_indirect_dma source(%arg9 : memref<128x128xf32, #tpu.memory_space<vmem>>) target(%dma_start3A_165 : memref<10240x128xf32, #tpu.memory_space<vmem_shared>>) offsets(%dma_start3A_162 : memref<128xi32, #tpu.memory_space<vmem>>) semaphore(%run_scoped3A_159 : memref<!tpu.dma_semaphore, #tpu.memory_space<semaphore_mem>>) {add = true}
        %dma_wait3A_166 = arith.constant 0 : i32
        %dma_wait3A_167 = tpu.memref_slice %arg8[%run_scoped3A_113, %dma_wait3A_166] : memref<8x128xi32, #tpu.memory_space<vmem>> -> memref<1x128xi32, #tpu.memory_space<vmem>>
        %dma_wait3A_168 = tpu.memref_squeeze %dma_wait3A_167 : memref<1x128xi32, #tpu.memory_space<vmem>> -> memref<128xi32, #tpu.memory_space<vmem>>
        %dma_wait3A_169 = arith.constant 0 : i32
        %dma_wait3A_170 = arith.constant 0 : i32
        %dma_wait3A_171 = tpu.memref_slice %arg6[%dma_wait3A_169, %dma_wait3A_170] : memref<10240x128xf32, #tpu.memory_space<vmem_shared>> -> memref<10240x128xf32, #tpu.memory_space<vmem_shared>>
        tpu.wait_indirect_dma semaphore(%run_scoped3A_159 : memref<!tpu.dma_semaphore, #tpu.memory_space<semaphore_mem>>) src(%arg9 : memref<128x128xf32, #tpu.memory_space<vmem>>) dst(%dma_wait3A_171 : memref<10240x128xf32, #tpu.memory_space<vmem_shared>>)
        tpu.yield
      }) : () -> ()
      %dma_start3A_114 = arith.constant 5 : i32
      %dma_start3A_115 = arith.constant 0 : i32
      %dma_start3A_116 = tpu.memref_slice %arg7[%dma_start3A_114, %dma_start3A_115] : memref<8x128xi32, #tpu.memory_space<vmem>> -> memref<1x128xi32, #tpu.memory_space<vmem>>
      %dma_start3A_117 = tpu.memref_squeeze %dma_start3A_116 : memref<1x128xi32, #tpu.memory_space<vmem>> -> memref<128xi32, #tpu.memory_space<vmem>>
      %dma_start3A_118 = arith.constant 0 : i32
      %dma_start3A_119 = arith.constant 0 : i32
      %dma_start3A_120 = tpu.memref_slice %arg2[%dma_start3A_118, %dma_start3A_119] : memref<10000x128xf32, #tpu.memory_space<hbm>> -> memref<10000x128xf32, #tpu.memory_space<hbm>>
      tpu.enqueue_indirect_dma source(%dma_start3A_120 : memref<10000x128xf32, #tpu.memory_space<hbm>>) target(%arg10 : memref<128x128xf32, #tpu.memory_space<vmem>>) offsets(%dma_start3A_117 : memref<128xi32, #tpu.memory_space<vmem>>) semaphore(%arg12 : memref<!tpu.dma_semaphore, #tpu.memory_space<semaphore_mem>>)
      %dma_wait3A_121 = arith.constant 5 : i32
      %dma_wait3A_122 = arith.constant 0 : i32
      %dma_wait3A_123 = tpu.memref_slice %arg7[%dma_wait3A_121, %dma_wait3A_122] : memref<8x128xi32, #tpu.memory_space<vmem>> -> memref<1x128xi32, #tpu.memory_space<vmem>>
      %dma_wait3A_124 = tpu.memref_squeeze %dma_wait3A_123 : memref<1x128xi32, #tpu.memory_space<vmem>> -> memref<128xi32, #tpu.memory_space<vmem>>
      %dma_wait3A_125 = arith.constant 0 : i32
      %dma_wait3A_126 = arith.constant 0 : i32
      %dma_wait3A_127 = tpu.memref_slice %arg2[%dma_wait3A_125, %dma_wait3A_126] : memref<10000x128xf32, #tpu.memory_space<hbm>> -> memref<10000x128xf32, #tpu.memory_space<hbm>>
      tpu.wait_indirect_dma semaphore(%arg12 : memref<!tpu.dma_semaphore, #tpu.memory_space<semaphore_mem>>) src(%dma_wait3A_127 : memref<10000x128xf32, #tpu.memory_space<hbm>>) dst(%arg10 : memref<128x128xf32, #tpu.memory_space<vmem>>)
      %run_scoped3A_128 = arith.constant 5 : i32
      "tpu.region"() ({
        %run_scoped3A_159 = tpu.sem_alloc : memref<!tpu.dma_semaphore, #tpu.memory_space<semaphore_mem>>
        %dma_start3A_160 = arith.constant 0 : i32
        %dma_start3A_161 = tpu.memref_slice %arg8[%run_scoped3A_128, %dma_start3A_160] : memref<8x128xi32, #tpu.memory_space<vmem>> -> memref<1x128xi32, #tpu.memory_space<vmem>>
        %dma_start3A_162 = tpu.memref_squeeze %dma_start3A_161 : memref<1x128xi32, #tpu.memory_space<vmem>> -> memref<128xi32, #tpu.memory_space<vmem>>
        %dma_start3A_163 = arith.constant 0 : i32
        %dma_start3A_164 = arith.constant 0 : i32
        %dma_start3A_165 = tpu.memref_slice %arg6[%dma_start3A_163, %dma_start3A_164] : memref<10240x128xf32, #tpu.memory_space<vmem_shared>> -> memref<10240x128xf32, #tpu.memory_space<vmem_shared>>
        tpu.enqueue_indirect_dma source(%arg10 : memref<128x128xf32, #tpu.memory_space<vmem>>) target(%dma_start3A_165 : memref<10240x128xf32, #tpu.memory_space<vmem_shared>>) offsets(%dma_start3A_162 : memref<128xi32, #tpu.memory_space<vmem>>) semaphore(%run_scoped3A_159 : memref<!tpu.dma_semaphore, #tpu.memory_space<semaphore_mem>>) {add = true}
        %dma_wait3A_166 = arith.constant 0 : i32
        %dma_wait3A_167 = tpu.memref_slice %arg8[%run_scoped3A_128, %dma_wait3A_166] : memref<8x128xi32, #tpu.memory_space<vmem>> -> memref<1x128xi32, #tpu.memory_space<vmem>>
        %dma_wait3A_168 = tpu.memref_squeeze %dma_wait3A_167 : memref<1x128xi32, #tpu.memory_space<vmem>> -> memref<128xi32, #tpu.memory_space<vmem>>
        %dma_wait3A_169 = arith.constant 0 : i32
        %dma_wait3A_170 = arith.constant 0 : i32
        %dma_wait3A_171 = tpu.memref_slice %arg6[%dma_wait3A_169, %dma_wait3A_170] : memref<10240x128xf32, #tpu.memory_space<vmem_shared>> -> memref<10240x128xf32, #tpu.memory_space<vmem_shared>>
        tpu.wait_indirect_dma semaphore(%run_scoped3A_159 : memref<!tpu.dma_semaphore, #tpu.memory_space<semaphore_mem>>) src(%arg10 : memref<128x128xf32, #tpu.memory_space<vmem>>) dst(%dma_wait3A_171 : memref<10240x128xf32, #tpu.memory_space<vmem_shared>>)
        tpu.yield
      }) : () -> ()
      %dma_start3A_129 = arith.constant 6 : i32
      %dma_start3A_130 = arith.constant 0 : i32
      %dma_start3A_131 = tpu.memref_slice %arg7[%dma_start3A_129, %dma_start3A_130] : memref<8x128xi32, #tpu.memory_space<vmem>> -> memref<1x128xi32, #tpu.memory_space<vmem>>
      %dma_start3A_132 = tpu.memref_squeeze %dma_start3A_131 : memref<1x128xi32, #tpu.memory_space<vmem>> -> memref<128xi32, #tpu.memory_space<vmem>>
      %dma_start3A_133 = arith.constant 0 : i32
      %dma_start3A_134 = arith.constant 0 : i32
      %dma_start3A_135 = tpu.memref_slice %arg2[%dma_start3A_133, %dma_start3A_134] : memref<10000x128xf32, #tpu.memory_space<hbm>> -> memref<10000x128xf32, #tpu.memory_space<hbm>>
      tpu.enqueue_indirect_dma source(%dma_start3A_135 : memref<10000x128xf32, #tpu.memory_space<hbm>>) target(%arg9 : memref<128x128xf32, #tpu.memory_space<vmem>>) offsets(%dma_start3A_132 : memref<128xi32, #tpu.memory_space<vmem>>) semaphore(%arg11 : memref<!tpu.dma_semaphore, #tpu.memory_space<semaphore_mem>>)
      %dma_wait3A_136 = arith.constant 6 : i32
      %dma_wait3A_137 = arith.constant 0 : i32
      %dma_wait3A_138 = tpu.memref_slice %arg7[%dma_wait3A_136, %dma_wait3A_137] : memref<8x128xi32, #tpu.memory_space<vmem>> -> memref<1x128xi32, #tpu.memory_space<vmem>>
      %dma_wait3A_139 = tpu.memref_squeeze %dma_wait3A_138 : memref<1x128xi32, #tpu.memory_space<vmem>> -> memref<128xi32, #tpu.memory_space<vmem>>
      %dma_wait3A_140 = arith.constant 0 : i32
      %dma_wait3A_141 = arith.constant 0 : i32
      %dma_wait3A_142 = tpu.memref_slice %arg2[%dma_wait3A_140, %dma_wait3A_141] : memref<10000x128xf32, #tpu.memory_space<hbm>> -> memref<10000x128xf32, #tpu.memory_space<hbm>>
      tpu.wait_indirect_dma semaphore(%arg11 : memref<!tpu.dma_semaphore, #tpu.memory_space<semaphore_mem>>) src(%dma_wait3A_142 : memref<10000x128xf32, #tpu.memory_space<hbm>>) dst(%arg9 : memref<128x128xf32, #tpu.memory_space<vmem>>)
      %run_scoped3A_143 = arith.constant 6 : i32
      "tpu.region"() ({
        %run_scoped3A_159 = tpu.sem_alloc : memref<!tpu.dma_semaphore, #tpu.memory_space<semaphore_mem>>
        %dma_start3A_160 = arith.constant 0 : i32
        %dma_start3A_161 = tpu.memref_slice %arg8[%run_scoped3A_143, %dma_start3A_160] : memref<8x128xi32, #tpu.memory_space<vmem>> -> memref<1x128xi32, #tpu.memory_space<vmem>>
        %dma_start3A_162 = tpu.memref_squeeze %dma_start3A_161 : memref<1x128xi32, #tpu.memory_space<vmem>> -> memref<128xi32, #tpu.memory_space<vmem>>
        %dma_start3A_163 = arith.constant 0 : i32
        %dma_start3A_164 = arith.constant 0 : i32
        %dma_start3A_165 = tpu.memref_slice %arg6[%dma_start3A_163, %dma_start3A_164] : memref<10240x128xf32, #tpu.memory_space<vmem_shared>> -> memref<10240x128xf32, #tpu.memory_space<vmem_shared>>
        tpu.enqueue_indirect_dma source(%arg9 : memref<128x128xf32, #tpu.memory_space<vmem>>) target(%dma_start3A_165 : memref<10240x128xf32, #tpu.memory_space<vmem_shared>>) offsets(%dma_start3A_162 : memref<128xi32, #tpu.memory_space<vmem>>) semaphore(%run_scoped3A_159 : memref<!tpu.dma_semaphore, #tpu.memory_space<semaphore_mem>>) {add = true}
        %dma_wait3A_166 = arith.constant 0 : i32
        %dma_wait3A_167 = tpu.memref_slice %arg8[%run_scoped3A_143, %dma_wait3A_166] : memref<8x128xi32, #tpu.memory_space<vmem>> -> memref<1x128xi32, #tpu.memory_space<vmem>>
        %dma_wait3A_168 = tpu.memref_squeeze %dma_wait3A_167 : memref<1x128xi32, #tpu.memory_space<vmem>> -> memref<128xi32, #tpu.memory_space<vmem>>
        %dma_wait3A_169 = arith.constant 0 : i32
        %dma_wait3A_170 = arith.constant 0 : i32
        %dma_wait3A_171 = tpu.memref_slice %arg6[%dma_wait3A_169, %dma_wait3A_170] : memref<10240x128xf32, #tpu.memory_space<vmem_shared>> -> memref<10240x128xf32, #tpu.memory_space<vmem_shared>>
        tpu.wait_indirect_dma semaphore(%run_scoped3A_159 : memref<!tpu.dma_semaphore, #tpu.memory_space<semaphore_mem>>) src(%arg9 : memref<128x128xf32, #tpu.memory_space<vmem>>) dst(%dma_wait3A_171 : memref<10240x128xf32, #tpu.memory_space<vmem_shared>>)
        tpu.yield
      }) : () -> ()
      %dma_start3A_144 = arith.constant 7 : i32
      %dma_start3A_145 = arith.constant 0 : i32
      %dma_start3A_146 = tpu.memref_slice %arg7[%dma_start3A_144, %dma_start3A_145] : memref<8x128xi32, #tpu.memory_space<vmem>> -> memref<1x128xi32, #tpu.memory_space<vmem>>
      %dma_start3A_147 = tpu.memref_squeeze %dma_start3A_146 : memref<1x128xi32, #tpu.memory_space<vmem>> -> memref<128xi32, #tpu.memory_space<vmem>>
      %dma_start3A_148 = arith.constant 0 : i32
      %dma_start3A_149 = arith.constant 0 : i32
      %dma_start3A_150 = tpu.memref_slice %arg2[%dma_start3A_148, %dma_start3A_149] : memref<10000x128xf32, #tpu.memory_space<hbm>> -> memref<10000x128xf32, #tpu.memory_space<hbm>>
      tpu.enqueue_indirect_dma source(%dma_start3A_150 : memref<10000x128xf32, #tpu.memory_space<hbm>>) target(%arg10 : memref<128x128xf32, #tpu.memory_space<vmem>>) offsets(%dma_start3A_147 : memref<128xi32, #tpu.memory_space<vmem>>) semaphore(%arg12 : memref<!tpu.dma_semaphore, #tpu.memory_space<semaphore_mem>>)
      %dma_wait3A_151 = arith.constant 7 : i32
      %dma_wait3A_152 = arith.constant 0 : i32
      %dma_wait3A_153 = tpu.memref_slice %arg7[%dma_wait3A_151, %dma_wait3A_152] : memref<8x128xi32, #tpu.memory_space<vmem>> -> memref<1x128xi32, #tpu.memory_space<vmem>>
      %dma_wait3A_154 = tpu.memref_squeeze %dma_wait3A_153 : memref<1x128xi32, #tpu.memory_space<vmem>> -> memref<128xi32, #tpu.memory_space<vmem>>
      %dma_wait3A_155 = arith.constant 0 : i32
      %dma_wait3A_156 = arith.constant 0 : i32
      %dma_wait3A_157 = tpu.memref_slice %arg2[%dma_wait3A_155, %dma_wait3A_156] : memref<10000x128xf32, #tpu.memory_space<hbm>> -> memref<10000x128xf32, #tpu.memory_space<hbm>>
      tpu.wait_indirect_dma semaphore(%arg12 : memref<!tpu.dma_semaphore, #tpu.memory_space<semaphore_mem>>) src(%dma_wait3A_157 : memref<10000x128xf32, #tpu.memory_space<hbm>>) dst(%arg10 : memref<128x128xf32, #tpu.memory_space<vmem>>)
      %run_scoped3A_158 = arith.constant 7 : i32
      "tpu.region"() ({
        %run_scoped3A_159 = tpu.sem_alloc : memref<!tpu.dma_semaphore, #tpu.memory_space<semaphore_mem>>
        %dma_start3A_160 = arith.constant 0 : i32
        %dma_start3A_161 = tpu.memref_slice %arg8[%run_scoped3A_158, %dma_start3A_160] : memref<8x128xi32, #tpu.memory_space<vmem>> -> memref<1x128xi32, #tpu.memory_space<vmem>>
        %dma_start3A_162 = tpu.memref_squeeze %dma_start3A_161 : memref<1x128xi32, #tpu.memory_space<vmem>> -> memref<128xi32, #tpu.memory_space<vmem>>
        %dma_start3A_163 = arith.constant 0 : i32
        %dma_start3A_164 = arith.constant 0 : i32
        %dma_start3A_165 = tpu.memref_slice %arg6[%dma_start3A_163, %dma_start3A_164] : memref<10240x128xf32, #tpu.memory_space<vmem_shared>> -> memref<10240x128xf32, #tpu.memory_space<vmem_shared>>
        tpu.enqueue_indirect_dma source(%arg10 : memref<128x128xf32, #tpu.memory_space<vmem>>) target(%dma_start3A_165 : memref<10240x128xf32, #tpu.memory_space<vmem_shared>>) offsets(%dma_start3A_162 : memref<128xi32, #tpu.memory_space<vmem>>) semaphore(%run_scoped3A_159 : memref<!tpu.dma_semaphore, #tpu.memory_space<semaphore_mem>>) {add = true}
        %dma_wait3A_166 = arith.constant 0 : i32
        %dma_wait3A_167 = tpu.memref_slice %arg8[%run_scoped3A_158, %dma_wait3A_166] : memref<8x128xi32, #tpu.memory_space<vmem>> -> memref<1x128xi32, #tpu.memory_space<vmem>>
        %dma_wait3A_168 = tpu.memref_squeeze %dma_wait3A_167 : memref<1x128xi32, #tpu.memory_space<vmem>> -> memref<128xi32, #tpu.memory_space<vmem>>
        %dma_wait3A_169 = arith.constant 0 : i32
        %dma_wait3A_170 = arith.constant 0 : i32
        %dma_wait3A_171 = tpu.memref_slice %arg6[%dma_wait3A_169, %dma_wait3A_170] : memref<10240x128xf32, #tpu.memory_space<vmem_shared>> -> memref<10240x128xf32, #tpu.memory_space<vmem_shared>>
        tpu.wait_indirect_dma semaphore(%run_scoped3A_159 : memref<!tpu.dma_semaphore, #tpu.memory_space<semaphore_mem>>) src(%arg10 : memref<128x128xf32, #tpu.memory_space<vmem>>) dst(%dma_wait3A_171 : memref<10240x128xf32, #tpu.memory_space<vmem_shared>>)
        tpu.yield
      }) : () -> ()
    }
    %scan3A_31 = arith.constant 10 : i32
    %barrier3A_32 = arith.constant 0 : index
    tpu.barrier barrier_id(%barrier3A_32)
    %mul3A_33 = arith.constant 640 : i32
    %mul3A_34 = arith.muli %arg1, %mul3A_33 : i32
    %mul3A_35 = arith.constant 640 : i32
    %mul3A_36 = arith.muli %arg1, %mul3A_35 : i32
    "tpu.region"() ({
      %run_scoped3A = tpu.sem_alloc : memref<!tpu.dma_semaphore, #tpu.memory_space<semaphore_mem>>
      %dma_start3A = arith.constant 0 : i32
      %dma_start3A_37 = tpu.memref_slice %arg5[%arg0, %mul3A_36, %dma_start3A] : memref<2x10240x128xf32, #tpu.memory_space<hbm>> -> memref<1x640x128xf32, #tpu.memory_space<hbm>>
      %dma_start3A_38 = tpu.memref_squeeze %dma_start3A_37 : memref<1x640x128xf32, #tpu.memory_space<hbm>> -> memref<640x128xf32, #tpu.memory_space<hbm>>
      %dma_start3A_39 = arith.constant 0 : i32
      %dma_start3A_40 = tpu.memref_slice %arg6[%mul3A_34, %dma_start3A_39] : memref<10240x128xf32, #tpu.memory_space<vmem_shared>> -> memref<640x128xf32, #tpu.memory_space<vmem_shared>>
      tpu.enqueue_dma source(%dma_start3A_40 : memref<640x128xf32, #tpu.memory_space<vmem_shared>>) target(%dma_start3A_38 : memref<640x128xf32, #tpu.memory_space<hbm>>) target_semaphore(%run_scoped3A : memref<!tpu.dma_semaphore, #tpu.memory_space<semaphore_mem>>)
      %dma_wait3A = arith.constant 0 : i32
      %dma_wait3A_41 = tpu.memref_slice %arg5[%arg0, %mul3A_36, %dma_wait3A] : memref<2x10240x128xf32, #tpu.memory_space<hbm>> -> memref<1x640x128xf32, #tpu.memory_space<hbm>>
      %dma_wait3A_42 = tpu.memref_squeeze %dma_wait3A_41 : memref<1x640x128xf32, #tpu.memory_space<hbm>> -> memref<640x128xf32, #tpu.memory_space<hbm>>
      %dma_wait3A_43 = arith.constant 0 : i32
      %dma_wait3A_44 = tpu.memref_slice %arg6[%mul3A_34, %dma_wait3A_43] : memref<10240x128xf32, #tpu.memory_space<vmem_shared>> -> memref<640x128xf32, #tpu.memory_space<vmem_shared>>
      tpu.wait_dma2 semaphore(%run_scoped3A : memref<!tpu.dma_semaphore, #tpu.memory_space<semaphore_mem>>) src(%dma_wait3A_44 : memref<640x128xf32, #tpu.memory_space<vmem_shared>>) dst(%dma_wait3A_42 : memref<640x128xf32, #tpu.memory_space<hbm>>)
      tpu.yield
    }) : () -> ()
    return
  }
}

#map = affine_map<(d0, d1) -> (0, 0)>
#map1 = affine_map<(d0, d1) -> (0, 0, 0)>
module attributes {stable_mosaic.version = 14 : i64} {
  func.func @scatter_kernel(%arg0: i32, %arg1: i32, %arg2: memref<10000x128xf32, #tpu.memory_space<hbm>>, %arg3: memref<32x80x128xi32, #tpu.memory_space<hbm>>, %arg4: memref<32x80x128xi32, #tpu.memory_space<hbm>>, %arg5: memref<2x10240x128xf32, #tpu.memory_space<hbm>>, %arg6: memref<10240x128xf32, #tpu.memory_space<vmem_shared>>, %arg7: memref<8x128xi32, #tpu.memory_space<vmem>>, %arg8: memref<8x128xi32, #tpu.memory_space<vmem>>, %arg9: memref<128x128xf32, #tpu.memory_space<vmem>>, %arg10: memref<128x128xf32, #tpu.memory_space<vmem>>, %arg11: memref<!tpu.dma_semaphore, #tpu.memory_space<semaphore_mem>>, %arg12: memref<!tpu.dma_semaphore, #tpu.memory_space<semaphore_mem>>) attributes {dimension_semantics = [#tpu.dimension_semantics<core_parallel>, #tpu.dimension_semantics<subcore_parallel>], iteration_bounds = array<i64: 2, 16>, scalar_prefetch = 0 : i64, scratch_operands = 7 : i64, tpu.core_type = #tpu.core_type<sc_vector_subcore>, window_params = [{transform_indices = #map}, {transform_indices = #map1}, {transform_indices = #map1}, {transform_indices = #map1}]} {
    %mul3A = arith.constant 16 : i32
    %mul3A_0 = arith.muli %arg0, %mul3A : i32
    %add3A = arith.addi %mul3A_0, %arg1 : i32
    %scan3A = arith.constant 0 : i32
    %scan3A_1 = arith.constant 0 : i32
    %scan3A_2 = arith.constant 128 : i32
    %scan3A_3 = arith.addi %scan3A_1, %scan3A_2 : i32
    %scan3A_4 = arith.constant 1 : i32
    scf.for %scan3A_37 = %scan3A_1 to %scan3A_3 step %scan3A_4  : i32 {
      %broadcast_in_dim3A = arith.constant 0.000000e+00 : f32
      %broadcast_in_dim3A_38 = vector.broadcast %broadcast_in_dim3A : f32 to vector<16xf32>
      %swap3A = arith.index_cast %scan3A_37 : i32 to index
      %swap3A_39 = arith.constant 0 : index
      %swap3A_40 = tpu.vector_load %arg9[%swap3A, %swap3A_39] {strides = array<i32>} : memref<128x128xf32, #tpu.memory_space<vmem>>, vector<1x16xf32>,
      %swap3A_41 = vector.shape_cast %swap3A_40 : vector<1x16xf32> to vector<16xf32>
      %swap3A_42 = vector.shape_cast %broadcast_in_dim3A_38 : vector<16xf32> to vector<1x16xf32>
      tpu.vector_store %arg9[%swap3A, %swap3A_39], %swap3A_42 {strides = array<i32>} : memref<128x128xf32, #tpu.memory_space<vmem>>, vector<1x16xf32>,
      %broadcast_in_dim3A_43 = arith.constant 0.000000e+00 : f32
      %broadcast_in_dim3A_44 = vector.broadcast %broadcast_in_dim3A_43 : f32 to vector<16xf32>
      %swap3A_45 = arith.index_cast %scan3A_37 : i32 to index
      %swap3A_46 = arith.constant 16 : index
      %swap3A_47 = tpu.vector_load %arg9[%swap3A_45, %swap3A_46] {strides = array<i32>} : memref<128x128xf32, #tpu.memory_space<vmem>>, vector<1x16xf32>,
      %swap3A_48 = vector.shape_cast %swap3A_47 : vector<1x16xf32> to vector<16xf32>
      %swap3A_49 = vector.shape_cast %broadcast_in_dim3A_44 : vector<16xf32> to vector<1x16xf32>
      tpu.vector_store %arg9[%swap3A_45, %swap3A_46], %swap3A_49 {strides = array<i32>} : memref<128x128xf32, #tpu.memory_space<vmem>>, vector<1x16xf32>,
      %broadcast_in_dim3A_50 = arith.constant 0.000000e+00 : f32
      %broadcast_in_dim3A_51 = vector.broadcast %broadcast_in_dim3A_50 : f32 to vector<16xf32>
      %swap3A_52 = arith.index_cast %scan3A_37 : i32 to index
      %swap3A_53 = arith.constant 32 : index
      %swap3A_54 = tpu.vector_load %arg9[%swap3A_52, %swap3A_53] {strides = array<i32>} : memref<128x128xf32, #tpu.memory_space<vmem>>, vector<1x16xf32>,
      %swap3A_55 = vector.shape_cast %swap3A_54 : vector<1x16xf32> to vector<16xf32>
      %swap3A_56 = vector.shape_cast %broadcast_in_dim3A_51 : vector<16xf32> to vector<1x16xf32>
      tpu.vector_store %arg9[%swap3A_52, %swap3A_53], %swap3A_56 {strides = array<i32>} : memref<128x128xf32, #tpu.memory_space<vmem>>, vector<1x16xf32>,
      %broadcast_in_dim3A_57 = arith.constant 0.000000e+00 : f32
      %broadcast_in_dim3A_58 = vector.broadcast %broadcast_in_dim3A_57 : f32 to vector<16xf32>
      %swap3A_59 = arith.index_cast %scan3A_37 : i32 to index
      %swap3A_60 = arith.constant 48 : index
      %swap3A_61 = tpu.vector_load %arg9[%swap3A_59, %swap3A_60] {strides = array<i32>} : memref<128x128xf32, #tpu.memory_space<vmem>>, vector<1x16xf32>,
      %swap3A_62 = vector.shape_cast %swap3A_61 : vector<1x16xf32> to vector<16xf32>
      %swap3A_63 = vector.shape_cast %broadcast_in_dim3A_58 : vector<16xf32> to vector<1x16xf32>
      tpu.vector_store %arg9[%swap3A_59, %swap3A_60], %swap3A_63 {strides = array<i32>} : memref<128x128xf32, #tpu.memory_space<vmem>>, vector<1x16xf32>,
      %broadcast_in_dim3A_64 = arith.constant 0.000000e+00 : f32
      %broadcast_in_dim3A_65 = vector.broadcast %broadcast_in_dim3A_64 : f32 to vector<16xf32>
      %swap3A_66 = arith.index_cast %scan3A_37 : i32 to index
      %swap3A_67 = arith.constant 64 : index
      %swap3A_68 = tpu.vector_load %arg9[%swap3A_66, %swap3A_67] {strides = array<i32>} : memref<128x128xf32, #tpu.memory_space<vmem>>, vector<1x16xf32>,
      %swap3A_69 = vector.shape_cast %swap3A_68 : vector<1x16xf32> to vector<16xf32>
      %swap3A_70 = vector.shape_cast %broadcast_in_dim3A_65 : vector<16xf32> to vector<1x16xf32>
      tpu.vector_store %arg9[%swap3A_66, %swap3A_67], %swap3A_70 {strides = array<i32>} : memref<128x128xf32, #tpu.memory_space<vmem>>, vector<1x16xf32>,
      %broadcast_in_dim3A_71 = arith.constant 0.000000e+00 : f32
      %broadcast_in_dim3A_72 = vector.broadcast %broadcast_in_dim3A_71 : f32 to vector<16xf32>
      %swap3A_73 = arith.index_cast %scan3A_37 : i32 to index
      %swap3A_74 = arith.constant 80 : index
      %swap3A_75 = tpu.vector_load %arg9[%swap3A_73, %swap3A_74] {strides = array<i32>} : memref<128x128xf32, #tpu.memory_space<vmem>>, vector<1x16xf32>,
      %swap3A_76 = vector.shape_cast %swap3A_75 : vector<1x16xf32> to vector<16xf32>
      %swap3A_77 = vector.shape_cast %broadcast_in_dim3A_72 : vector<16xf32> to vector<1x16xf32>
      tpu.vector_store %arg9[%swap3A_73, %swap3A_74], %swap3A_77 {strides = array<i32>} : memref<128x128xf32, #tpu.memory_space<vmem>>, vector<1x16xf32>,
      %broadcast_in_dim3A_78 = arith.constant 0.000000e+00 : f32
      %broadcast_in_dim3A_79 = vector.broadcast %broadcast_in_dim3A_78 : f32 to vector<16xf32>
      %swap3A_80 = arith.index_cast %scan3A_37 : i32 to index
      %swap3A_81 = arith.constant 96 : index
      %swap3A_82 = tpu.vector_load %arg9[%swap3A_80, %swap3A_81] {strides = array<i32>} : memref<128x128xf32, #tpu.memory_space<vmem>>, vector<1x16xf32>,
      %swap3A_83 = vector.shape_cast %swap3A_82 : vector<1x16xf32> to vector<16xf32>
      %swap3A_84 = vector.shape_cast %broadcast_in_dim3A_79 : vector<16xf32> to vector<1x16xf32>
      tpu.vector_store %arg9[%swap3A_80, %swap3A_81], %swap3A_84 {strides = array<i32>} : memref<128x128xf32, #tpu.memory_space<vmem>>, vector<1x16xf32>,
      %broadcast_in_dim3A_85 = arith.constant 0.000000e+00 : f32
      %broadcast_in_dim3A_86 = vector.broadcast %broadcast_in_dim3A_85 : f32 to vector<16xf32>
      %swap3A_87 = arith.index_cast %scan3A_37 : i32 to index
      %swap3A_88 = arith.constant 112 : index
      %swap3A_89 = tpu.vector_load %arg9[%swap3A_87, %swap3A_88] {strides = array<i32>} : memref<128x128xf32, #tpu.memory_space<vmem>>, vector<1x16xf32>,
      %swap3A_90 = vector.shape_cast %swap3A_89 : vector<1x16xf32> to vector<16xf32>
      %swap3A_91 = vector.shape_cast %broadcast_in_dim3A_86 : vector<16xf32> to vector<1x16xf32>
      tpu.vector_store %arg9[%swap3A_87, %swap3A_88], %swap3A_91 {strides = array<i32>} : memref<128x128xf32, #tpu.memory_space<vmem>>, vector<1x16xf32>,
    }
    %scan3A_5 = arith.constant 128 : i32
    %mul3A_6 = arith.constant 640 : i32
    %mul3A_7 = arith.muli %arg1, %mul3A_6 : i32
    %add3A_8 = arith.constant 0 : i32
    %add3A_9 = arith.addi %mul3A_7, %add3A_8 : i32
    "tpu.region"() ({
      %run_scoped3A = tpu.sem_alloc : memref<!tpu.dma_semaphore, #tpu.memory_space<semaphore_mem>>
      %dma_start3A = arith.constant 0 : i32
      %dma_start3A_37 = tpu.memref_slice %arg6[%add3A_9, %dma_start3A] : memref<10240x128xf32, #tpu.memory_space<vmem_shared>> -> memref<128x128xf32, #tpu.memory_space<vmem_shared>>
      %dma_start3A_38 = arith.constant 0 : i32
      %dma_start3A_39 = tpu.memref_slice %arg6[%add3A_9, %dma_start3A_38] : memref<10240x128xf32, #tpu.memory_space<vmem_shared>> -> memref<128x128xf32, #tpu.memory_space<vmem_shared>>
      tpu.enqueue_dma source(%arg9 : memref<128x128xf32, #tpu.memory_space<vmem>>) target(%dma_start3A_39 : memref<128x128xf32, #tpu.memory_space<vmem_shared>>) target_semaphore(%run_scoped3A : memref<!tpu.dma_semaphore, #tpu.memory_space<semaphore_mem>>)
      %dma_wait3A = arith.constant 0 : i32
      %dma_wait3A_40 = tpu.memref_slice %arg6[%add3A_9, %dma_wait3A] : memref<10240x128xf32, #tpu.memory_space<vmem_shared>> -> memref<128x128xf32, #tpu.memory_space<vmem_shared>>
      %dma_wait3A_41 = arith.constant 0 : i32
      %dma_wait3A_42 = tpu.memref_slice %arg6[%add3A_9, %dma_wait3A_41] : memref<10240x128xf32, #tpu.memory_space<vmem_shared>> -> memref<128x128xf32, #tpu.memory_space<vmem_shared>>
      tpu.wait_dma2 semaphore(%run_scoped3A : memref<!tpu.dma_semaphore, #tpu.memory_space<semaphore_mem>>) src(%arg9 : memref<128x128xf32, #tpu.memory_space<vmem>>) dst(%dma_wait3A_42 : memref<128x128xf32, #tpu.memory_space<vmem_shared>>)
      tpu.yield
    }) : () -> ()
    %mul3A_10 = arith.constant 640 : i32
    %mul3A_11 = arith.muli %arg1, %mul3A_10 : i32
    %add3A_12 = arith.constant 128 : i32
    %add3A_13 = arith.addi %mul3A_11, %add3A_12 : i32
    "tpu.region"() ({
      %run_scoped3A = tpu.sem_alloc : memref<!tpu.dma_semaphore, #tpu.memory_space<semaphore_mem>>
      %dma_start3A = arith.constant 0 : i32
      %dma_start3A_37 = tpu.memref_slice %arg6[%add3A_13, %dma_start3A] : memref<10240x128xf32, #tpu.memory_space<vmem_shared>> -> memref<128x128xf32, #tpu.memory_space<vmem_shared>>
      %dma_start3A_38 = arith.constant 0 : i32
      %dma_start3A_39 = tpu.memref_slice %arg6[%add3A_13, %dma_start3A_38] : memref<10240x128xf32, #tpu.memory_space<vmem_shared>> -> memref<128x128xf32, #tpu.memory_space<vmem_shared>>
      tpu.enqueue_dma source(%arg9 : memref<128x128xf32, #tpu.memory_space<vmem>>) target(%dma_start3A_39 : memref<128x128xf32, #tpu.memory_space<vmem_shared>>) target_semaphore(%run_scoped3A : memref<!tpu.dma_semaphore, #tpu.memory_space<semaphore_mem>>)
      %dma_wait3A = arith.constant 0 : i32
      %dma_wait3A_40 = tpu.memref_slice %arg6[%add3A_13, %dma_wait3A] : memref<10240x128xf32, #tpu.memory_space<vmem_shared>> -> memref<128x128xf32, #tpu.memory_space<vmem_shared>>
      %dma_wait3A_41 = arith.constant 0 : i32
      %dma_wait3A_42 = tpu.memref_slice %arg6[%add3A_13, %dma_wait3A_41] : memref<10240x128xf32, #tpu.memory_space<vmem_shared>> -> memref<128x128xf32, #tpu.memory_space<vmem_shared>>
      tpu.wait_dma2 semaphore(%run_scoped3A : memref<!tpu.dma_semaphore, #tpu.memory_space<semaphore_mem>>) src(%arg9 : memref<128x128xf32, #tpu.memory_space<vmem>>) dst(%dma_wait3A_42 : memref<128x128xf32, #tpu.memory_space<vmem_shared>>)
      tpu.yield
    }) : () -> ()
    %mul3A_14 = arith.constant 640 : i32
    %mul3A_15 = arith.muli %arg1, %mul3A_14 : i32
    %add3A_16 = arith.constant 256 : i32
    %add3A_17 = arith.addi %mul3A_15, %add3A_16 : i32
    "tpu.region"() ({
      %run_scoped3A = tpu.sem_alloc : memref<!tpu.dma_semaphore, #tpu.memory_space<semaphore_mem>>
      %dma_start3A = arith.constant 0 : i32
      %dma_start3A_37 = tpu.memref_slice %arg6[%add3A_17, %dma_start3A] : memref<10240x128xf32, #tpu.memory_space<vmem_shared>> -> memref<128x128xf32, #tpu.memory_space<vmem_shared>>
      %dma_start3A_38 = arith.constant 0 : i32
      %dma_start3A_39 = tpu.memref_slice %arg6[%add3A_17, %dma_start3A_38] : memref<10240x128xf32, #tpu.memory_space<vmem_shared>> -> memref<128x128xf32, #tpu.memory_space<vmem_shared>>
      tpu.enqueue_dma source(%arg9 : memref<128x128xf32, #tpu.memory_space<vmem>>) target(%dma_start3A_39 : memref<128x128xf32, #tpu.memory_space<vmem_shared>>) target_semaphore(%run_scoped3A : memref<!tpu.dma_semaphore, #tpu.memory_space<semaphore_mem>>)
      %dma_wait3A = arith.constant 0 : i32
      %dma_wait3A_40 = tpu.memref_slice %arg6[%add3A_17, %dma_wait3A] : memref<10240x128xf32, #tpu.memory_space<vmem_shared>> -> memref<128x128xf32, #tpu.memory_space<vmem_shared>>
      %dma_wait3A_41 = arith.constant 0 : i32
      %dma_wait3A_42 = tpu.memref_slice %arg6[%add3A_17, %dma_wait3A_41] : memref<10240x128xf32, #tpu.memory_space<vmem_shared>> -> memref<128x128xf32, #tpu.memory_space<vmem_shared>>
      tpu.wait_dma2 semaphore(%run_scoped3A : memref<!tpu.dma_semaphore, #tpu.memory_space<semaphore_mem>>) src(%arg9 : memref<128x128xf32, #tpu.memory_space<vmem>>) dst(%dma_wait3A_42 : memref<128x128xf32, #tpu.memory_space<vmem_shared>>)
      tpu.yield
    }) : () -> ()
    %mul3A_18 = arith.constant 640 : i32
    %mul3A_19 = arith.muli %arg1, %mul3A_18 : i32
    %add3A_20 = arith.constant 384 : i32
    %add3A_21 = arith.addi %mul3A_19, %add3A_20 : i32
    "tpu.region"() ({
      %run_scoped3A = tpu.sem_alloc : memref<!tpu.dma_semaphore, #tpu.memory_space<semaphore_mem>>
      %dma_start3A = arith.constant 0 : i32
      %dma_start3A_37 = tpu.memref_slice %arg6[%add3A_21, %dma_start3A] : memref<10240x128xf32, #tpu.memory_space<vmem_shared>> -> memref<128x128xf32, #tpu.memory_space<vmem_shared>>
      %dma_start3A_38 = arith.constant 0 : i32
      %dma_start3A_39 = tpu.memref_slice %arg6[%add3A_21, %dma_start3A_38] : memref<10240x128xf32, #tpu.memory_space<vmem_shared>> -> memref<128x128xf32, #tpu.memory_space<vmem_shared>>
      tpu.enqueue_dma source(%arg9 : memref<128x128xf32, #tpu.memory_space<vmem>>) target(%dma_start3A_39 : memref<128x128xf32, #tpu.memory_space<vmem_shared>>) target_semaphore(%run_scoped3A : memref<!tpu.dma_semaphore, #tpu.memory_space<semaphore_mem>>)
      %dma_wait3A = arith.constant 0 : i32
      %dma_wait3A_40 = tpu.memref_slice %arg6[%add3A_21, %dma_wait3A] : memref<10240x128xf32, #tpu.memory_space<vmem_shared>> -> memref<128x128xf32, #tpu.memory_space<vmem_shared>>
      %dma_wait3A_41 = arith.constant 0 : i32
      %dma_wait3A_42 = tpu.memref_slice %arg6[%add3A_21, %dma_wait3A_41] : memref<10240x128xf32, #tpu.memory_space<vmem_shared>> -> memref<128x128xf32, #tpu.memory_space<vmem_shared>>
      tpu.wait_dma2 semaphore(%run_scoped3A : memref<!tpu.dma_semaphore, #tpu.memory_space<semaphore_mem>>) src(%arg9 : memref<128x128xf32, #tpu.memory_space<vmem>>) dst(%dma_wait3A_42 : memref<128x128xf32, #tpu.memory_space<vmem_shared>>)
      tpu.yield
    }) : () -> ()
    %mul3A_22 = arith.constant 640 : i32
    %mul3A_23 = arith.muli %arg1, %mul3A_22 : i32
    %add3A_24 = arith.constant 512 : i32
    %add3A_25 = arith.addi %mul3A_23, %add3A_24 : i32
    "tpu.region"() ({
      %run_scoped3A = tpu.sem_alloc : memref<!tpu.dma_semaphore, #tpu.memory_space<semaphore_mem>>
      %dma_start3A = arith.constant 0 : i32
      %dma_start3A_37 = tpu.memref_slice %arg6[%add3A_25, %dma_start3A] : memref<10240x128xf32, #tpu.memory_space<vmem_shared>> -> memref<128x128xf32, #tpu.memory_space<vmem_shared>>
      %dma_start3A_38 = arith.constant 0 : i32
      %dma_start3A_39 = tpu.memref_slice %arg6[%add3A_25, %dma_start3A_38] : memref<10240x128xf32, #tpu.memory_space<vmem_shared>> -> memref<128x128xf32, #tpu.memory_space<vmem_shared>>
      tpu.enqueue_dma source(%arg9 : memref<128x128xf32, #tpu.memory_space<vmem>>) target(%dma_start3A_39 : memref<128x128xf32, #tpu.memory_space<vmem_shared>>) target_semaphore(%run_scoped3A : memref<!tpu.dma_semaphore, #tpu.memory_space<semaphore_mem>>)
      %dma_wait3A = arith.constant 0 : i32
      %dma_wait3A_40 = tpu.memref_slice %arg6[%add3A_25, %dma_wait3A] : memref<10240x128xf32, #tpu.memory_space<vmem_shared>> -> memref<128x128xf32, #tpu.memory_space<vmem_shared>>
      %dma_wait3A_41 = arith.constant 0 : i32
      %dma_wait3A_42 = tpu.memref_slice %arg6[%add3A_25, %dma_wait3A_41] : memref<10240x128xf32, #tpu.memory_space<vmem_shared>> -> memref<128x128xf32, #tpu.memory_space<vmem_shared>>
      tpu.wait_dma2 semaphore(%run_scoped3A : memref<!tpu.dma_semaphore, #tpu.memory_space<semaphore_mem>>) src(%arg9 : memref<128x128xf32, #tpu.memory_space<vmem>>) dst(%dma_wait3A_42 : memref<128x128xf32, #tpu.memory_space<vmem_shared>>)
      tpu.yield
    }) : () -> ()
    %barrier3A = arith.constant 0 : index
    tpu.barrier barrier_id(%barrier3A)
    %scan3A_26 = arith.constant 0 : i32
    %scan3A_27 = arith.constant 0 : i32
    %scan3A_28 = arith.constant 10 : i32
    %scan3A_29 = arith.addi %scan3A_27, %scan3A_28 : i32
    %scan3A_30 = arith.constant 1 : i32
    scf.for %scan3A_37 = %scan3A_27 to %scan3A_29 step %scan3A_30  : i32 {
      %mul3A_38 = arith.constant 8 : i32
      %mul3A_39 = arith.muli %scan3A_37, %mul3A_38 : i32
      "tpu.region"() ({
        %run_scoped3A_159 = tpu.sem_alloc : memref<!tpu.dma_semaphore, #tpu.memory_space<semaphore_mem>>
        %dma_start3A_160 = arith.constant 0 : i32
        %dma_start3A_161 = tpu.memref_slice %arg3[%add3A, %mul3A_39, %dma_start3A_160] : memref<32x80x128xi32, #tpu.memory_space<hbm>> -> memref<1x8x128xi32, #tpu.memory_space<hbm>>
        %dma_start3A_162 = tpu.memref_squeeze %dma_start3A_161 : memref<1x8x128xi32, #tpu.memory_space<hbm>> -> memref<8x128xi32, #tpu.memory_space<hbm>>
        %dma_start3A_163 = arith.constant 0 : i32
        %dma_start3A_164 = tpu.memref_slice %arg3[%add3A, %mul3A_39, %dma_start3A_163] : memref<32x80x128xi32, #tpu.memory_space<hbm>> -> memref<1x8x128xi32, #tpu.memory_space<hbm>>
        %dma_start3A_165 = tpu.memref_squeeze %dma_start3A_164 : memref<1x8x128xi32, #tpu.memory_space<hbm>> -> memref<8x128xi32, #tpu.memory_space<hbm>>
        tpu.enqueue_dma source(%dma_start3A_165 : memref<8x128xi32, #tpu.memory_space<hbm>>) target(%arg7 : memref<8x128xi32, #tpu.memory_space<vmem>>) target_semaphore(%run_scoped3A_159 : memref<!tpu.dma_semaphore, #tpu.memory_space<semaphore_mem>>)
        %dma_wait3A_166 = arith.constant 0 : i32
        %dma_wait3A_167 = tpu.memref_slice %arg3[%add3A, %mul3A_39, %dma_wait3A_166] : memref<32x80x128xi32, #tpu.memory_space<hbm>> -> memref<1x8x128xi32, #tpu.memory_space<hbm>>
        %dma_wait3A_168 = tpu.memref_squeeze %dma_wait3A_167 : memref<1x8x128xi32, #tpu.memory_space<hbm>> -> memref<8x128xi32, #tpu.memory_space<hbm>>
        %dma_wait3A_169 = arith.constant 0 : i32
        %dma_wait3A_170 = tpu.memref_slice %arg3[%add3A, %mul3A_39, %dma_wait3A_169] : memref<32x80x128xi32, #tpu.memory_space<hbm>> -> memref<1x8x128xi32, #tpu.memory_space<hbm>>
        %dma_wait3A_171 = tpu.memref_squeeze %dma_wait3A_170 : memref<1x8x128xi32, #tpu.memory_space<hbm>> -> memref<8x128xi32, #tpu.memory_space<hbm>>
        tpu.wait_dma2 semaphore(%run_scoped3A_159 : memref<!tpu.dma_semaphore, #tpu.memory_space<semaphore_mem>>) src(%dma_wait3A_171 : memref<8x128xi32, #tpu.memory_space<hbm>>) dst(%arg7 : memref<8x128xi32, #tpu.memory_space<vmem>>)
        tpu.yield
      }) : () -> ()
      %mul3A_40 = arith.constant 8 : i32
      %mul3A_41 = arith.muli %scan3A_37, %mul3A_40 : i32
      "tpu.region"() ({
        %run_scoped3A_159 = tpu.sem_alloc : memref<!tpu.dma_semaphore, #tpu.memory_space<semaphore_mem>>
        %dma_start3A_160 = arith.constant 0 : i32
        %dma_start3A_161 = tpu.memref_slice %arg4[%add3A, %mul3A_41, %dma_start3A_160] : memref<32x80x128xi32, #tpu.memory_space<hbm>> -> memref<1x8x128xi32, #tpu.memory_space<hbm>>
        %dma_start3A_162 = tpu.memref_squeeze %dma_start3A_161 : memref<1x8x128xi32, #tpu.memory_space<hbm>> -> memref<8x128xi32, #tpu.memory_space<hbm>>
        %dma_start3A_163 = arith.constant 0 : i32
        %dma_start3A_164 = tpu.memref_slice %arg4[%add3A, %mul3A_41, %dma_start3A_163] : memref<32x80x128xi32, #tpu.memory_space<hbm>> -> memref<1x8x128xi32, #tpu.memory_space<hbm>>
        %dma_start3A_165 = tpu.memref_squeeze %dma_start3A_164 : memref<1x8x128xi32, #tpu.memory_space<hbm>> -> memref<8x128xi32, #tpu.memory_space<hbm>>
        tpu.enqueue_dma source(%dma_start3A_165 : memref<8x128xi32, #tpu.memory_space<hbm>>) target(%arg8 : memref<8x128xi32, #tpu.memory_space<vmem>>) target_semaphore(%run_scoped3A_159 : memref<!tpu.dma_semaphore, #tpu.memory_space<semaphore_mem>>)
        %dma_wait3A_166 = arith.constant 0 : i32
        %dma_wait3A_167 = tpu.memref_slice %arg4[%add3A, %mul3A_41, %dma_wait3A_166] : memref<32x80x128xi32, #tpu.memory_space<hbm>> -> memref<1x8x128xi32, #tpu.memory_space<hbm>>
        %dma_wait3A_168 = tpu.memref_squeeze %dma_wait3A_167 : memref<1x8x128xi32, #tpu.memory_space<hbm>> -> memref<8x128xi32, #tpu.memory_space<hbm>>
        %dma_wait3A_169 = arith.constant 0 : i32
        %dma_wait3A_170 = tpu.memref_slice %arg4[%add3A, %mul3A_41, %dma_wait3A_169] : memref<32x80x128xi32, #tpu.memory_space<hbm>> -> memref<1x8x128xi32, #tpu.memory_space<hbm>>
        %dma_wait3A_171 = tpu.memref_squeeze %dma_wait3A_170 : memref<1x8x128xi32, #tpu.memory_space<hbm>> -> memref<8x128xi32, #tpu.memory_space<hbm>>
        tpu.wait_dma2 semaphore(%run_scoped3A_159 : memref<!tpu.dma_semaphore, #tpu.memory_space<semaphore_mem>>) src(%dma_wait3A_171 : memref<8x128xi32, #tpu.memory_space<hbm>>) dst(%arg8 : memref<8x128xi32, #tpu.memory_space<vmem>>)
        tpu.yield
      }) : () -> ()
      %dma_start3A = arith.constant 0 : i32
      %dma_start3A_42 = arith.constant 0 : i32
      %dma_start3A_43 = tpu.memref_slice %arg7[%dma_start3A, %dma_start3A_42] : memref<8x128xi32, #tpu.memory_space<vmem>> -> memref<1x128xi32, #tpu.memory_space<vmem>>
      %dma_start3A_44 = tpu.memref_squeeze %dma_start3A_43 : memref<1x128xi32, #tpu.memory_space<vmem>> -> memref<128xi32, #tpu.memory_space<vmem>>
      %dma_start3A_45 = arith.constant 0 : i32
      %dma_start3A_46 = arith.constant 0 : i32
      %dma_start3A_47 = tpu.memref_slice %arg2[%dma_start3A_45, %dma_start3A_46] : memref<10000x128xf32, #tpu.memory_space<hbm>> -> memref<10000x128xf32, #tpu.memory_space<hbm>>
      tpu.enqueue_indirect_dma source(%dma_start3A_47 : memref<10000x128xf32, #tpu.memory_space<hbm>>) target(%arg9 : memref<128x128xf32, #tpu.memory_space<vmem>>) offsets(%dma_start3A_44 : memref<128xi32, #tpu.memory_space<vmem>>) semaphore(%arg11 : memref<!tpu.dma_semaphore, #tpu.memory_space<semaphore_mem>>)
      %dma_wait3A = arith.constant 0 : i32
      %dma_wait3A_48 = arith.constant 0 : i32
      %dma_wait3A_49 = tpu.memref_slice %arg7[%dma_wait3A, %dma_wait3A_48] : memref<8x128xi32, #tpu.memory_space<vmem>> -> memref<1x128xi32, #tpu.memory_space<vmem>>
      %dma_wait3A_50 = tpu.memref_squeeze %dma_wait3A_49 : memref<1x128xi32, #tpu.memory_space<vmem>> -> memref<128xi32, #tpu.memory_space<vmem>>
      %dma_wait3A_51 = arith.constant 0 : i32
      %dma_wait3A_52 = arith.constant 0 : i32
      %dma_wait3A_53 = tpu.memref_slice %arg2[%dma_wait3A_51, %dma_wait3A_52] : memref<10000x128xf32, #tpu.memory_space<hbm>> -> memref<10000x128xf32, #tpu.memory_space<hbm>>
      tpu.wait_indirect_dma semaphore(%arg11 : memref<!tpu.dma_semaphore, #tpu.memory_space<semaphore_mem>>) src(%dma_wait3A_53 : memref<10000x128xf32, #tpu.memory_space<hbm>>) dst(%arg9 : memref<128x128xf32, #tpu.memory_space<vmem>>)
      %run_scoped3A = arith.constant 0 : i32
      "tpu.region"() ({
        %run_scoped3A_159 = tpu.sem_alloc : memref<!tpu.dma_semaphore, #tpu.memory_space<semaphore_mem>>
        %dma_start3A_160 = arith.constant 0 : i32
        %dma_start3A_161 = tpu.memref_slice %arg8[%run_scoped3A, %dma_start3A_160] : memref<8x128xi32, #tpu.memory_space<vmem>> -> memref<1x128xi32, #tpu.memory_space<vmem>>
        %dma_start3A_162 = tpu.memref_squeeze %dma_start3A_161 : memref<1x128xi32, #tpu.memory_space<vmem>> -> memref<128xi32, #tpu.memory_space<vmem>>
        %dma_start3A_163 = arith.constant 0 : i32
        %dma_start3A_164 = arith.constant 0 : i32
        %dma_start3A_165 = tpu.memref_slice %arg6[%dma_start3A_163, %dma_start3A_164] : memref<10240x128xf32, #tpu.memory_space<vmem_shared>> -> memref<10240x128xf32, #tpu.memory_space<vmem_shared>>
        tpu.enqueue_indirect_dma source(%arg9 : memref<128x128xf32, #tpu.memory_space<vmem>>) target(%dma_start3A_165 : memref<10240x128xf32, #tpu.memory_space<vmem_shared>>) offsets(%dma_start3A_162 : memref<128xi32, #tpu.memory_space<vmem>>) semaphore(%run_scoped3A_159 : memref<!tpu.dma_semaphore, #tpu.memory_space<semaphore_mem>>) {add = true}
        %dma_wait3A_166 = arith.constant 0 : i32
        %dma_wait3A_167 = tpu.memref_slice %arg8[%run_scoped3A, %dma_wait3A_166] : memref<8x128xi32, #tpu.memory_space<vmem>> -> memref<1x128xi32, #tpu.memory_space<vmem>>
        %dma_wait3A_168 = tpu.memref_squeeze %dma_wait3A_167 : memref<1x128xi32, #tpu.memory_space<vmem>> -> memref<128xi32, #tpu.memory_space<vmem>>
        %dma_wait3A_169 = arith.constant 0 : i32
        %dma_wait3A_170 = arith.constant 0 : i32
        %dma_wait3A_171 = tpu.memref_slice %arg6[%dma_wait3A_169, %dma_wait3A_170] : memref<10240x128xf32, #tpu.memory_space<vmem_shared>> -> memref<10240x128xf32, #tpu.memory_space<vmem_shared>>
        tpu.wait_indirect_dma semaphore(%run_scoped3A_159 : memref<!tpu.dma_semaphore, #tpu.memory_space<semaphore_mem>>) src(%arg9 : memref<128x128xf32, #tpu.memory_space<vmem>>) dst(%dma_wait3A_171 : memref<10240x128xf32, #tpu.memory_space<vmem_shared>>)
        tpu.yield
      }) : () -> ()
      %dma_start3A_54 = arith.constant 1 : i32
      %dma_start3A_55 = arith.constant 0 : i32
      %dma_start3A_56 = tpu.memref_slice %arg7[%dma_start3A_54, %dma_start3A_55] : memref<8x128xi32, #tpu.memory_space<vmem>> -> memref<1x128xi32, #tpu.memory_space<vmem>>
      %dma_start3A_57 = tpu.memref_squeeze %dma_start3A_56 : memref<1x128xi32, #tpu.memory_space<vmem>> -> memref<128xi32, #tpu.memory_space<vmem>>
      %dma_start3A_58 = arith.constant 0 : i32
      %dma_start3A_59 = arith.constant 0 : i32
      %dma_start3A_60 = tpu.memref_slice %arg2[%dma_start3A_58, %dma_start3A_59] : memref<10000x128xf32, #tpu.memory_space<hbm>> -> memref<10000x128xf32, #tpu.memory_space<hbm>>
      tpu.enqueue_indirect_dma source(%dma_start3A_60 : memref<10000x128xf32, #tpu.memory_space<hbm>>) target(%arg10 : memref<128x128xf32, #tpu.memory_space<vmem>>) offsets(%dma_start3A_57 : memref<128xi32, #tpu.memory_space<vmem>>) semaphore(%arg12 : memref<!tpu.dma_semaphore, #tpu.memory_space<semaphore_mem>>)
      %dma_wait3A_61 = arith.constant 1 : i32
      %dma_wait3A_62 = arith.constant 0 : i32
      %dma_wait3A_63 = tpu.memref_slice %arg7[%dma_wait3A_61, %dma_wait3A_62] : memref<8x128xi32, #tpu.memory_space<vmem>> -> memref<1x128xi32, #tpu.memory_space<vmem>>
      %dma_wait3A_64 = tpu.memref_squeeze %dma_wait3A_63 : memref<1x128xi32, #tpu.memory_space<vmem>> -> memref<128xi32, #tpu.memory_space<vmem>>
      %dma_wait3A_65 = arith.constant 0 : i32
      %dma_wait3A_66 = arith.constant 0 : i32
      %dma_wait3A_67 = tpu.memref_slice %arg2[%dma_wait3A_65, %dma_wait3A_66] : memref<10000x128xf32, #tpu.memory_space<hbm>> -> memref<10000x128xf32, #tpu.memory_space<hbm>>
      tpu.wait_indirect_dma semaphore(%arg12 : memref<!tpu.dma_semaphore, #tpu.memory_space<semaphore_mem>>) src(%dma_wait3A_67 : memref<10000x128xf32, #tpu.memory_space<hbm>>) dst(%arg10 : memref<128x128xf32, #tpu.memory_space<vmem>>)
      %run_scoped3A_68 = arith.constant 1 : i32
      "tpu.region"() ({
        %run_scoped3A_159 = tpu.sem_alloc : memref<!tpu.dma_semaphore, #tpu.memory_space<semaphore_mem>>
        %dma_start3A_160 = arith.constant 0 : i32
        %dma_start3A_161 = tpu.memref_slice %arg8[%run_scoped3A_68, %dma_start3A_160] : memref<8x128xi32, #tpu.memory_space<vmem>> -> memref<1x128xi32, #tpu.memory_space<vmem>>
        %dma_start3A_162 = tpu.memref_squeeze %dma_start3A_161 : memref<1x128xi32, #tpu.memory_space<vmem>> -> memref<128xi32, #tpu.memory_space<vmem>>
        %dma_start3A_163 = arith.constant 0 : i32
        %dma_start3A_164 = arith.constant 0 : i32
        %dma_start3A_165 = tpu.memref_slice %arg6[%dma_start3A_163, %dma_start3A_164] : memref<10240x128xf32, #tpu.memory_space<vmem_shared>> -> memref<10240x128xf32, #tpu.memory_space<vmem_shared>>
        tpu.enqueue_indirect_dma source(%arg10 : memref<128x128xf32, #tpu.memory_space<vmem>>) target(%dma_start3A_165 : memref<10240x128xf32, #tpu.memory_space<vmem_shared>>) offsets(%dma_start3A_162 : memref<128xi32, #tpu.memory_space<vmem>>) semaphore(%run_scoped3A_159 : memref<!tpu.dma_semaphore, #tpu.memory_space<semaphore_mem>>) {add = true}
        %dma_wait3A_166 = arith.constant 0 : i32
        %dma_wait3A_167 = tpu.memref_slice %arg8[%run_scoped3A_68, %dma_wait3A_166] : memref<8x128xi32, #tpu.memory_space<vmem>> -> memref<1x128xi32, #tpu.memory_space<vmem>>
        %dma_wait3A_168 = tpu.memref_squeeze %dma_wait3A_167 : memref<1x128xi32, #tpu.memory_space<vmem>> -> memref<128xi32, #tpu.memory_space<vmem>>
        %dma_wait3A_169 = arith.constant 0 : i32
        %dma_wait3A_170 = arith.constant 0 : i32
        %dma_wait3A_171 = tpu.memref_slice %arg6[%dma_wait3A_169, %dma_wait3A_170] : memref<10240x128xf32, #tpu.memory_space<vmem_shared>> -> memref<10240x128xf32, #tpu.memory_space<vmem_shared>>
        tpu.wait_indirect_dma semaphore(%run_scoped3A_159 : memref<!tpu.dma_semaphore, #tpu.memory_space<semaphore_mem>>) src(%arg10 : memref<128x128xf32, #tpu.memory_space<vmem>>) dst(%dma_wait3A_171 : memref<10240x128xf32, #tpu.memory_space<vmem_shared>>)
        tpu.yield
      }) : () -> ()
      %dma_start3A_69 = arith.constant 2 : i32
      %dma_start3A_70 = arith.constant 0 : i32
      %dma_start3A_71 = tpu.memref_slice %arg7[%dma_start3A_69, %dma_start3A_70] : memref<8x128xi32, #tpu.memory_space<vmem>> -> memref<1x128xi32, #tpu.memory_space<vmem>>
      %dma_start3A_72 = tpu.memref_squeeze %dma_start3A_71 : memref<1x128xi32, #tpu.memory_space<vmem>> -> memref<128xi32, #tpu.memory_space<vmem>>
      %dma_start3A_73 = arith.constant 0 : i32
      %dma_start3A_74 = arith.constant 0 : i32
      %dma_start3A_75 = tpu.memref_slice %arg2[%dma_start3A_73, %dma_start3A_74] : memref<10000x128xf32, #tpu.memory_space<hbm>> -> memref<10000x128xf32, #tpu.memory_space<hbm>>
      tpu.enqueue_indirect_dma source(%dma_start3A_75 : memref<10000x128xf32, #tpu.memory_space<hbm>>) target(%arg9 : memref<128x128xf32, #tpu.memory_space<vmem>>) offsets(%dma_start3A_72 : memref<128xi32, #tpu.memory_space<vmem>>) semaphore(%arg11 : memref<!tpu.dma_semaphore, #tpu.memory_space<semaphore_mem>>)
      %dma_wait3A_76 = arith.constant 2 : i32
      %dma_wait3A_77 = arith.constant 0 : i32
      %dma_wait3A_78 = tpu.memref_slice %arg7[%dma_wait3A_76, %dma_wait3A_77] : memref<8x128xi32, #tpu.memory_space<vmem>> -> memref<1x128xi32, #tpu.memory_space<vmem>>
      %dma_wait3A_79 = tpu.memref_squeeze %dma_wait3A_78 : memref<1x128xi32, #tpu.memory_space<vmem>> -> memref<128xi32, #tpu.memory_space<vmem>>
      %dma_wait3A_80 = arith.constant 0 : i32
      %dma_wait3A_81 = arith.constant 0 : i32
      %dma_wait3A_82 = tpu.memref_slice %arg2[%dma_wait3A_80, %dma_wait3A_81] : memref<10000x128xf32, #tpu.memory_space<hbm>> -> memref<10000x128xf32, #tpu.memory_space<hbm>>
      tpu.wait_indirect_dma semaphore(%arg11 : memref<!tpu.dma_semaphore, #tpu.memory_space<semaphore_mem>>) src(%dma_wait3A_82 : memref<10000x128xf32, #tpu.memory_space<hbm>>) dst(%arg9 : memref<128x128xf32, #tpu.memory_space<vmem>>)
      %run_scoped3A_83 = arith.constant 2 : i32
      "tpu.region"() ({
        %run_scoped3A_159 = tpu.sem_alloc : memref<!tpu.dma_semaphore, #tpu.memory_space<semaphore_mem>>
        %dma_start3A_160 = arith.constant 0 : i32
        %dma_start3A_161 = tpu.memref_slice %arg8[%run_scoped3A_83, %dma_start3A_160] : memref<8x128xi32, #tpu.memory_space<vmem>> -> memref<1x128xi32, #tpu.memory_space<vmem>>
        %dma_start3A_162 = tpu.memref_squeeze %dma_start3A_161 : memref<1x128xi32, #tpu.memory_space<vmem>> -> memref<128xi32, #tpu.memory_space<vmem>>
        %dma_start3A_163 = arith.constant 0 : i32
        %dma_start3A_164 = arith.constant 0 : i32
        %dma_start3A_165 = tpu.memref_slice %arg6[%dma_start3A_163, %dma_start3A_164] : memref<10240x128xf32, #tpu.memory_space<vmem_shared>> -> memref<10240x128xf32, #tpu.memory_space<vmem_shared>>
        tpu.enqueue_indirect_dma source(%arg9 : memref<128x128xf32, #tpu.memory_space<vmem>>) target(%dma_start3A_165 : memref<10240x128xf32, #tpu.memory_space<vmem_shared>>) offsets(%dma_start3A_162 : memref<128xi32, #tpu.memory_space<vmem>>) semaphore(%run_scoped3A_159 : memref<!tpu.dma_semaphore, #tpu.memory_space<semaphore_mem>>) {add = true}
        %dma_wait3A_166 = arith.constant 0 : i32
        %dma_wait3A_167 = tpu.memref_slice %arg8[%run_scoped3A_83, %dma_wait3A_166] : memref<8x128xi32, #tpu.memory_space<vmem>> -> memref<1x128xi32, #tpu.memory_space<vmem>>
        %dma_wait3A_168 = tpu.memref_squeeze %dma_wait3A_167 : memref<1x128xi32, #tpu.memory_space<vmem>> -> memref<128xi32, #tpu.memory_space<vmem>>
        %dma_wait3A_169 = arith.constant 0 : i32
        %dma_wait3A_170 = arith.constant 0 : i32
        %dma_wait3A_171 = tpu.memref_slice %arg6[%dma_wait3A_169, %dma_wait3A_170] : memref<10240x128xf32, #tpu.memory_space<vmem_shared>> -> memref<10240x128xf32, #tpu.memory_space<vmem_shared>>
        tpu.wait_indirect_dma semaphore(%run_scoped3A_159 : memref<!tpu.dma_semaphore, #tpu.memory_space<semaphore_mem>>) src(%arg9 : memref<128x128xf32, #tpu.memory_space<vmem>>) dst(%dma_wait3A_171 : memref<10240x128xf32, #tpu.memory_space<vmem_shared>>)
        tpu.yield
      }) : () -> ()
      %dma_start3A_84 = arith.constant 3 : i32
      %dma_start3A_85 = arith.constant 0 : i32
      %dma_start3A_86 = tpu.memref_slice %arg7[%dma_start3A_84, %dma_start3A_85] : memref<8x128xi32, #tpu.memory_space<vmem>> -> memref<1x128xi32, #tpu.memory_space<vmem>>
      %dma_start3A_87 = tpu.memref_squeeze %dma_start3A_86 : memref<1x128xi32, #tpu.memory_space<vmem>> -> memref<128xi32, #tpu.memory_space<vmem>>
      %dma_start3A_88 = arith.constant 0 : i32
      %dma_start3A_89 = arith.constant 0 : i32
      %dma_start3A_90 = tpu.memref_slice %arg2[%dma_start3A_88, %dma_start3A_89] : memref<10000x128xf32, #tpu.memory_space<hbm>> -> memref<10000x128xf32, #tpu.memory_space<hbm>>
      tpu.enqueue_indirect_dma source(%dma_start3A_90 : memref<10000x128xf32, #tpu.memory_space<hbm>>) target(%arg10 : memref<128x128xf32, #tpu.memory_space<vmem>>) offsets(%dma_start3A_87 : memref<128xi32, #tpu.memory_space<vmem>>) semaphore(%arg12 : memref<!tpu.dma_semaphore, #tpu.memory_space<semaphore_mem>>)
      %dma_wait3A_91 = arith.constant 3 : i32
      %dma_wait3A_92 = arith.constant 0 : i32
      %dma_wait3A_93 = tpu.memref_slice %arg7[%dma_wait3A_91, %dma_wait3A_92] : memref<8x128xi32, #tpu.memory_space<vmem>> -> memref<1x128xi32, #tpu.memory_space<vmem>>
      %dma_wait3A_94 = tpu.memref_squeeze %dma_wait3A_93 : memref<1x128xi32, #tpu.memory_space<vmem>> -> memref<128xi32, #tpu.memory_space<vmem>>
      %dma_wait3A_95 = arith.constant 0 : i32
      %dma_wait3A_96 = arith.constant 0 : i32
      %dma_wait3A_97 = tpu.memref_slice %arg2[%dma_wait3A_95, %dma_wait3A_96] : memref<10000x128xf32, #tpu.memory_space<hbm>> -> memref<10000x128xf32, #tpu.memory_space<hbm>>
      tpu.wait_indirect_dma semaphore(%arg12 : memref<!tpu.dma_semaphore, #tpu.memory_space<semaphore_mem>>) src(%dma_wait3A_97 : memref<10000x128xf32, #tpu.memory_space<hbm>>) dst(%arg10 : memref<128x128xf32, #tpu.memory_space<vmem>>)
      %run_scoped3A_98 = arith.constant 3 : i32
      "tpu.region"() ({
        %run_scoped3A_159 = tpu.sem_alloc : memref<!tpu.dma_semaphore, #tpu.memory_space<semaphore_mem>>
        %dma_start3A_160 = arith.constant 0 : i32
        %dma_start3A_161 = tpu.memref_slice %arg8[%run_scoped3A_98, %dma_start3A_160] : memref<8x128xi32, #tpu.memory_space<vmem>> -> memref<1x128xi32, #tpu.memory_space<vmem>>
        %dma_start3A_162 = tpu.memref_squeeze %dma_start3A_161 : memref<1x128xi32, #tpu.memory_space<vmem>> -> memref<128xi32, #tpu.memory_space<vmem>>
        %dma_start3A_163 = arith.constant 0 : i32
        %dma_start3A_164 = arith.constant 0 : i32
        %dma_start3A_165 = tpu.memref_slice %arg6[%dma_start3A_163, %dma_start3A_164] : memref<10240x128xf32, #tpu.memory_space<vmem_shared>> -> memref<10240x128xf32, #tpu.memory_space<vmem_shared>>
        tpu.enqueue_indirect_dma source(%arg10 : memref<128x128xf32, #tpu.memory_space<vmem>>) target(%dma_start3A_165 : memref<10240x128xf32, #tpu.memory_space<vmem_shared>>) offsets(%dma_start3A_162 : memref<128xi32, #tpu.memory_space<vmem>>) semaphore(%run_scoped3A_159 : memref<!tpu.dma_semaphore, #tpu.memory_space<semaphore_mem>>) {add = true}
        %dma_wait3A_166 = arith.constant 0 : i32
        %dma_wait3A_167 = tpu.memref_slice %arg8[%run_scoped3A_98, %dma_wait3A_166] : memref<8x128xi32, #tpu.memory_space<vmem>> -> memref<1x128xi32, #tpu.memory_space<vmem>>
        %dma_wait3A_168 = tpu.memref_squeeze %dma_wait3A_167 : memref<1x128xi32, #tpu.memory_space<vmem>> -> memref<128xi32, #tpu.memory_space<vmem>>
        %dma_wait3A_169 = arith.constant 0 : i32
        %dma_wait3A_170 = arith.constant 0 : i32
        %dma_wait3A_171 = tpu.memref_slice %arg6[%dma_wait3A_169, %dma_wait3A_170] : memref<10240x128xf32, #tpu.memory_space<vmem_shared>> -> memref<10240x128xf32, #tpu.memory_space<vmem_shared>>
        tpu.wait_indirect_dma semaphore(%run_scoped3A_159 : memref<!tpu.dma_semaphore, #tpu.memory_space<semaphore_mem>>) src(%arg10 : memref<128x128xf32, #tpu.memory_space<vmem>>) dst(%dma_wait3A_171 : memref<10240x128xf32, #tpu.memory_space<vmem_shared>>)
        tpu.yield
      }) : () -> ()
      %dma_start3A_99 = arith.constant 4 : i32
      %dma_start3A_100 = arith.constant 0 : i32
      %dma_start3A_101 = tpu.memref_slice %arg7[%dma_start3A_99, %dma_start3A_100] : memref<8x128xi32, #tpu.memory_space<vmem>> -> memref<1x128xi32, #tpu.memory_space<vmem>>
      %dma_start3A_102 = tpu.memref_squeeze %dma_start3A_101 : memref<1x128xi32, #tpu.memory_space<vmem>> -> memref<128xi32, #tpu.memory_space<vmem>>
      %dma_start3A_103 = arith.constant 0 : i32
      %dma_start3A_104 = arith.constant 0 : i32
      %dma_start3A_105 = tpu.memref_slice %arg2[%dma_start3A_103, %dma_start3A_104] : memref<10000x128xf32, #tpu.memory_space<hbm>> -> memref<10000x128xf32, #tpu.memory_space<hbm>>
      tpu.enqueue_indirect_dma source(%dma_start3A_105 : memref<10000x128xf32, #tpu.memory_space<hbm>>) target(%arg9 : memref<128x128xf32, #tpu.memory_space<vmem>>) offsets(%dma_start3A_102 : memref<128xi32, #tpu.memory_space<vmem>>) semaphore(%arg11 : memref<!tpu.dma_semaphore, #tpu.memory_space<semaphore_mem>>)
      %dma_wait3A_106 = arith.constant 4 : i32
      %dma_wait3A_107 = arith.constant 0 : i32
      %dma_wait3A_108 = tpu.memref_slice %arg7[%dma_wait3A_106, %dma_wait3A_107] : memref<8x128xi32, #tpu.memory_space<vmem>> -> memref<1x128xi32, #tpu.memory_space<vmem>>
      %dma_wait3A_109 = tpu.memref_squeeze %dma_wait3A_108 : memref<1x128xi32, #tpu.memory_space<vmem>> -> memref<128xi32, #tpu.memory_space<vmem>>
      %dma_wait3A_110 = arith.constant 0 : i32
      %dma_wait3A_111 = arith.constant 0 : i32
      %dma_wait3A_112 = tpu.memref_slice %arg2[%dma_wait3A_110, %dma_wait3A_111] : memref<10000x128xf32, #tpu.memory_space<hbm>> -> memref<10000x128xf32, #tpu.memory_space<hbm>>
      tpu.wait_indirect_dma semaphore(%arg11 : memref<!tpu.dma_semaphore, #tpu.memory_space<semaphore_mem>>) src(%dma_wait3A_112 : memref<10000x128xf32, #tpu.memory_space<hbm>>) dst(%arg9 : memref<128x128xf32, #tpu.memory_space<vmem>>)
      %run_scoped3A_113 = arith.constant 4 : i32
      "tpu.region"() ({
        %run_scoped3A_159 = tpu.sem_alloc : memref<!tpu.dma_semaphore, #tpu.memory_space<semaphore_mem>>
        %dma_start3A_160 = arith.constant 0 : i32
        %dma_start3A_161 = tpu.memref_slice %arg8[%run_scoped3A_113, %dma_start3A_160] : memref<8x128xi32, #tpu.memory_space<vmem>> -> memref<1x128xi32, #tpu.memory_space<vmem>>
        %dma_start3A_162 = tpu.memref_squeeze %dma_start3A_161 : memref<1x128xi32, #tpu.memory_space<vmem>> -> memref<128xi32, #tpu.memory_space<vmem>>
        %dma_start3A_163 = arith.constant 0 : i32
        %dma_start3A_164 = arith.constant 0 : i32
        %dma_start3A_165 = tpu.memref_slice %arg6[%dma_start3A_163, %dma_start3A_164] : memref<10240x128xf32, #tpu.memory_space<vmem_shared>> -> memref<10240x128xf32, #tpu.memory_space<vmem_shared>>
        tpu.enqueue_indirect_dma source(%arg9 : memref<128x128xf32, #tpu.memory_space<vmem>>) target(%dma_start3A_165 : memref<10240x128xf32, #tpu.memory_space<vmem_shared>>) offsets(%dma_start3A_162 : memref<128xi32, #tpu.memory_space<vmem>>) semaphore(%run_scoped3A_159 : memref<!tpu.dma_semaphore, #tpu.memory_space<semaphore_mem>>) {add = true}
        %dma_wait3A_166 = arith.constant 0 : i32
        %dma_wait3A_167 = tpu.memref_slice %arg8[%run_scoped3A_113, %dma_wait3A_166] : memref<8x128xi32, #tpu.memory_space<vmem>> -> memref<1x128xi32, #tpu.memory_space<vmem>>
        %dma_wait3A_168 = tpu.memref_squeeze %dma_wait3A_167 : memref<1x128xi32, #tpu.memory_space<vmem>> -> memref<128xi32, #tpu.memory_space<vmem>>
        %dma_wait3A_169 = arith.constant 0 : i32
        %dma_wait3A_170 = arith.constant 0 : i32
        %dma_wait3A_171 = tpu.memref_slice %arg6[%dma_wait3A_169, %dma_wait3A_170] : memref<10240x128xf32, #tpu.memory_space<vmem_shared>> -> memref<10240x128xf32, #tpu.memory_space<vmem_shared>>
        tpu.wait_indirect_dma semaphore(%run_scoped3A_159 : memref<!tpu.dma_semaphore, #tpu.memory_space<semaphore_mem>>) src(%arg9 : memref<128x128xf32, #tpu.memory_space<vmem>>) dst(%dma_wait3A_171 : memref<10240x128xf32, #tpu.memory_space<vmem_shared>>)
        tpu.yield
      }) : () -> ()
      %dma_start3A_114 = arith.constant 5 : i32
      %dma_start3A_115 = arith.constant 0 : i32
      %dma_start3A_116 = tpu.memref_slice %arg7[%dma_start3A_114, %dma_start3A_115] : memref<8x128xi32, #tpu.memory_space<vmem>> -> memref<1x128xi32, #tpu.memory_space<vmem>>
      %dma_start3A_117 = tpu.memref_squeeze %dma_start3A_116 : memref<1x128xi32, #tpu.memory_space<vmem>> -> memref<128xi32, #tpu.memory_space<vmem>>
      %dma_start3A_118 = arith.constant 0 : i32
      %dma_start3A_119 = arith.constant 0 : i32
      %dma_start3A_120 = tpu.memref_slice %arg2[%dma_start3A_118, %dma_start3A_119] : memref<10000x128xf32, #tpu.memory_space<hbm>> -> memref<10000x128xf32, #tpu.memory_space<hbm>>
      tpu.enqueue_indirect_dma source(%dma_start3A_120 : memref<10000x128xf32, #tpu.memory_space<hbm>>) target(%arg10 : memref<128x128xf32, #tpu.memory_space<vmem>>) offsets(%dma_start3A_117 : memref<128xi32, #tpu.memory_space<vmem>>) semaphore(%arg12 : memref<!tpu.dma_semaphore, #tpu.memory_space<semaphore_mem>>)
      %dma_wait3A_121 = arith.constant 5 : i32
      %dma_wait3A_122 = arith.constant 0 : i32
      %dma_wait3A_123 = tpu.memref_slice %arg7[%dma_wait3A_121, %dma_wait3A_122] : memref<8x128xi32, #tpu.memory_space<vmem>> -> memref<1x128xi32, #tpu.memory_space<vmem>>
      %dma_wait3A_124 = tpu.memref_squeeze %dma_wait3A_123 : memref<1x128xi32, #tpu.memory_space<vmem>> -> memref<128xi32, #tpu.memory_space<vmem>>
      %dma_wait3A_125 = arith.constant 0 : i32
      %dma_wait3A_126 = arith.constant 0 : i32
      %dma_wait3A_127 = tpu.memref_slice %arg2[%dma_wait3A_125, %dma_wait3A_126] : memref<10000x128xf32, #tpu.memory_space<hbm>> -> memref<10000x128xf32, #tpu.memory_space<hbm>>
      tpu.wait_indirect_dma semaphore(%arg12 : memref<!tpu.dma_semaphore, #tpu.memory_space<semaphore_mem>>) src(%dma_wait3A_127 : memref<10000x128xf32, #tpu.memory_space<hbm>>) dst(%arg10 : memref<128x128xf32, #tpu.memory_space<vmem>>)
      %run_scoped3A_128 = arith.constant 5 : i32
      "tpu.region"() ({
        %run_scoped3A_159 = tpu.sem_alloc : memref<!tpu.dma_semaphore, #tpu.memory_space<semaphore_mem>>
        %dma_start3A_160 = arith.constant 0 : i32
        %dma_start3A_161 = tpu.memref_slice %arg8[%run_scoped3A_128, %dma_start3A_160] : memref<8x128xi32, #tpu.memory_space<vmem>> -> memref<1x128xi32, #tpu.memory_space<vmem>>
        %dma_start3A_162 = tpu.memref_squeeze %dma_start3A_161 : memref<1x128xi32, #tpu.memory_space<vmem>> -> memref<128xi32, #tpu.memory_space<vmem>>
        %dma_start3A_163 = arith.constant 0 : i32
        %dma_start3A_164 = arith.constant 0 : i32
        %dma_start3A_165 = tpu.memref_slice %arg6[%dma_start3A_163, %dma_start3A_164] : memref<10240x128xf32, #tpu.memory_space<vmem_shared>> -> memref<10240x128xf32, #tpu.memory_space<vmem_shared>>
        tpu.enqueue_indirect_dma source(%arg10 : memref<128x128xf32, #tpu.memory_space<vmem>>) target(%dma_start3A_165 : memref<10240x128xf32, #tpu.memory_space<vmem_shared>>) offsets(%dma_start3A_162 : memref<128xi32, #tpu.memory_space<vmem>>) semaphore(%run_scoped3A_159 : memref<!tpu.dma_semaphore, #tpu.memory_space<semaphore_mem>>) {add = true}
        %dma_wait3A_166 = arith.constant 0 : i32
        %dma_wait3A_167 = tpu.memref_slice %arg8[%run_scoped3A_128, %dma_wait3A_166] : memref<8x128xi32, #tpu.memory_space<vmem>> -> memref<1x128xi32, #tpu.memory_space<vmem>>
        %dma_wait3A_168 = tpu.memref_squeeze %dma_wait3A_167 : memref<1x128xi32, #tpu.memory_space<vmem>> -> memref<128xi32, #tpu.memory_space<vmem>>
        %dma_wait3A_169 = arith.constant 0 : i32
        %dma_wait3A_170 = arith.constant 0 : i32
        %dma_wait3A_171 = tpu.memref_slice %arg6[%dma_wait3A_169, %dma_wait3A_170] : memref<10240x128xf32, #tpu.memory_space<vmem_shared>> -> memref<10240x128xf32, #tpu.memory_space<vmem_shared>>
        tpu.wait_indirect_dma semaphore(%run_scoped3A_159 : memref<!tpu.dma_semaphore, #tpu.memory_space<semaphore_mem>>) src(%arg10 : memref<128x128xf32, #tpu.memory_space<vmem>>) dst(%dma_wait3A_171 : memref<10240x128xf32, #tpu.memory_space<vmem_shared>>)
        tpu.yield
      }) : () -> ()
      %dma_start3A_129 = arith.constant 6 : i32
      %dma_start3A_130 = arith.constant 0 : i32
      %dma_start3A_131 = tpu.memref_slice %arg7[%dma_start3A_129, %dma_start3A_130] : memref<8x128xi32, #tpu.memory_space<vmem>> -> memref<1x128xi32, #tpu.memory_space<vmem>>
      %dma_start3A_132 = tpu.memref_squeeze %dma_start3A_131 : memref<1x128xi32, #tpu.memory_space<vmem>> -> memref<128xi32, #tpu.memory_space<vmem>>
      %dma_start3A_133 = arith.constant 0 : i32
      %dma_start3A_134 = arith.constant 0 : i32
      %dma_start3A_135 = tpu.memref_slice %arg2[%dma_start3A_133, %dma_start3A_134] : memref<10000x128xf32, #tpu.memory_space<hbm>> -> memref<10000x128xf32, #tpu.memory_space<hbm>>
      tpu.enqueue_indirect_dma source(%dma_start3A_135 : memref<10000x128xf32, #tpu.memory_space<hbm>>) target(%arg9 : memref<128x128xf32, #tpu.memory_space<vmem>>) offsets(%dma_start3A_132 : memref<128xi32, #tpu.memory_space<vmem>>) semaphore(%arg11 : memref<!tpu.dma_semaphore, #tpu.memory_space<semaphore_mem>>)
      %dma_wait3A_136 = arith.constant 6 : i32
      %dma_wait3A_137 = arith.constant 0 : i32
      %dma_wait3A_138 = tpu.memref_slice %arg7[%dma_wait3A_136, %dma_wait3A_137] : memref<8x128xi32, #tpu.memory_space<vmem>> -> memref<1x128xi32, #tpu.memory_space<vmem>>
      %dma_wait3A_139 = tpu.memref_squeeze %dma_wait3A_138 : memref<1x128xi32, #tpu.memory_space<vmem>> -> memref<128xi32, #tpu.memory_space<vmem>>
      %dma_wait3A_140 = arith.constant 0 : i32
      %dma_wait3A_141 = arith.constant 0 : i32
      %dma_wait3A_142 = tpu.memref_slice %arg2[%dma_wait3A_140, %dma_wait3A_141] : memref<10000x128xf32, #tpu.memory_space<hbm>> -> memref<10000x128xf32, #tpu.memory_space<hbm>>
      tpu.wait_indirect_dma semaphore(%arg11 : memref<!tpu.dma_semaphore, #tpu.memory_space<semaphore_mem>>) src(%dma_wait3A_142 : memref<10000x128xf32, #tpu.memory_space<hbm>>) dst(%arg9 : memref<128x128xf32, #tpu.memory_space<vmem>>)
      %run_scoped3A_143 = arith.constant 6 : i32
      "tpu.region"() ({
        %run_scoped3A_159 = tpu.sem_alloc : memref<!tpu.dma_semaphore, #tpu.memory_space<semaphore_mem>>
        %dma_start3A_160 = arith.constant 0 : i32
        %dma_start3A_161 = tpu.memref_slice %arg8[%run_scoped3A_143, %dma_start3A_160] : memref<8x128xi32, #tpu.memory_space<vmem>> -> memref<1x128xi32, #tpu.memory_space<vmem>>
        %dma_start3A_162 = tpu.memref_squeeze %dma_start3A_161 : memref<1x128xi32, #tpu.memory_space<vmem>> -> memref<128xi32, #tpu.memory_space<vmem>>
        %dma_start3A_163 = arith.constant 0 : i32
        %dma_start3A_164 = arith.constant 0 : i32
        %dma_start3A_165 = tpu.memref_slice %arg6[%dma_start3A_163, %dma_start3A_164] : memref<10240x128xf32, #tpu.memory_space<vmem_shared>> -> memref<10240x128xf32, #tpu.memory_space<vmem_shared>>
        tpu.enqueue_indirect_dma source(%arg9 : memref<128x128xf32, #tpu.memory_space<vmem>>) target(%dma_start3A_165 : memref<10240x128xf32, #tpu.memory_space<vmem_shared>>) offsets(%dma_start3A_162 : memref<128xi32, #tpu.memory_space<vmem>>) semaphore(%run_scoped3A_159 : memref<!tpu.dma_semaphore, #tpu.memory_space<semaphore_mem>>) {add = true}
        %dma_wait3A_166 = arith.constant 0 : i32
        %dma_wait3A_167 = tpu.memref_slice %arg8[%run_scoped3A_143, %dma_wait3A_166] : memref<8x128xi32, #tpu.memory_space<vmem>> -> memref<1x128xi32, #tpu.memory_space<vmem>>
        %dma_wait3A_168 = tpu.memref_squeeze %dma_wait3A_167 : memref<1x128xi32, #tpu.memory_space<vmem>> -> memref<128xi32, #tpu.memory_space<vmem>>
        %dma_wait3A_169 = arith.constant 0 : i32
        %dma_wait3A_170 = arith.constant 0 : i32
        %dma_wait3A_171 = tpu.memref_slice %arg6[%dma_wait3A_169, %dma_wait3A_170] : memref<10240x128xf32, #tpu.memory_space<vmem_shared>> -> memref<10240x128xf32, #tpu.memory_space<vmem_shared>>
        tpu.wait_indirect_dma semaphore(%run_scoped3A_159 : memref<!tpu.dma_semaphore, #tpu.memory_space<semaphore_mem>>) src(%arg9 : memref<128x128xf32, #tpu.memory_space<vmem>>) dst(%dma_wait3A_171 : memref<10240x128xf32, #tpu.memory_space<vmem_shared>>)
        tpu.yield
      }) : () -> ()
      %dma_start3A_144 = arith.constant 7 : i32
      %dma_start3A_145 = arith.constant 0 : i32
      %dma_start3A_146 = tpu.memref_slice %arg7[%dma_start3A_144, %dma_start3A_145] : memref<8x128xi32, #tpu.memory_space<vmem>> -> memref<1x128xi32, #tpu.memory_space<vmem>>
      %dma_start3A_147 = tpu.memref_squeeze %dma_start3A_146 : memref<1x128xi32, #tpu.memory_space<vmem>> -> memref<128xi32, #tpu.memory_space<vmem>>
      %dma_start3A_148 = arith.constant 0 : i32
      %dma_start3A_149 = arith.constant 0 : i32
      %dma_start3A_150 = tpu.memref_slice %arg2[%dma_start3A_148, %dma_start3A_149] : memref<10000x128xf32, #tpu.memory_space<hbm>> -> memref<10000x128xf32, #tpu.memory_space<hbm>>
      tpu.enqueue_indirect_dma source(%dma_start3A_150 : memref<10000x128xf32, #tpu.memory_space<hbm>>) target(%arg10 : memref<128x128xf32, #tpu.memory_space<vmem>>) offsets(%dma_start3A_147 : memref<128xi32, #tpu.memory_space<vmem>>) semaphore(%arg12 : memref<!tpu.dma_semaphore, #tpu.memory_space<semaphore_mem>>)
      %dma_wait3A_151 = arith.constant 7 : i32
      %dma_wait3A_152 = arith.constant 0 : i32
      %dma_wait3A_153 = tpu.memref_slice %arg7[%dma_wait3A_151, %dma_wait3A_152] : memref<8x128xi32, #tpu.memory_space<vmem>> -> memref<1x128xi32, #tpu.memory_space<vmem>>
      %dma_wait3A_154 = tpu.memref_squeeze %dma_wait3A_153 : memref<1x128xi32, #tpu.memory_space<vmem>> -> memref<128xi32, #tpu.memory_space<vmem>>
      %dma_wait3A_155 = arith.constant 0 : i32
      %dma_wait3A_156 = arith.constant 0 : i32
      %dma_wait3A_157 = tpu.memref_slice %arg2[%dma_wait3A_155, %dma_wait3A_156] : memref<10000x128xf32, #tpu.memory_space<hbm>> -> memref<10000x128xf32, #tpu.memory_space<hbm>>
      tpu.wait_indirect_dma semaphore(%arg12 : memref<!tpu.dma_semaphore, #tpu.memory_space<semaphore_mem>>) src(%dma_wait3A_157 : memref<10000x128xf32, #tpu.memory_space<hbm>>) dst(%arg10 : memref<128x128xf32, #tpu.memory_space<vmem>>)
      %run_scoped3A_158 = arith.constant 7 : i32
      "tpu.region"() ({
        %run_scoped3A_159 = tpu.sem_alloc : memref<!tpu.dma_semaphore, #tpu.memory_space<semaphore_mem>>
        %dma_start3A_160 = arith.constant 0 : i32
        %dma_start3A_161 = tpu.memref_slice %arg8[%run_scoped3A_158, %dma_start3A_160] : memref<8x128xi32, #tpu.memory_space<vmem>> -> memref<1x128xi32, #tpu.memory_space<vmem>>
        %dma_start3A_162 = tpu.memref_squeeze %dma_start3A_161 : memref<1x128xi32, #tpu.memory_space<vmem>> -> memref<128xi32, #tpu.memory_space<vmem>>
        %dma_start3A_163 = arith.constant 0 : i32
        %dma_start3A_164 = arith.constant 0 : i32
        %dma_start3A_165 = tpu.memref_slice %arg6[%dma_start3A_163, %dma_start3A_164] : memref<10240x128xf32, #tpu.memory_space<vmem_shared>> -> memref<10240x128xf32, #tpu.memory_space<vmem_shared>>
        tpu.enqueue_indirect_dma source(%arg10 : memref<128x128xf32, #tpu.memory_space<vmem>>) target(%dma_start3A_165 : memref<10240x128xf32, #tpu.memory_space<vmem_shared>>) offsets(%dma_start3A_162 : memref<128xi32, #tpu.memory_space<vmem>>) semaphore(%run_scoped3A_159 : memref<!tpu.dma_semaphore, #tpu.memory_space<semaphore_mem>>) {add = true}
        %dma_wait3A_166 = arith.constant 0 : i32
        %dma_wait3A_167 = tpu.memref_slice %arg8[%run_scoped3A_158, %dma_wait3A_166] : memref<8x128xi32, #tpu.memory_space<vmem>> -> memref<1x128xi32, #tpu.memory_space<vmem>>
        %dma_wait3A_168 = tpu.memref_squeeze %dma_wait3A_167 : memref<1x128xi32, #tpu.memory_space<vmem>> -> memref<128xi32, #tpu.memory_space<vmem>>
        %dma_wait3A_169 = arith.constant 0 : i32
        %dma_wait3A_170 = arith.constant 0 : i32
        %dma_wait3A_171 = tpu.memref_slice %arg6[%dma_wait3A_169, %dma_wait3A_170] : memref<10240x128xf32, #tpu.memory_space<vmem_shared>> -> memref<10240x128xf32, #tpu.memory_space<vmem_shared>>
        tpu.wait_indirect_dma semaphore(%run_scoped3A_159 : memref<!tpu.dma_semaphore, #tpu.memory_space<semaphore_mem>>) src(%arg10 : memref<128x128xf32, #tpu.memory_space<vmem>>) dst(%dma_wait3A_171 : memref<10240x128xf32, #tpu.memory_space<vmem_shared>>)
        tpu.yield
      }) : () -> ()
    }
    %scan3A_31 = arith.constant 10 : i32
    %barrier3A_32 = arith.constant 0 : index
    tpu.barrier barrier_id(%barrier3A_32)
    %mul3A_33 = arith.constant 640 : i32
    %mul3A_34 = arith.muli %arg1, %mul3A_33 : i32
    %mul3A_35 = arith.constant 640 : i32
    %mul3A_36 = arith.muli %arg1, %mul3A_35 : i32
    "tpu.region"() ({
      %run_scoped3A = tpu.sem_alloc : memref<!tpu.dma_semaphore, #tpu.memory_space<semaphore_mem>>
      %dma_start3A = arith.constant 0 : i32
      %dma_start3A_37 = tpu.memref_slice %arg5[%arg0, %mul3A_36, %dma_start3A] : memref<2x10240x128xf32, #tpu.memory_space<hbm>> -> memref<1x640x128xf32, #tpu.memory_space<hbm>>
      %dma_start3A_38 = tpu.memref_squeeze %dma_start3A_37 : memref<1x640x128xf32, #tpu.memory_space<hbm>> -> memref<640x128xf32, #tpu.memory_space<hbm>>
      %dma_start3A_39 = arith.constant 0 : i32
      %dma_start3A_40 = tpu.memref_slice %arg6[%mul3A_34, %dma_start3A_39] : memref<10240x128xf32, #tpu.memory_space<vmem_shared>> -> memref<640x128xf32, #tpu.memory_space<vmem_shared>>
      tpu.enqueue_dma source(%dma_start3A_40 : memref<640x128xf32, #tpu.memory_space<vmem_shared>>) target(%dma_start3A_38 : memref<640x128xf32, #tpu.memory_space<hbm>>) target_semaphore(%run_scoped3A : memref<!tpu.dma_semaphore, #tpu.memory_space<semaphore_mem>>)
      %dma_wait3A = arith.constant 0 : i32
      %dma_wait3A_41 = tpu.memref_slice %arg5[%arg0, %mul3A_36, %dma_wait3A] : memref<2x10240x128xf32, #tpu.memory_space<hbm>> -> memref<1x640x128xf32, #tpu.memory_space<hbm>>
      %dma_wait3A_42 = tpu.memref_squeeze %dma_wait3A_41 : memref<1x640x128xf32, #tpu.memory_space<hbm>> -> memref<640x128xf32, #tpu.memory_space<hbm>>
      %dma_wait3A_43 = arith.constant 0 : i32
      %dma_wait3A_44 = tpu.memref_slice %arg6[%mul3A_34, %dma_wait3A_43] : memref<10240x128xf32, #tpu.memory_space<vmem_shared>> -> memref<640x128xf32, #tpu.memory_space<vmem_shared>>
      tpu.wait_dma2 semaphore(%run_scoped3A : memref<!tpu.dma_semaphore, #tpu.memory_space<semaphore_mem>>) src(%dma_wait3A_44 : memref<640x128xf32, #tpu.memory_space<vmem_shared>>) dst(%dma_wait3A_42 : memref<640x128xf32, #tpu.memory_space<hbm>>)
      tpu.yield
    }) : () -> ()
    return
  }
}

#map = affine_map<(d0, d1) -> (0, 0)>
#map1 = affine_map<(d0, d1) -> (0, 0, 0)>
module attributes {stable_mosaic.version = 14 : i64} {
  func.func @scatter_kernel(%arg0: i32, %arg1: i32, %arg2: memref<10000x128xf32, #tpu.memory_space<hbm>>, %arg3: memref<32x80x128xi32, #tpu.memory_space<hbm>>, %arg4: memref<32x80x128xi32, #tpu.memory_space<hbm>>, %arg5: memref<2x10240x128xf32, #tpu.memory_space<hbm>>, %arg6: memref<10240x128xf32, #tpu.memory_space<vmem_shared>>, %arg7: memref<8x128xi32, #tpu.memory_space<vmem>>, %arg8: memref<8x128xi32, #tpu.memory_space<vmem>>, %arg9: memref<128x128xf32, #tpu.memory_space<vmem>>, %arg10: memref<128x128xf32, #tpu.memory_space<vmem>>, %arg11: memref<!tpu.dma_semaphore, #tpu.memory_space<semaphore_mem>>, %arg12: memref<!tpu.dma_semaphore, #tpu.memory_space<semaphore_mem>>) attributes {dimension_semantics = [#tpu.dimension_semantics<core_parallel>, #tpu.dimension_semantics<subcore_parallel>], iteration_bounds = array<i64: 2, 16>, scalar_prefetch = 0 : i64, scratch_operands = 7 : i64, tpu.core_type = #tpu.core_type<sc_vector_subcore>, window_params = [{transform_indices = #map}, {transform_indices = #map1}, {transform_indices = #map1}, {transform_indices = #map1}]} {
    %mul3A = arith.constant 16 : i32
    %mul3A_0 = arith.muli %arg0, %mul3A : i32
    %add3A = arith.addi %mul3A_0, %arg1 : i32
    %scan3A = arith.constant 0 : i32
    %scan3A_1 = arith.constant 0 : i32
    %scan3A_2 = arith.constant 128 : i32
    %scan3A_3 = arith.addi %scan3A_1, %scan3A_2 : i32
    %scan3A_4 = arith.constant 1 : i32
    scf.for %scan3A_37 = %scan3A_1 to %scan3A_3 step %scan3A_4  : i32 {
      %broadcast_in_dim3A = arith.constant 0.000000e+00 : f32
      %broadcast_in_dim3A_38 = vector.broadcast %broadcast_in_dim3A : f32 to vector<16xf32>
      %swap3A = arith.index_cast %scan3A_37 : i32 to index
      %swap3A_39 = arith.constant 0 : index
      %swap3A_40 = tpu.vector_load %arg9[%swap3A, %swap3A_39] {strides = array<i32>} : memref<128x128xf32, #tpu.memory_space<vmem>>, vector<1x16xf32>,
      %swap3A_41 = vector.shape_cast %swap3A_40 : vector<1x16xf32> to vector<16xf32>
      %swap3A_42 = vector.shape_cast %broadcast_in_dim3A_38 : vector<16xf32> to vector<1x16xf32>
      tpu.vector_store %arg9[%swap3A, %swap3A_39], %swap3A_42 {strides = array<i32>} : memref<128x128xf32, #tpu.memory_space<vmem>>, vector<1x16xf32>,
      %broadcast_in_dim3A_43 = arith.constant 0.000000e+00 : f32
      %broadcast_in_dim3A_44 = vector.broadcast %broadcast_in_dim3A_43 : f32 to vector<16xf32>
      %swap3A_45 = arith.index_cast %scan3A_37 : i32 to index
      %swap3A_46 = arith.constant 16 : index
      %swap3A_47 = tpu.vector_load %arg9[%swap3A_45, %swap3A_46] {strides = array<i32>} : memref<128x128xf32, #tpu.memory_space<vmem>>, vector<1x16xf32>,
      %swap3A_48 = vector.shape_cast %swap3A_47 : vector<1x16xf32> to vector<16xf32>
      %swap3A_49 = vector.shape_cast %broadcast_in_dim3A_44 : vector<16xf32> to vector<1x16xf32>
      tpu.vector_store %arg9[%swap3A_45, %swap3A_46], %swap3A_49 {strides = array<i32>} : memref<128x128xf32, #tpu.memory_space<vmem>>, vector<1x16xf32>,
      %broadcast_in_dim3A_50 = arith.constant 0.000000e+00 : f32
      %broadcast_in_dim3A_51 = vector.broadcast %broadcast_in_dim3A_50 : f32 to vector<16xf32>
      %swap3A_52 = arith.index_cast %scan3A_37 : i32 to index
      %swap3A_53 = arith.constant 32 : index
      %swap3A_54 = tpu.vector_load %arg9[%swap3A_52, %swap3A_53] {strides = array<i32>} : memref<128x128xf32, #tpu.memory_space<vmem>>, vector<1x16xf32>,
      %swap3A_55 = vector.shape_cast %swap3A_54 : vector<1x16xf32> to vector<16xf32>
      %swap3A_56 = vector.shape_cast %broadcast_in_dim3A_51 : vector<16xf32> to vector<1x16xf32>
      tpu.vector_store %arg9[%swap3A_52, %swap3A_53], %swap3A_56 {strides = array<i32>} : memref<128x128xf32, #tpu.memory_space<vmem>>, vector<1x16xf32>,
      %broadcast_in_dim3A_57 = arith.constant 0.000000e+00 : f32
      %broadcast_in_dim3A_58 = vector.broadcast %broadcast_in_dim3A_57 : f32 to vector<16xf32>
      %swap3A_59 = arith.index_cast %scan3A_37 : i32 to index
      %swap3A_60 = arith.constant 48 : index
      %swap3A_61 = tpu.vector_load %arg9[%swap3A_59, %swap3A_60] {strides = array<i32>} : memref<128x128xf32, #tpu.memory_space<vmem>>, vector<1x16xf32>,
      %swap3A_62 = vector.shape_cast %swap3A_61 : vector<1x16xf32> to vector<16xf32>
      %swap3A_63 = vector.shape_cast %broadcast_in_dim3A_58 : vector<16xf32> to vector<1x16xf32>
      tpu.vector_store %arg9[%swap3A_59, %swap3A_60], %swap3A_63 {strides = array<i32>} : memref<128x128xf32, #tpu.memory_space<vmem>>, vector<1x16xf32>,
      %broadcast_in_dim3A_64 = arith.constant 0.000000e+00 : f32
      %broadcast_in_dim3A_65 = vector.broadcast %broadcast_in_dim3A_64 : f32 to vector<16xf32>
      %swap3A_66 = arith.index_cast %scan3A_37 : i32 to index
      %swap3A_67 = arith.constant 64 : index
      %swap3A_68 = tpu.vector_load %arg9[%swap3A_66, %swap3A_67] {strides = array<i32>} : memref<128x128xf32, #tpu.memory_space<vmem>>, vector<1x16xf32>,
      %swap3A_69 = vector.shape_cast %swap3A_68 : vector<1x16xf32> to vector<16xf32>
      %swap3A_70 = vector.shape_cast %broadcast_in_dim3A_65 : vector<16xf32> to vector<1x16xf32>
      tpu.vector_store %arg9[%swap3A_66, %swap3A_67], %swap3A_70 {strides = array<i32>} : memref<128x128xf32, #tpu.memory_space<vmem>>, vector<1x16xf32>,
      %broadcast_in_dim3A_71 = arith.constant 0.000000e+00 : f32
      %broadcast_in_dim3A_72 = vector.broadcast %broadcast_in_dim3A_71 : f32 to vector<16xf32>
      %swap3A_73 = arith.index_cast %scan3A_37 : i32 to index
      %swap3A_74 = arith.constant 80 : index
      %swap3A_75 = tpu.vector_load %arg9[%swap3A_73, %swap3A_74] {strides = array<i32>} : memref<128x128xf32, #tpu.memory_space<vmem>>, vector<1x16xf32>,
      %swap3A_76 = vector.shape_cast %swap3A_75 : vector<1x16xf32> to vector<16xf32>
      %swap3A_77 = vector.shape_cast %broadcast_in_dim3A_72 : vector<16xf32> to vector<1x16xf32>
      tpu.vector_store %arg9[%swap3A_73, %swap3A_74], %swap3A_77 {strides = array<i32>} : memref<128x128xf32, #tpu.memory_space<vmem>>, vector<1x16xf32>,
      %broadcast_in_dim3A_78 = arith.constant 0.000000e+00 : f32
      %broadcast_in_dim3A_79 = vector.broadcast %broadcast_in_dim3A_78 : f32 to vector<16xf32>
      %swap3A_80 = arith.index_cast %scan3A_37 : i32 to index
      %swap3A_81 = arith.constant 96 : index
      %swap3A_82 = tpu.vector_load %arg9[%swap3A_80, %swap3A_81] {strides = array<i32>} : memref<128x128xf32, #tpu.memory_space<vmem>>, vector<1x16xf32>,
      %swap3A_83 = vector.shape_cast %swap3A_82 : vector<1x16xf32> to vector<16xf32>
      %swap3A_84 = vector.shape_cast %broadcast_in_dim3A_79 : vector<16xf32> to vector<1x16xf32>
      tpu.vector_store %arg9[%swap3A_80, %swap3A_81], %swap3A_84 {strides = array<i32>} : memref<128x128xf32, #tpu.memory_space<vmem>>, vector<1x16xf32>,
      %broadcast_in_dim3A_85 = arith.constant 0.000000e+00 : f32
      %broadcast_in_dim3A_86 = vector.broadcast %broadcast_in_dim3A_85 : f32 to vector<16xf32>
      %swap3A_87 = arith.index_cast %scan3A_37 : i32 to index
      %swap3A_88 = arith.constant 112 : index
      %swap3A_89 = tpu.vector_load %arg9[%swap3A_87, %swap3A_88] {strides = array<i32>} : memref<128x128xf32, #tpu.memory_space<vmem>>, vector<1x16xf32>,
      %swap3A_90 = vector.shape_cast %swap3A_89 : vector<1x16xf32> to vector<16xf32>
      %swap3A_91 = vector.shape_cast %broadcast_in_dim3A_86 : vector<16xf32> to vector<1x16xf32>
      tpu.vector_store %arg9[%swap3A_87, %swap3A_88], %swap3A_91 {strides = array<i32>} : memref<128x128xf32, #tpu.memory_space<vmem>>, vector<1x16xf32>,
    }
    %scan3A_5 = arith.constant 128 : i32
    %mul3A_6 = arith.constant 640 : i32
    %mul3A_7 = arith.muli %arg1, %mul3A_6 : i32
    %add3A_8 = arith.constant 0 : i32
    %add3A_9 = arith.addi %mul3A_7, %add3A_8 : i32
    "tpu.region"() ({
      %run_scoped3A = tpu.sem_alloc : memref<!tpu.dma_semaphore, #tpu.memory_space<semaphore_mem>>
      %dma_start3A = arith.constant 0 : i32
      %dma_start3A_37 = tpu.memref_slice %arg6[%add3A_9, %dma_start3A] : memref<10240x128xf32, #tpu.memory_space<vmem_shared>> -> memref<128x128xf32, #tpu.memory_space<vmem_shared>>
      %dma_start3A_38 = arith.constant 0 : i32
      %dma_start3A_39 = tpu.memref_slice %arg6[%add3A_9, %dma_start3A_38] : memref<10240x128xf32, #tpu.memory_space<vmem_shared>> -> memref<128x128xf32, #tpu.memory_space<vmem_shared>>
      tpu.enqueue_dma source(%arg9 : memref<128x128xf32, #tpu.memory_space<vmem>>) target(%dma_start3A_39 : memref<128x128xf32, #tpu.memory_space<vmem_shared>>) target_semaphore(%run_scoped3A : memref<!tpu.dma_semaphore, #tpu.memory_space<semaphore_mem>>)
      %dma_wait3A = arith.constant 0 : i32
      %dma_wait3A_40 = tpu.memref_slice %arg6[%add3A_9, %dma_wait3A] : memref<10240x128xf32, #tpu.memory_space<vmem_shared>> -> memref<128x128xf32, #tpu.memory_space<vmem_shared>>
      %dma_wait3A_41 = arith.constant 0 : i32
      %dma_wait3A_42 = tpu.memref_slice %arg6[%add3A_9, %dma_wait3A_41] : memref<10240x128xf32, #tpu.memory_space<vmem_shared>> -> memref<128x128xf32, #tpu.memory_space<vmem_shared>>
      tpu.wait_dma2 semaphore(%run_scoped3A : memref<!tpu.dma_semaphore, #tpu.memory_space<semaphore_mem>>) src(%arg9 : memref<128x128xf32, #tpu.memory_space<vmem>>) dst(%dma_wait3A_42 : memref<128x128xf32, #tpu.memory_space<vmem_shared>>)
      tpu.yield
    }) : () -> ()
    %mul3A_10 = arith.constant 640 : i32
    %mul3A_11 = arith.muli %arg1, %mul3A_10 : i32
    %add3A_12 = arith.constant 128 : i32
    %add3A_13 = arith.addi %mul3A_11, %add3A_12 : i32
    "tpu.region"() ({
      %run_scoped3A = tpu.sem_alloc : memref<!tpu.dma_semaphore, #tpu.memory_space<semaphore_mem>>
      %dma_start3A = arith.constant 0 : i32
      %dma_start3A_37 = tpu.memref_slice %arg6[%add3A_13, %dma_start3A] : memref<10240x128xf32, #tpu.memory_space<vmem_shared>> -> memref<128x128xf32, #tpu.memory_space<vmem_shared>>
      %dma_start3A_38 = arith.constant 0 : i32
      %dma_start3A_39 = tpu.memref_slice %arg6[%add3A_13, %dma_start3A_38] : memref<10240x128xf32, #tpu.memory_space<vmem_shared>> -> memref<128x128xf32, #tpu.memory_space<vmem_shared>>
      tpu.enqueue_dma source(%arg9 : memref<128x128xf32, #tpu.memory_space<vmem>>) target(%dma_start3A_39 : memref<128x128xf32, #tpu.memory_space<vmem_shared>>) target_semaphore(%run_scoped3A : memref<!tpu.dma_semaphore, #tpu.memory_space<semaphore_mem>>)
      %dma_wait3A = arith.constant 0 : i32
      %dma_wait3A_40 = tpu.memref_slice %arg6[%add3A_13, %dma_wait3A] : memref<10240x128xf32, #tpu.memory_space<vmem_shared>> -> memref<128x128xf32, #tpu.memory_space<vmem_shared>>
      %dma_wait3A_41 = arith.constant 0 : i32
      %dma_wait3A_42 = tpu.memref_slice %arg6[%add3A_13, %dma_wait3A_41] : memref<10240x128xf32, #tpu.memory_space<vmem_shared>> -> memref<128x128xf32, #tpu.memory_space<vmem_shared>>
      tpu.wait_dma2 semaphore(%run_scoped3A : memref<!tpu.dma_semaphore, #tpu.memory_space<semaphore_mem>>) src(%arg9 : memref<128x128xf32, #tpu.memory_space<vmem>>) dst(%dma_wait3A_42 : memref<128x128xf32, #tpu.memory_space<vmem_shared>>)
      tpu.yield
    }) : () -> ()
    %mul3A_14 = arith.constant 640 : i32
    %mul3A_15 = arith.muli %arg1, %mul3A_14 : i32
    %add3A_16 = arith.constant 256 : i32
    %add3A_17 = arith.addi %mul3A_15, %add3A_16 : i32
    "tpu.region"() ({
      %run_scoped3A = tpu.sem_alloc : memref<!tpu.dma_semaphore, #tpu.memory_space<semaphore_mem>>
      %dma_start3A = arith.constant 0 : i32
      %dma_start3A_37 = tpu.memref_slice %arg6[%add3A_17, %dma_start3A] : memref<10240x128xf32, #tpu.memory_space<vmem_shared>> -> memref<128x128xf32, #tpu.memory_space<vmem_shared>>
      %dma_start3A_38 = arith.constant 0 : i32
      %dma_start3A_39 = tpu.memref_slice %arg6[%add3A_17, %dma_start3A_38] : memref<10240x128xf32, #tpu.memory_space<vmem_shared>> -> memref<128x128xf32, #tpu.memory_space<vmem_shared>>
      tpu.enqueue_dma source(%arg9 : memref<128x128xf32, #tpu.memory_space<vmem>>) target(%dma_start3A_39 : memref<128x128xf32, #tpu.memory_space<vmem_shared>>) target_semaphore(%run_scoped3A : memref<!tpu.dma_semaphore, #tpu.memory_space<semaphore_mem>>)
      %dma_wait3A = arith.constant 0 : i32
      %dma_wait3A_40 = tpu.memref_slice %arg6[%add3A_17, %dma_wait3A] : memref<10240x128xf32, #tpu.memory_space<vmem_shared>> -> memref<128x128xf32, #tpu.memory_space<vmem_shared>>
      %dma_wait3A_41 = arith.constant 0 : i32
      %dma_wait3A_42 = tpu.memref_slice %arg6[%add3A_17, %dma_wait3A_41] : memref<10240x128xf32, #tpu.memory_space<vmem_shared>> -> memref<128x128xf32, #tpu.memory_space<vmem_shared>>
      tpu.wait_dma2 semaphore(%run_scoped3A : memref<!tpu.dma_semaphore, #tpu.memory_space<semaphore_mem>>) src(%arg9 : memref<128x128xf32, #tpu.memory_space<vmem>>) dst(%dma_wait3A_42 : memref<128x128xf32, #tpu.memory_space<vmem_shared>>)
      tpu.yield
    }) : () -> ()
    %mul3A_18 = arith.constant 640 : i32
    %mul3A_19 = arith.muli %arg1, %mul3A_18 : i32
    %add3A_20 = arith.constant 384 : i32
    %add3A_21 = arith.addi %mul3A_19, %add3A_20 : i32
    "tpu.region"() ({
      %run_scoped3A = tpu.sem_alloc : memref<!tpu.dma_semaphore, #tpu.memory_space<semaphore_mem>>
      %dma_start3A = arith.constant 0 : i32
      %dma_start3A_37 = tpu.memref_slice %arg6[%add3A_21, %dma_start3A] : memref<10240x128xf32, #tpu.memory_space<vmem_shared>> -> memref<128x128xf32, #tpu.memory_space<vmem_shared>>
      %dma_start3A_38 = arith.constant 0 : i32
      %dma_start3A_39 = tpu.memref_slice %arg6[%add3A_21, %dma_start3A_38] : memref<10240x128xf32, #tpu.memory_space<vmem_shared>> -> memref<128x128xf32, #tpu.memory_space<vmem_shared>>
      tpu.enqueue_dma source(%arg9 : memref<128x128xf32, #tpu.memory_space<vmem>>) target(%dma_start3A_39 : memref<128x128xf32, #tpu.memory_space<vmem_shared>>) target_semaphore(%run_scoped3A : memref<!tpu.dma_semaphore, #tpu.memory_space<semaphore_mem>>)
      %dma_wait3A = arith.constant 0 : i32
      %dma_wait3A_40 = tpu.memref_slice %arg6[%add3A_21, %dma_wait3A] : memref<10240x128xf32, #tpu.memory_space<vmem_shared>> -> memref<128x128xf32, #tpu.memory_space<vmem_shared>>
      %dma_wait3A_41 = arith.constant 0 : i32
      %dma_wait3A_42 = tpu.memref_slice %arg6[%add3A_21, %dma_wait3A_41] : memref<10240x128xf32, #tpu.memory_space<vmem_shared>> -> memref<128x128xf32, #tpu.memory_space<vmem_shared>>
      tpu.wait_dma2 semaphore(%run_scoped3A : memref<!tpu.dma_semaphore, #tpu.memory_space<semaphore_mem>>) src(%arg9 : memref<128x128xf32, #tpu.memory_space<vmem>>) dst(%dma_wait3A_42 : memref<128x128xf32, #tpu.memory_space<vmem_shared>>)
      tpu.yield
    }) : () -> ()
    %mul3A_22 = arith.constant 640 : i32
    %mul3A_23 = arith.muli %arg1, %mul3A_22 : i32
    %add3A_24 = arith.constant 512 : i32
    %add3A_25 = arith.addi %mul3A_23, %add3A_24 : i32
    "tpu.region"() ({
      %run_scoped3A = tpu.sem_alloc : memref<!tpu.dma_semaphore, #tpu.memory_space<semaphore_mem>>
      %dma_start3A = arith.constant 0 : i32
      %dma_start3A_37 = tpu.memref_slice %arg6[%add3A_25, %dma_start3A] : memref<10240x128xf32, #tpu.memory_space<vmem_shared>> -> memref<128x128xf32, #tpu.memory_space<vmem_shared>>
      %dma_start3A_38 = arith.constant 0 : i32
      %dma_start3A_39 = tpu.memref_slice %arg6[%add3A_25, %dma_start3A_38] : memref<10240x128xf32, #tpu.memory_space<vmem_shared>> -> memref<128x128xf32, #tpu.memory_space<vmem_shared>>
      tpu.enqueue_dma source(%arg9 : memref<128x128xf32, #tpu.memory_space<vmem>>) target(%dma_start3A_39 : memref<128x128xf32, #tpu.memory_space<vmem_shared>>) target_semaphore(%run_scoped3A : memref<!tpu.dma_semaphore, #tpu.memory_space<semaphore_mem>>)
      %dma_wait3A = arith.constant 0 : i32
      %dma_wait3A_40 = tpu.memref_slice %arg6[%add3A_25, %dma_wait3A] : memref<10240x128xf32, #tpu.memory_space<vmem_shared>> -> memref<128x128xf32, #tpu.memory_space<vmem_shared>>
      %dma_wait3A_41 = arith.constant 0 : i32
      %dma_wait3A_42 = tpu.memref_slice %arg6[%add3A_25, %dma_wait3A_41] : memref<10240x128xf32, #tpu.memory_space<vmem_shared>> -> memref<128x128xf32, #tpu.memory_space<vmem_shared>>
      tpu.wait_dma2 semaphore(%run_scoped3A : memref<!tpu.dma_semaphore, #tpu.memory_space<semaphore_mem>>) src(%arg9 : memref<128x128xf32, #tpu.memory_space<vmem>>) dst(%dma_wait3A_42 : memref<128x128xf32, #tpu.memory_space<vmem_shared>>)
      tpu.yield
    }) : () -> ()
    %barrier3A = arith.constant 0 : index
    tpu.barrier barrier_id(%barrier3A)
    %scan3A_26 = arith.constant 0 : i32
    %scan3A_27 = arith.constant 0 : i32
    %scan3A_28 = arith.constant 10 : i32
    %scan3A_29 = arith.addi %scan3A_27, %scan3A_28 : i32
    %scan3A_30 = arith.constant 1 : i32
    scf.for %scan3A_37 = %scan3A_27 to %scan3A_29 step %scan3A_30  : i32 {
      %mul3A_38 = arith.constant 8 : i32
      %mul3A_39 = arith.muli %scan3A_37, %mul3A_38 : i32
      "tpu.region"() ({
        %run_scoped3A_159 = tpu.sem_alloc : memref<!tpu.dma_semaphore, #tpu.memory_space<semaphore_mem>>
        %dma_start3A_160 = arith.constant 0 : i32
        %dma_start3A_161 = tpu.memref_slice %arg3[%add3A, %mul3A_39, %dma_start3A_160] : memref<32x80x128xi32, #tpu.memory_space<hbm>> -> memref<1x8x128xi32, #tpu.memory_space<hbm>>
        %dma_start3A_162 = tpu.memref_squeeze %dma_start3A_161 : memref<1x8x128xi32, #tpu.memory_space<hbm>> -> memref<8x128xi32, #tpu.memory_space<hbm>>
        %dma_start3A_163 = arith.constant 0 : i32
        %dma_start3A_164 = tpu.memref_slice %arg3[%add3A, %mul3A_39, %dma_start3A_163] : memref<32x80x128xi32, #tpu.memory_space<hbm>> -> memref<1x8x128xi32, #tpu.memory_space<hbm>>
        %dma_start3A_165 = tpu.memref_squeeze %dma_start3A_164 : memref<1x8x128xi32, #tpu.memory_space<hbm>> -> memref<8x128xi32, #tpu.memory_space<hbm>>
        tpu.enqueue_dma source(%dma_start3A_165 : memref<8x128xi32, #tpu.memory_space<hbm>>) target(%arg7 : memref<8x128xi32, #tpu.memory_space<vmem>>) target_semaphore(%run_scoped3A_159 : memref<!tpu.dma_semaphore, #tpu.memory_space<semaphore_mem>>)
        %dma_wait3A_166 = arith.constant 0 : i32
        %dma_wait3A_167 = tpu.memref_slice %arg3[%add3A, %mul3A_39, %dma_wait3A_166] : memref<32x80x128xi32, #tpu.memory_space<hbm>> -> memref<1x8x128xi32, #tpu.memory_space<hbm>>
        %dma_wait3A_168 = tpu.memref_squeeze %dma_wait3A_167 : memref<1x8x128xi32, #tpu.memory_space<hbm>> -> memref<8x128xi32, #tpu.memory_space<hbm>>
        %dma_wait3A_169 = arith.constant 0 : i32
        %dma_wait3A_170 = tpu.memref_slice %arg3[%add3A, %mul3A_39, %dma_wait3A_169] : memref<32x80x128xi32, #tpu.memory_space<hbm>> -> memref<1x8x128xi32, #tpu.memory_space<hbm>>
        %dma_wait3A_171 = tpu.memref_squeeze %dma_wait3A_170 : memref<1x8x128xi32, #tpu.memory_space<hbm>> -> memref<8x128xi32, #tpu.memory_space<hbm>>
        tpu.wait_dma2 semaphore(%run_scoped3A_159 : memref<!tpu.dma_semaphore, #tpu.memory_space<semaphore_mem>>) src(%dma_wait3A_171 : memref<8x128xi32, #tpu.memory_space<hbm>>) dst(%arg7 : memref<8x128xi32, #tpu.memory_space<vmem>>)
        tpu.yield
      }) : () -> ()
      %mul3A_40 = arith.constant 8 : i32
      %mul3A_41 = arith.muli %scan3A_37, %mul3A_40 : i32
      "tpu.region"() ({
        %run_scoped3A_159 = tpu.sem_alloc : memref<!tpu.dma_semaphore, #tpu.memory_space<semaphore_mem>>
        %dma_start3A_160 = arith.constant 0 : i32
        %dma_start3A_161 = tpu.memref_slice %arg4[%add3A, %mul3A_41, %dma_start3A_160] : memref<32x80x128xi32, #tpu.memory_space<hbm>> -> memref<1x8x128xi32, #tpu.memory_space<hbm>>
        %dma_start3A_162 = tpu.memref_squeeze %dma_start3A_161 : memref<1x8x128xi32, #tpu.memory_space<hbm>> -> memref<8x128xi32, #tpu.memory_space<hbm>>
        %dma_start3A_163 = arith.constant 0 : i32
        %dma_start3A_164 = tpu.memref_slice %arg4[%add3A, %mul3A_41, %dma_start3A_163] : memref<32x80x128xi32, #tpu.memory_space<hbm>> -> memref<1x8x128xi32, #tpu.memory_space<hbm>>
        %dma_start3A_165 = tpu.memref_squeeze %dma_start3A_164 : memref<1x8x128xi32, #tpu.memory_space<hbm>> -> memref<8x128xi32, #tpu.memory_space<hbm>>
        tpu.enqueue_dma source(%dma_start3A_165 : memref<8x128xi32, #tpu.memory_space<hbm>>) target(%arg8 : memref<8x128xi32, #tpu.memory_space<vmem>>) target_semaphore(%run_scoped3A_159 : memref<!tpu.dma_semaphore, #tpu.memory_space<semaphore_mem>>)
        %dma_wait3A_166 = arith.constant 0 : i32
        %dma_wait3A_167 = tpu.memref_slice %arg4[%add3A, %mul3A_41, %dma_wait3A_166] : memref<32x80x128xi32, #tpu.memory_space<hbm>> -> memref<1x8x128xi32, #tpu.memory_space<hbm>>
        %dma_wait3A_168 = tpu.memref_squeeze %dma_wait3A_167 : memref<1x8x128xi32, #tpu.memory_space<hbm>> -> memref<8x128xi32, #tpu.memory_space<hbm>>
        %dma_wait3A_169 = arith.constant 0 : i32
        %dma_wait3A_170 = tpu.memref_slice %arg4[%add3A, %mul3A_41, %dma_wait3A_169] : memref<32x80x128xi32, #tpu.memory_space<hbm>> -> memref<1x8x128xi32, #tpu.memory_space<hbm>>
        %dma_wait3A_171 = tpu.memref_squeeze %dma_wait3A_170 : memref<1x8x128xi32, #tpu.memory_space<hbm>> -> memref<8x128xi32, #tpu.memory_space<hbm>>
        tpu.wait_dma2 semaphore(%run_scoped3A_159 : memref<!tpu.dma_semaphore, #tpu.memory_space<semaphore_mem>>) src(%dma_wait3A_171 : memref<8x128xi32, #tpu.memory_space<hbm>>) dst(%arg8 : memref<8x128xi32, #tpu.memory_space<vmem>>)
        tpu.yield
      }) : () -> ()
      %dma_start3A = arith.constant 0 : i32
      %dma_start3A_42 = arith.constant 0 : i32
      %dma_start3A_43 = tpu.memref_slice %arg7[%dma_start3A, %dma_start3A_42] : memref<8x128xi32, #tpu.memory_space<vmem>> -> memref<1x128xi32, #tpu.memory_space<vmem>>
      %dma_start3A_44 = tpu.memref_squeeze %dma_start3A_43 : memref<1x128xi32, #tpu.memory_space<vmem>> -> memref<128xi32, #tpu.memory_space<vmem>>
      %dma_start3A_45 = arith.constant 0 : i32
      %dma_start3A_46 = arith.constant 0 : i32
      %dma_start3A_47 = tpu.memref_slice %arg2[%dma_start3A_45, %dma_start3A_46] : memref<10000x128xf32, #tpu.memory_space<hbm>> -> memref<10000x128xf32, #tpu.memory_space<hbm>>
      tpu.enqueue_indirect_dma source(%dma_start3A_47 : memref<10000x128xf32, #tpu.memory_space<hbm>>) target(%arg9 : memref<128x128xf32, #tpu.memory_space<vmem>>) offsets(%dma_start3A_44 : memref<128xi32, #tpu.memory_space<vmem>>) semaphore(%arg11 : memref<!tpu.dma_semaphore, #tpu.memory_space<semaphore_mem>>)
      %dma_wait3A = arith.constant 0 : i32
      %dma_wait3A_48 = arith.constant 0 : i32
      %dma_wait3A_49 = tpu.memref_slice %arg7[%dma_wait3A, %dma_wait3A_48] : memref<8x128xi32, #tpu.memory_space<vmem>> -> memref<1x128xi32, #tpu.memory_space<vmem>>
      %dma_wait3A_50 = tpu.memref_squeeze %dma_wait3A_49 : memref<1x128xi32, #tpu.memory_space<vmem>> -> memref<128xi32, #tpu.memory_space<vmem>>
      %dma_wait3A_51 = arith.constant 0 : i32
      %dma_wait3A_52 = arith.constant 0 : i32
      %dma_wait3A_53 = tpu.memref_slice %arg2[%dma_wait3A_51, %dma_wait3A_52] : memref<10000x128xf32, #tpu.memory_space<hbm>> -> memref<10000x128xf32, #tpu.memory_space<hbm>>
      tpu.wait_indirect_dma semaphore(%arg11 : memref<!tpu.dma_semaphore, #tpu.memory_space<semaphore_mem>>) src(%dma_wait3A_53 : memref<10000x128xf32, #tpu.memory_space<hbm>>) dst(%arg9 : memref<128x128xf32, #tpu.memory_space<vmem>>)
      %run_scoped3A = arith.constant 0 : i32
      "tpu.region"() ({
        %run_scoped3A_159 = tpu.sem_alloc : memref<!tpu.dma_semaphore, #tpu.memory_space<semaphore_mem>>
        %dma_start3A_160 = arith.constant 0 : i32
        %dma_start3A_161 = tpu.memref_slice %arg8[%run_scoped3A, %dma_start3A_160] : memref<8x128xi32, #tpu.memory_space<vmem>> -> memref<1x128xi32, #tpu.memory_space<vmem>>
        %dma_start3A_162 = tpu.memref_squeeze %dma_start3A_161 : memref<1x128xi32, #tpu.memory_space<vmem>> -> memref<128xi32, #tpu.memory_space<vmem>>
        %dma_start3A_163 = arith.constant 0 : i32
        %dma_start3A_164 = arith.constant 0 : i32
        %dma_start3A_165 = tpu.memref_slice %arg6[%dma_start3A_163, %dma_start3A_164] : memref<10240x128xf32, #tpu.memory_space<vmem_shared>> -> memref<10240x128xf32, #tpu.memory_space<vmem_shared>>
        tpu.enqueue_indirect_dma source(%arg9 : memref<128x128xf32, #tpu.memory_space<vmem>>) target(%dma_start3A_165 : memref<10240x128xf32, #tpu.memory_space<vmem_shared>>) offsets(%dma_start3A_162 : memref<128xi32, #tpu.memory_space<vmem>>) semaphore(%run_scoped3A_159 : memref<!tpu.dma_semaphore, #tpu.memory_space<semaphore_mem>>) {add = true}
        %dma_wait3A_166 = arith.constant 0 : i32
        %dma_wait3A_167 = tpu.memref_slice %arg8[%run_scoped3A, %dma_wait3A_166] : memref<8x128xi32, #tpu.memory_space<vmem>> -> memref<1x128xi32, #tpu.memory_space<vmem>>
        %dma_wait3A_168 = tpu.memref_squeeze %dma_wait3A_167 : memref<1x128xi32, #tpu.memory_space<vmem>> -> memref<128xi32, #tpu.memory_space<vmem>>
        %dma_wait3A_169 = arith.constant 0 : i32
        %dma_wait3A_170 = arith.constant 0 : i32
        %dma_wait3A_171 = tpu.memref_slice %arg6[%dma_wait3A_169, %dma_wait3A_170] : memref<10240x128xf32, #tpu.memory_space<vmem_shared>> -> memref<10240x128xf32, #tpu.memory_space<vmem_shared>>
        tpu.wait_indirect_dma semaphore(%run_scoped3A_159 : memref<!tpu.dma_semaphore, #tpu.memory_space<semaphore_mem>>) src(%arg9 : memref<128x128xf32, #tpu.memory_space<vmem>>) dst(%dma_wait3A_171 : memref<10240x128xf32, #tpu.memory_space<vmem_shared>>)
        tpu.yield
      }) : () -> ()
      %dma_start3A_54 = arith.constant 1 : i32
      %dma_start3A_55 = arith.constant 0 : i32
      %dma_start3A_56 = tpu.memref_slice %arg7[%dma_start3A_54, %dma_start3A_55] : memref<8x128xi32, #tpu.memory_space<vmem>> -> memref<1x128xi32, #tpu.memory_space<vmem>>
      %dma_start3A_57 = tpu.memref_squeeze %dma_start3A_56 : memref<1x128xi32, #tpu.memory_space<vmem>> -> memref<128xi32, #tpu.memory_space<vmem>>
      %dma_start3A_58 = arith.constant 0 : i32
      %dma_start3A_59 = arith.constant 0 : i32
      %dma_start3A_60 = tpu.memref_slice %arg2[%dma_start3A_58, %dma_start3A_59] : memref<10000x128xf32, #tpu.memory_space<hbm>> -> memref<10000x128xf32, #tpu.memory_space<hbm>>
      tpu.enqueue_indirect_dma source(%dma_start3A_60 : memref<10000x128xf32, #tpu.memory_space<hbm>>) target(%arg10 : memref<128x128xf32, #tpu.memory_space<vmem>>) offsets(%dma_start3A_57 : memref<128xi32, #tpu.memory_space<vmem>>) semaphore(%arg12 : memref<!tpu.dma_semaphore, #tpu.memory_space<semaphore_mem>>)
      %dma_wait3A_61 = arith.constant 1 : i32
      %dma_wait3A_62 = arith.constant 0 : i32
      %dma_wait3A_63 = tpu.memref_slice %arg7[%dma_wait3A_61, %dma_wait3A_62] : memref<8x128xi32, #tpu.memory_space<vmem>> -> memref<1x128xi32, #tpu.memory_space<vmem>>
      %dma_wait3A_64 = tpu.memref_squeeze %dma_wait3A_63 : memref<1x128xi32, #tpu.memory_space<vmem>> -> memref<128xi32, #tpu.memory_space<vmem>>
      %dma_wait3A_65 = arith.constant 0 : i32
      %dma_wait3A_66 = arith.constant 0 : i32
      %dma_wait3A_67 = tpu.memref_slice %arg2[%dma_wait3A_65, %dma_wait3A_66] : memref<10000x128xf32, #tpu.memory_space<hbm>> -> memref<10000x128xf32, #tpu.memory_space<hbm>>
      tpu.wait_indirect_dma semaphore(%arg12 : memref<!tpu.dma_semaphore, #tpu.memory_space<semaphore_mem>>) src(%dma_wait3A_67 : memref<10000x128xf32, #tpu.memory_space<hbm>>) dst(%arg10 : memref<128x128xf32, #tpu.memory_space<vmem>>)
      %run_scoped3A_68 = arith.constant 1 : i32
      "tpu.region"() ({
        %run_scoped3A_159 = tpu.sem_alloc : memref<!tpu.dma_semaphore, #tpu.memory_space<semaphore_mem>>
        %dma_start3A_160 = arith.constant 0 : i32
        %dma_start3A_161 = tpu.memref_slice %arg8[%run_scoped3A_68, %dma_start3A_160] : memref<8x128xi32, #tpu.memory_space<vmem>> -> memref<1x128xi32, #tpu.memory_space<vmem>>
        %dma_start3A_162 = tpu.memref_squeeze %dma_start3A_161 : memref<1x128xi32, #tpu.memory_space<vmem>> -> memref<128xi32, #tpu.memory_space<vmem>>
        %dma_start3A_163 = arith.constant 0 : i32
        %dma_start3A_164 = arith.constant 0 : i32
        %dma_start3A_165 = tpu.memref_slice %arg6[%dma_start3A_163, %dma_start3A_164] : memref<10240x128xf32, #tpu.memory_space<vmem_shared>> -> memref<10240x128xf32, #tpu.memory_space<vmem_shared>>
        tpu.enqueue_indirect_dma source(%arg10 : memref<128x128xf32, #tpu.memory_space<vmem>>) target(%dma_start3A_165 : memref<10240x128xf32, #tpu.memory_space<vmem_shared>>) offsets(%dma_start3A_162 : memref<128xi32, #tpu.memory_space<vmem>>) semaphore(%run_scoped3A_159 : memref<!tpu.dma_semaphore, #tpu.memory_space<semaphore_mem>>) {add = true}
        %dma_wait3A_166 = arith.constant 0 : i32
        %dma_wait3A_167 = tpu.memref_slice %arg8[%run_scoped3A_68, %dma_wait3A_166] : memref<8x128xi32, #tpu.memory_space<vmem>> -> memref<1x128xi32, #tpu.memory_space<vmem>>
        %dma_wait3A_168 = tpu.memref_squeeze %dma_wait3A_167 : memref<1x128xi32, #tpu.memory_space<vmem>> -> memref<128xi32, #tpu.memory_space<vmem>>
        %dma_wait3A_169 = arith.constant 0 : i32
        %dma_wait3A_170 = arith.constant 0 : i32
        %dma_wait3A_171 = tpu.memref_slice %arg6[%dma_wait3A_169, %dma_wait3A_170] : memref<10240x128xf32, #tpu.memory_space<vmem_shared>> -> memref<10240x128xf32, #tpu.memory_space<vmem_shared>>
        tpu.wait_indirect_dma semaphore(%run_scoped3A_159 : memref<!tpu.dma_semaphore, #tpu.memory_space<semaphore_mem>>) src(%arg10 : memref<128x128xf32, #tpu.memory_space<vmem>>) dst(%dma_wait3A_171 : memref<10240x128xf32, #tpu.memory_space<vmem_shared>>)
        tpu.yield
      }) : () -> ()
      %dma_start3A_69 = arith.constant 2 : i32
      %dma_start3A_70 = arith.constant 0 : i32
      %dma_start3A_71 = tpu.memref_slice %arg7[%dma_start3A_69, %dma_start3A_70] : memref<8x128xi32, #tpu.memory_space<vmem>> -> memref<1x128xi32, #tpu.memory_space<vmem>>
      %dma_start3A_72 = tpu.memref_squeeze %dma_start3A_71 : memref<1x128xi32, #tpu.memory_space<vmem>> -> memref<128xi32, #tpu.memory_space<vmem>>
      %dma_start3A_73 = arith.constant 0 : i32
      %dma_start3A_74 = arith.constant 0 : i32
      %dma_start3A_75 = tpu.memref_slice %arg2[%dma_start3A_73, %dma_start3A_74] : memref<10000x128xf32, #tpu.memory_space<hbm>> -> memref<10000x128xf32, #tpu.memory_space<hbm>>
      tpu.enqueue_indirect_dma source(%dma_start3A_75 : memref<10000x128xf32, #tpu.memory_space<hbm>>) target(%arg9 : memref<128x128xf32, #tpu.memory_space<vmem>>) offsets(%dma_start3A_72 : memref<128xi32, #tpu.memory_space<vmem>>) semaphore(%arg11 : memref<!tpu.dma_semaphore, #tpu.memory_space<semaphore_mem>>)
      %dma_wait3A_76 = arith.constant 2 : i32
      %dma_wait3A_77 = arith.constant 0 : i32
      %dma_wait3A_78 = tpu.memref_slice %arg7[%dma_wait3A_76, %dma_wait3A_77] : memref<8x128xi32, #tpu.memory_space<vmem>> -> memref<1x128xi32, #tpu.memory_space<vmem>>
      %dma_wait3A_79 = tpu.memref_squeeze %dma_wait3A_78 : memref<1x128xi32, #tpu.memory_space<vmem>> -> memref<128xi32, #tpu.memory_space<vmem>>
      %dma_wait3A_80 = arith.constant 0 : i32
      %dma_wait3A_81 = arith.constant 0 : i32
      %dma_wait3A_82 = tpu.memref_slice %arg2[%dma_wait3A_80, %dma_wait3A_81] : memref<10000x128xf32, #tpu.memory_space<hbm>> -> memref<10000x128xf32, #tpu.memory_space<hbm>>
      tpu.wait_indirect_dma semaphore(%arg11 : memref<!tpu.dma_semaphore, #tpu.memory_space<semaphore_mem>>) src(%dma_wait3A_82 : memref<10000x128xf32, #tpu.memory_space<hbm>>) dst(%arg9 : memref<128x128xf32, #tpu.memory_space<vmem>>)
      %run_scoped3A_83 = arith.constant 2 : i32
      "tpu.region"() ({
        %run_scoped3A_159 = tpu.sem_alloc : memref<!tpu.dma_semaphore, #tpu.memory_space<semaphore_mem>>
        %dma_start3A_160 = arith.constant 0 : i32
        %dma_start3A_161 = tpu.memref_slice %arg8[%run_scoped3A_83, %dma_start3A_160] : memref<8x128xi32, #tpu.memory_space<vmem>> -> memref<1x128xi32, #tpu.memory_space<vmem>>
        %dma_start3A_162 = tpu.memref_squeeze %dma_start3A_161 : memref<1x128xi32, #tpu.memory_space<vmem>> -> memref<128xi32, #tpu.memory_space<vmem>>
        %dma_start3A_163 = arith.constant 0 : i32
        %dma_start3A_164 = arith.constant 0 : i32
        %dma_start3A_165 = tpu.memref_slice %arg6[%dma_start3A_163, %dma_start3A_164] : memref<10240x128xf32, #tpu.memory_space<vmem_shared>> -> memref<10240x128xf32, #tpu.memory_space<vmem_shared>>
        tpu.enqueue_indirect_dma source(%arg9 : memref<128x128xf32, #tpu.memory_space<vmem>>) target(%dma_start3A_165 : memref<10240x128xf32, #tpu.memory_space<vmem_shared>>) offsets(%dma_start3A_162 : memref<128xi32, #tpu.memory_space<vmem>>) semaphore(%run_scoped3A_159 : memref<!tpu.dma_semaphore, #tpu.memory_space<semaphore_mem>>) {add = true}
        %dma_wait3A_166 = arith.constant 0 : i32
        %dma_wait3A_167 = tpu.memref_slice %arg8[%run_scoped3A_83, %dma_wait3A_166] : memref<8x128xi32, #tpu.memory_space<vmem>> -> memref<1x128xi32, #tpu.memory_space<vmem>>
        %dma_wait3A_168 = tpu.memref_squeeze %dma_wait3A_167 : memref<1x128xi32, #tpu.memory_space<vmem>> -> memref<128xi32, #tpu.memory_space<vmem>>
        %dma_wait3A_169 = arith.constant 0 : i32
        %dma_wait3A_170 = arith.constant 0 : i32
        %dma_wait3A_171 = tpu.memref_slice %arg6[%dma_wait3A_169, %dma_wait3A_170] : memref<10240x128xf32, #tpu.memory_space<vmem_shared>> -> memref<10240x128xf32, #tpu.memory_space<vmem_shared>>
        tpu.wait_indirect_dma semaphore(%run_scoped3A_159 : memref<!tpu.dma_semaphore, #tpu.memory_space<semaphore_mem>>) src(%arg9 : memref<128x128xf32, #tpu.memory_space<vmem>>) dst(%dma_wait3A_171 : memref<10240x128xf32, #tpu.memory_space<vmem_shared>>)
        tpu.yield
      }) : () -> ()
      %dma_start3A_84 = arith.constant 3 : i32
      %dma_start3A_85 = arith.constant 0 : i32
      %dma_start3A_86 = tpu.memref_slice %arg7[%dma_start3A_84, %dma_start3A_85] : memref<8x128xi32, #tpu.memory_space<vmem>> -> memref<1x128xi32, #tpu.memory_space<vmem>>
      %dma_start3A_87 = tpu.memref_squeeze %dma_start3A_86 : memref<1x128xi32, #tpu.memory_space<vmem>> -> memref<128xi32, #tpu.memory_space<vmem>>
      %dma_start3A_88 = arith.constant 0 : i32
      %dma_start3A_89 = arith.constant 0 : i32
      %dma_start3A_90 = tpu.memref_slice %arg2[%dma_start3A_88, %dma_start3A_89] : memref<10000x128xf32, #tpu.memory_space<hbm>> -> memref<10000x128xf32, #tpu.memory_space<hbm>>
      tpu.enqueue_indirect_dma source(%dma_start3A_90 : memref<10000x128xf32, #tpu.memory_space<hbm>>) target(%arg10 : memref<128x128xf32, #tpu.memory_space<vmem>>) offsets(%dma_start3A_87 : memref<128xi32, #tpu.memory_space<vmem>>) semaphore(%arg12 : memref<!tpu.dma_semaphore, #tpu.memory_space<semaphore_mem>>)
      %dma_wait3A_91 = arith.constant 3 : i32
      %dma_wait3A_92 = arith.constant 0 : i32
      %dma_wait3A_93 = tpu.memref_slice %arg7[%dma_wait3A_91, %dma_wait3A_92] : memref<8x128xi32, #tpu.memory_space<vmem>> -> memref<1x128xi32, #tpu.memory_space<vmem>>
      %dma_wait3A_94 = tpu.memref_squeeze %dma_wait3A_93 : memref<1x128xi32, #tpu.memory_space<vmem>> -> memref<128xi32, #tpu.memory_space<vmem>>
      %dma_wait3A_95 = arith.constant 0 : i32
      %dma_wait3A_96 = arith.constant 0 : i32
      %dma_wait3A_97 = tpu.memref_slice %arg2[%dma_wait3A_95, %dma_wait3A_96] : memref<10000x128xf32, #tpu.memory_space<hbm>> -> memref<10000x128xf32, #tpu.memory_space<hbm>>
      tpu.wait_indirect_dma semaphore(%arg12 : memref<!tpu.dma_semaphore, #tpu.memory_space<semaphore_mem>>) src(%dma_wait3A_97 : memref<10000x128xf32, #tpu.memory_space<hbm>>) dst(%arg10 : memref<128x128xf32, #tpu.memory_space<vmem>>)
      %run_scoped3A_98 = arith.constant 3 : i32
      "tpu.region"() ({
        %run_scoped3A_159 = tpu.sem_alloc : memref<!tpu.dma_semaphore, #tpu.memory_space<semaphore_mem>>
        %dma_start3A_160 = arith.constant 0 : i32
        %dma_start3A_161 = tpu.memref_slice %arg8[%run_scoped3A_98, %dma_start3A_160] : memref<8x128xi32, #tpu.memory_space<vmem>> -> memref<1x128xi32, #tpu.memory_space<vmem>>
        %dma_start3A_162 = tpu.memref_squeeze %dma_start3A_161 : memref<1x128xi32, #tpu.memory_space<vmem>> -> memref<128xi32, #tpu.memory_space<vmem>>
        %dma_start3A_163 = arith.constant 0 : i32
        %dma_start3A_164 = arith.constant 0 : i32
        %dma_start3A_165 = tpu.memref_slice %arg6[%dma_start3A_163, %dma_start3A_164] : memref<10240x128xf32, #tpu.memory_space<vmem_shared>> -> memref<10240x128xf32, #tpu.memory_space<vmem_shared>>
        tpu.enqueue_indirect_dma source(%arg10 : memref<128x128xf32, #tpu.memory_space<vmem>>) target(%dma_start3A_165 : memref<10240x128xf32, #tpu.memory_space<vmem_shared>>) offsets(%dma_start3A_162 : memref<128xi32, #tpu.memory_space<vmem>>) semaphore(%run_scoped3A_159 : memref<!tpu.dma_semaphore, #tpu.memory_space<semaphore_mem>>) {add = true}
        %dma_wait3A_166 = arith.constant 0 : i32
        %dma_wait3A_167 = tpu.memref_slice %arg8[%run_scoped3A_98, %dma_wait3A_166] : memref<8x128xi32, #tpu.memory_space<vmem>> -> memref<1x128xi32, #tpu.memory_space<vmem>>
        %dma_wait3A_168 = tpu.memref_squeeze %dma_wait3A_167 : memref<1x128xi32, #tpu.memory_space<vmem>> -> memref<128xi32, #tpu.memory_space<vmem>>
        %dma_wait3A_169 = arith.constant 0 : i32
        %dma_wait3A_170 = arith.constant 0 : i32
        %dma_wait3A_171 = tpu.memref_slice %arg6[%dma_wait3A_169, %dma_wait3A_170] : memref<10240x128xf32, #tpu.memory_space<vmem_shared>> -> memref<10240x128xf32, #tpu.memory_space<vmem_shared>>
        tpu.wait_indirect_dma semaphore(%run_scoped3A_159 : memref<!tpu.dma_semaphore, #tpu.memory_space<semaphore_mem>>) src(%arg10 : memref<128x128xf32, #tpu.memory_space<vmem>>) dst(%dma_wait3A_171 : memref<10240x128xf32, #tpu.memory_space<vmem_shared>>)
        tpu.yield
      }) : () -> ()
      %dma_start3A_99 = arith.constant 4 : i32
      %dma_start3A_100 = arith.constant 0 : i32
      %dma_start3A_101 = tpu.memref_slice %arg7[%dma_start3A_99, %dma_start3A_100] : memref<8x128xi32, #tpu.memory_space<vmem>> -> memref<1x128xi32, #tpu.memory_space<vmem>>
      %dma_start3A_102 = tpu.memref_squeeze %dma_start3A_101 : memref<1x128xi32, #tpu.memory_space<vmem>> -> memref<128xi32, #tpu.memory_space<vmem>>
      %dma_start3A_103 = arith.constant 0 : i32
      %dma_start3A_104 = arith.constant 0 : i32
      %dma_start3A_105 = tpu.memref_slice %arg2[%dma_start3A_103, %dma_start3A_104] : memref<10000x128xf32, #tpu.memory_space<hbm>> -> memref<10000x128xf32, #tpu.memory_space<hbm>>
      tpu.enqueue_indirect_dma source(%dma_start3A_105 : memref<10000x128xf32, #tpu.memory_space<hbm>>) target(%arg9 : memref<128x128xf32, #tpu.memory_space<vmem>>) offsets(%dma_start3A_102 : memref<128xi32, #tpu.memory_space<vmem>>) semaphore(%arg11 : memref<!tpu.dma_semaphore, #tpu.memory_space<semaphore_mem>>)
      %dma_wait3A_106 = arith.constant 4 : i32
      %dma_wait3A_107 = arith.constant 0 : i32
      %dma_wait3A_108 = tpu.memref_slice %arg7[%dma_wait3A_106, %dma_wait3A_107] : memref<8x128xi32, #tpu.memory_space<vmem>> -> memref<1x128xi32, #tpu.memory_space<vmem>>
      %dma_wait3A_109 = tpu.memref_squeeze %dma_wait3A_108 : memref<1x128xi32, #tpu.memory_space<vmem>> -> memref<128xi32, #tpu.memory_space<vmem>>
      %dma_wait3A_110 = arith.constant 0 : i32
      %dma_wait3A_111 = arith.constant 0 : i32
      %dma_wait3A_112 = tpu.memref_slice %arg2[%dma_wait3A_110, %dma_wait3A_111] : memref<10000x128xf32, #tpu.memory_space<hbm>> -> memref<10000x128xf32, #tpu.memory_space<hbm>>
      tpu.wait_indirect_dma semaphore(%arg11 : memref<!tpu.dma_semaphore, #tpu.memory_space<semaphore_mem>>) src(%dma_wait3A_112 : memref<10000x128xf32, #tpu.memory_space<hbm>>) dst(%arg9 : memref<128x128xf32, #tpu.memory_space<vmem>>)
      %run_scoped3A_113 = arith.constant 4 : i32
      "tpu.region"() ({
        %run_scoped3A_159 = tpu.sem_alloc : memref<!tpu.dma_semaphore, #tpu.memory_space<semaphore_mem>>
        %dma_start3A_160 = arith.constant 0 : i32
        %dma_start3A_161 = tpu.memref_slice %arg8[%run_scoped3A_113, %dma_start3A_160] : memref<8x128xi32, #tpu.memory_space<vmem>> -> memref<1x128xi32, #tpu.memory_space<vmem>>
        %dma_start3A_162 = tpu.memref_squeeze %dma_start3A_161 : memref<1x128xi32, #tpu.memory_space<vmem>> -> memref<128xi32, #tpu.memory_space<vmem>>
        %dma_start3A_163 = arith.constant 0 : i32
        %dma_start3A_164 = arith.constant 0 : i32
        %dma_start3A_165 = tpu.memref_slice %arg6[%dma_start3A_163, %dma_start3A_164] : memref<10240x128xf32, #tpu.memory_space<vmem_shared>> -> memref<10240x128xf32, #tpu.memory_space<vmem_shared>>
        tpu.enqueue_indirect_dma source(%arg9 : memref<128x128xf32, #tpu.memory_space<vmem>>) target(%dma_start3A_165 : memref<10240x128xf32, #tpu.memory_space<vmem_shared>>) offsets(%dma_start3A_162 : memref<128xi32, #tpu.memory_space<vmem>>) semaphore(%run_scoped3A_159 : memref<!tpu.dma_semaphore, #tpu.memory_space<semaphore_mem>>) {add = true}
        %dma_wait3A_166 = arith.constant 0 : i32
        %dma_wait3A_167 = tpu.memref_slice %arg8[%run_scoped3A_113, %dma_wait3A_166] : memref<8x128xi32, #tpu.memory_space<vmem>> -> memref<1x128xi32, #tpu.memory_space<vmem>>
        %dma_wait3A_168 = tpu.memref_squeeze %dma_wait3A_167 : memref<1x128xi32, #tpu.memory_space<vmem>> -> memref<128xi32, #tpu.memory_space<vmem>>
        %dma_wait3A_169 = arith.constant 0 : i32
        %dma_wait3A_170 = arith.constant 0 : i32
        %dma_wait3A_171 = tpu.memref_slice %arg6[%dma_wait3A_169, %dma_wait3A_170] : memref<10240x128xf32, #tpu.memory_space<vmem_shared>> -> memref<10240x128xf32, #tpu.memory_space<vmem_shared>>
        tpu.wait_indirect_dma semaphore(%run_scoped3A_159 : memref<!tpu.dma_semaphore, #tpu.memory_space<semaphore_mem>>) src(%arg9 : memref<128x128xf32, #tpu.memory_space<vmem>>) dst(%dma_wait3A_171 : memref<10240x128xf32, #tpu.memory_space<vmem_shared>>)
        tpu.yield
      }) : () -> ()
      %dma_start3A_114 = arith.constant 5 : i32
      %dma_start3A_115 = arith.constant 0 : i32
      %dma_start3A_116 = tpu.memref_slice %arg7[%dma_start3A_114, %dma_start3A_115] : memref<8x128xi32, #tpu.memory_space<vmem>> -> memref<1x128xi32, #tpu.memory_space<vmem>>
      %dma_start3A_117 = tpu.memref_squeeze %dma_start3A_116 : memref<1x128xi32, #tpu.memory_space<vmem>> -> memref<128xi32, #tpu.memory_space<vmem>>
      %dma_start3A_118 = arith.constant 0 : i32
      %dma_start3A_119 = arith.constant 0 : i32
      %dma_start3A_120 = tpu.memref_slice %arg2[%dma_start3A_118, %dma_start3A_119] : memref<10000x128xf32, #tpu.memory_space<hbm>> -> memref<10000x128xf32, #tpu.memory_space<hbm>>
      tpu.enqueue_indirect_dma source(%dma_start3A_120 : memref<10000x128xf32, #tpu.memory_space<hbm>>) target(%arg10 : memref<128x128xf32, #tpu.memory_space<vmem>>) offsets(%dma_start3A_117 : memref<128xi32, #tpu.memory_space<vmem>>) semaphore(%arg12 : memref<!tpu.dma_semaphore, #tpu.memory_space<semaphore_mem>>)
      %dma_wait3A_121 = arith.constant 5 : i32
      %dma_wait3A_122 = arith.constant 0 : i32
      %dma_wait3A_123 = tpu.memref_slice %arg7[%dma_wait3A_121, %dma_wait3A_122] : memref<8x128xi32, #tpu.memory_space<vmem>> -> memref<1x128xi32, #tpu.memory_space<vmem>>
      %dma_wait3A_124 = tpu.memref_squeeze %dma_wait3A_123 : memref<1x128xi32, #tpu.memory_space<vmem>> -> memref<128xi32, #tpu.memory_space<vmem>>
      %dma_wait3A_125 = arith.constant 0 : i32
      %dma_wait3A_126 = arith.constant 0 : i32
      %dma_wait3A_127 = tpu.memref_slice %arg2[%dma_wait3A_125, %dma_wait3A_126] : memref<10000x128xf32, #tpu.memory_space<hbm>> -> memref<10000x128xf32, #tpu.memory_space<hbm>>
      tpu.wait_indirect_dma semaphore(%arg12 : memref<!tpu.dma_semaphore, #tpu.memory_space<semaphore_mem>>) src(%dma_wait3A_127 : memref<10000x128xf32, #tpu.memory_space<hbm>>) dst(%arg10 : memref<128x128xf32, #tpu.memory_space<vmem>>)
      %run_scoped3A_128 = arith.constant 5 : i32
      "tpu.region"() ({
        %run_scoped3A_159 = tpu.sem_alloc : memref<!tpu.dma_semaphore, #tpu.memory_space<semaphore_mem>>
        %dma_start3A_160 = arith.constant 0 : i32
        %dma_start3A_161 = tpu.memref_slice %arg8[%run_scoped3A_128, %dma_start3A_160] : memref<8x128xi32, #tpu.memory_space<vmem>> -> memref<1x128xi32, #tpu.memory_space<vmem>>
        %dma_start3A_162 = tpu.memref_squeeze %dma_start3A_161 : memref<1x128xi32, #tpu.memory_space<vmem>> -> memref<128xi32, #tpu.memory_space<vmem>>
        %dma_start3A_163 = arith.constant 0 : i32
        %dma_start3A_164 = arith.constant 0 : i32
        %dma_start3A_165 = tpu.memref_slice %arg6[%dma_start3A_163, %dma_start3A_164] : memref<10240x128xf32, #tpu.memory_space<vmem_shared>> -> memref<10240x128xf32, #tpu.memory_space<vmem_shared>>
        tpu.enqueue_indirect_dma source(%arg10 : memref<128x128xf32, #tpu.memory_space<vmem>>) target(%dma_start3A_165 : memref<10240x128xf32, #tpu.memory_space<vmem_shared>>) offsets(%dma_start3A_162 : memref<128xi32, #tpu.memory_space<vmem>>) semaphore(%run_scoped3A_159 : memref<!tpu.dma_semaphore, #tpu.memory_space<semaphore_mem>>) {add = true}
        %dma_wait3A_166 = arith.constant 0 : i32
        %dma_wait3A_167 = tpu.memref_slice %arg8[%run_scoped3A_128, %dma_wait3A_166] : memref<8x128xi32, #tpu.memory_space<vmem>> -> memref<1x128xi32, #tpu.memory_space<vmem>>
        %dma_wait3A_168 = tpu.memref_squeeze %dma_wait3A_167 : memref<1x128xi32, #tpu.memory_space<vmem>> -> memref<128xi32, #tpu.memory_space<vmem>>
        %dma_wait3A_169 = arith.constant 0 : i32
        %dma_wait3A_170 = arith.constant 0 : i32
        %dma_wait3A_171 = tpu.memref_slice %arg6[%dma_wait3A_169, %dma_wait3A_170] : memref<10240x128xf32, #tpu.memory_space<vmem_shared>> -> memref<10240x128xf32, #tpu.memory_space<vmem_shared>>
        tpu.wait_indirect_dma semaphore(%run_scoped3A_159 : memref<!tpu.dma_semaphore, #tpu.memory_space<semaphore_mem>>) src(%arg10 : memref<128x128xf32, #tpu.memory_space<vmem>>) dst(%dma_wait3A_171 : memref<10240x128xf32, #tpu.memory_space<vmem_shared>>)
        tpu.yield
      }) : () -> ()
      %dma_start3A_129 = arith.constant 6 : i32
      %dma_start3A_130 = arith.constant 0 : i32
      %dma_start3A_131 = tpu.memref_slice %arg7[%dma_start3A_129, %dma_start3A_130] : memref<8x128xi32, #tpu.memory_space<vmem>> -> memref<1x128xi32, #tpu.memory_space<vmem>>
      %dma_start3A_132 = tpu.memref_squeeze %dma_start3A_131 : memref<1x128xi32, #tpu.memory_space<vmem>> -> memref<128xi32, #tpu.memory_space<vmem>>
      %dma_start3A_133 = arith.constant 0 : i32
      %dma_start3A_134 = arith.constant 0 : i32
      %dma_start3A_135 = tpu.memref_slice %arg2[%dma_start3A_133, %dma_start3A_134] : memref<10000x128xf32, #tpu.memory_space<hbm>> -> memref<10000x128xf32, #tpu.memory_space<hbm>>
      tpu.enqueue_indirect_dma source(%dma_start3A_135 : memref<10000x128xf32, #tpu.memory_space<hbm>>) target(%arg9 : memref<128x128xf32, #tpu.memory_space<vmem>>) offsets(%dma_start3A_132 : memref<128xi32, #tpu.memory_space<vmem>>) semaphore(%arg11 : memref<!tpu.dma_semaphore, #tpu.memory_space<semaphore_mem>>)
      %dma_wait3A_136 = arith.constant 6 : i32
      %dma_wait3A_137 = arith.constant 0 : i32
      %dma_wait3A_138 = tpu.memref_slice %arg7[%dma_wait3A_136, %dma_wait3A_137] : memref<8x128xi32, #tpu.memory_space<vmem>> -> memref<1x128xi32, #tpu.memory_space<vmem>>
      %dma_wait3A_139 = tpu.memref_squeeze %dma_wait3A_138 : memref<1x128xi32, #tpu.memory_space<vmem>> -> memref<128xi32, #tpu.memory_space<vmem>>
      %dma_wait3A_140 = arith.constant 0 : i32
      %dma_wait3A_141 = arith.constant 0 : i32
      %dma_wait3A_142 = tpu.memref_slice %arg2[%dma_wait3A_140, %dma_wait3A_141] : memref<10000x128xf32, #tpu.memory_space<hbm>> -> memref<10000x128xf32, #tpu.memory_space<hbm>>
      tpu.wait_indirect_dma semaphore(%arg11 : memref<!tpu.dma_semaphore, #tpu.memory_space<semaphore_mem>>) src(%dma_wait3A_142 : memref<10000x128xf32, #tpu.memory_space<hbm>>) dst(%arg9 : memref<128x128xf32, #tpu.memory_space<vmem>>)
      %run_scoped3A_143 = arith.constant 6 : i32
      "tpu.region"() ({
        %run_scoped3A_159 = tpu.sem_alloc : memref<!tpu.dma_semaphore, #tpu.memory_space<semaphore_mem>>
        %dma_start3A_160 = arith.constant 0 : i32
        %dma_start3A_161 = tpu.memref_slice %arg8[%run_scoped3A_143, %dma_start3A_160] : memref<8x128xi32, #tpu.memory_space<vmem>> -> memref<1x128xi32, #tpu.memory_space<vmem>>
        %dma_start3A_162 = tpu.memref_squeeze %dma_start3A_161 : memref<1x128xi32, #tpu.memory_space<vmem>> -> memref<128xi32, #tpu.memory_space<vmem>>
        %dma_start3A_163 = arith.constant 0 : i32
        %dma_start3A_164 = arith.constant 0 : i32
        %dma_start3A_165 = tpu.memref_slice %arg6[%dma_start3A_163, %dma_start3A_164] : memref<10240x128xf32, #tpu.memory_space<vmem_shared>> -> memref<10240x128xf32, #tpu.memory_space<vmem_shared>>
        tpu.enqueue_indirect_dma source(%arg9 : memref<128x128xf32, #tpu.memory_space<vmem>>) target(%dma_start3A_165 : memref<10240x128xf32, #tpu.memory_space<vmem_shared>>) offsets(%dma_start3A_162 : memref<128xi32, #tpu.memory_space<vmem>>) semaphore(%run_scoped3A_159 : memref<!tpu.dma_semaphore, #tpu.memory_space<semaphore_mem>>) {add = true}
        %dma_wait3A_166 = arith.constant 0 : i32
        %dma_wait3A_167 = tpu.memref_slice %arg8[%run_scoped3A_143, %dma_wait3A_166] : memref<8x128xi32, #tpu.memory_space<vmem>> -> memref<1x128xi32, #tpu.memory_space<vmem>>
        %dma_wait3A_168 = tpu.memref_squeeze %dma_wait3A_167 : memref<1x128xi32, #tpu.memory_space<vmem>> -> memref<128xi32, #tpu.memory_space<vmem>>
        %dma_wait3A_169 = arith.constant 0 : i32
        %dma_wait3A_170 = arith.constant 0 : i32
        %dma_wait3A_171 = tpu.memref_slice %arg6[%dma_wait3A_169, %dma_wait3A_170] : memref<10240x128xf32, #tpu.memory_space<vmem_shared>> -> memref<10240x128xf32, #tpu.memory_space<vmem_shared>>
        tpu.wait_indirect_dma semaphore(%run_scoped3A_159 : memref<!tpu.dma_semaphore, #tpu.memory_space<semaphore_mem>>) src(%arg9 : memref<128x128xf32, #tpu.memory_space<vmem>>) dst(%dma_wait3A_171 : memref<10240x128xf32, #tpu.memory_space<vmem_shared>>)
        tpu.yield
      }) : () -> ()
      %dma_start3A_144 = arith.constant 7 : i32
      %dma_start3A_145 = arith.constant 0 : i32
      %dma_start3A_146 = tpu.memref_slice %arg7[%dma_start3A_144, %dma_start3A_145] : memref<8x128xi32, #tpu.memory_space<vmem>> -> memref<1x128xi32, #tpu.memory_space<vmem>>
      %dma_start3A_147 = tpu.memref_squeeze %dma_start3A_146 : memref<1x128xi32, #tpu.memory_space<vmem>> -> memref<128xi32, #tpu.memory_space<vmem>>
      %dma_start3A_148 = arith.constant 0 : i32
      %dma_start3A_149 = arith.constant 0 : i32
      %dma_start3A_150 = tpu.memref_slice %arg2[%dma_start3A_148, %dma_start3A_149] : memref<10000x128xf32, #tpu.memory_space<hbm>> -> memref<10000x128xf32, #tpu.memory_space<hbm>>
      tpu.enqueue_indirect_dma source(%dma_start3A_150 : memref<10000x128xf32, #tpu.memory_space<hbm>>) target(%arg10 : memref<128x128xf32, #tpu.memory_space<vmem>>) offsets(%dma_start3A_147 : memref<128xi32, #tpu.memory_space<vmem>>) semaphore(%arg12 : memref<!tpu.dma_semaphore, #tpu.memory_space<semaphore_mem>>)
      %dma_wait3A_151 = arith.constant 7 : i32
      %dma_wait3A_152 = arith.constant 0 : i32
      %dma_wait3A_153 = tpu.memref_slice %arg7[%dma_wait3A_151, %dma_wait3A_152] : memref<8x128xi32, #tpu.memory_space<vmem>> -> memref<1x128xi32, #tpu.memory_space<vmem>>
      %dma_wait3A_154 = tpu.memref_squeeze %dma_wait3A_153 : memref<1x128xi32, #tpu.memory_space<vmem>> -> memref<128xi32, #tpu.memory_space<vmem>>
      %dma_wait3A_155 = arith.constant 0 : i32
      %dma_wait3A_156 = arith.constant 0 : i32
      %dma_wait3A_157 = tpu.memref_slice %arg2[%dma_wait3A_155, %dma_wait3A_156] : memref<10000x128xf32, #tpu.memory_space<hbm>> -> memref<10000x128xf32, #tpu.memory_space<hbm>>
      tpu.wait_indirect_dma semaphore(%arg12 : memref<!tpu.dma_semaphore, #tpu.memory_space<semaphore_mem>>) src(%dma_wait3A_157 : memref<10000x128xf32, #tpu.memory_space<hbm>>) dst(%arg10 : memref<128x128xf32, #tpu.memory_space<vmem>>)
      %run_scoped3A_158 = arith.constant 7 : i32
      "tpu.region"() ({
        %run_scoped3A_159 = tpu.sem_alloc : memref<!tpu.dma_semaphore, #tpu.memory_space<semaphore_mem>>
        %dma_start3A_160 = arith.constant 0 : i32
        %dma_start3A_161 = tpu.memref_slice %arg8[%run_scoped3A_158, %dma_start3A_160] : memref<8x128xi32, #tpu.memory_space<vmem>> -> memref<1x128xi32, #tpu.memory_space<vmem>>
        %dma_start3A_162 = tpu.memref_squeeze %dma_start3A_161 : memref<1x128xi32, #tpu.memory_space<vmem>> -> memref<128xi32, #tpu.memory_space<vmem>>
        %dma_start3A_163 = arith.constant 0 : i32
        %dma_start3A_164 = arith.constant 0 : i32
        %dma_start3A_165 = tpu.memref_slice %arg6[%dma_start3A_163, %dma_start3A_164] : memref<10240x128xf32, #tpu.memory_space<vmem_shared>> -> memref<10240x128xf32, #tpu.memory_space<vmem_shared>>
        tpu.enqueue_indirect_dma source(%arg10 : memref<128x128xf32, #tpu.memory_space<vmem>>) target(%dma_start3A_165 : memref<10240x128xf32, #tpu.memory_space<vmem_shared>>) offsets(%dma_start3A_162 : memref<128xi32, #tpu.memory_space<vmem>>) semaphore(%run_scoped3A_159 : memref<!tpu.dma_semaphore, #tpu.memory_space<semaphore_mem>>) {add = true}
        %dma_wait3A_166 = arith.constant 0 : i32
        %dma_wait3A_167 = tpu.memref_slice %arg8[%run_scoped3A_158, %dma_wait3A_166] : memref<8x128xi32, #tpu.memory_space<vmem>> -> memref<1x128xi32, #tpu.memory_space<vmem>>
        %dma_wait3A_168 = tpu.memref_squeeze %dma_wait3A_167 : memref<1x128xi32, #tpu.memory_space<vmem>> -> memref<128xi32, #tpu.memory_space<vmem>>
        %dma_wait3A_169 = arith.constant 0 : i32
        %dma_wait3A_170 = arith.constant 0 : i32
        %dma_wait3A_171 = tpu.memref_slice %arg6[%dma_wait3A_169, %dma_wait3A_170] : memref<10240x128xf32, #tpu.memory_space<vmem_shared>> -> memref<10240x128xf32, #tpu.memory_space<vmem_shared>>
        tpu.wait_indirect_dma semaphore(%run_scoped3A_159 : memref<!tpu.dma_semaphore, #tpu.memory_space<semaphore_mem>>) src(%arg10 : memref<128x128xf32, #tpu.memory_space<vmem>>) dst(%dma_wait3A_171 : memref<10240x128xf32, #tpu.memory_space<vmem_shared>>)
        tpu.yield
      }) : () -> ()
    }
    %scan3A_31 = arith.constant 10 : i32
    %barrier3A_32 = arith.constant 0 : index
    tpu.barrier barrier_id(%barrier3A_32)
    %mul3A_33 = arith.constant 640 : i32
    %mul3A_34 = arith.muli %arg1, %mul3A_33 : i32
    %mul3A_35 = arith.constant 640 : i32
    %mul3A_36 = arith.muli %arg1, %mul3A_35 : i32
    "tpu.region"() ({
      %run_scoped3A = tpu.sem_alloc : memref<!tpu.dma_semaphore, #tpu.memory_space<semaphore_mem>>
      %dma_start3A = arith.constant 0 : i32
      %dma_start3A_37 = tpu.memref_slice %arg5[%arg0, %mul3A_36, %dma_start3A] : memref<2x10240x128xf32, #tpu.memory_space<hbm>> -> memref<1x640x128xf32, #tpu.memory_space<hbm>>
      %dma_start3A_38 = tpu.memref_squeeze %dma_start3A_37 : memref<1x640x128xf32, #tpu.memory_space<hbm>> -> memref<640x128xf32, #tpu.memory_space<hbm>>
      %dma_start3A_39 = arith.constant 0 : i32
      %dma_start3A_40 = tpu.memref_slice %arg6[%mul3A_34, %dma_start3A_39] : memref<10240x128xf32, #tpu.memory_space<vmem_shared>> -> memref<640x128xf32, #tpu.memory_space<vmem_shared>>
      tpu.enqueue_dma source(%dma_start3A_40 : memref<640x128xf32, #tpu.memory_space<vmem_shared>>) target(%dma_start3A_38 : memref<640x128xf32, #tpu.memory_space<hbm>>) target_semaphore(%run_scoped3A : memref<!tpu.dma_semaphore, #tpu.memory_space<semaphore_mem>>)
      %dma_wait3A = arith.constant 0 : i32
      %dma_wait3A_41 = tpu.memref_slice %arg5[%arg0, %mul3A_36, %dma_wait3A] : memref<2x10240x128xf32, #tpu.memory_space<hbm>> -> memref<1x640x128xf32, #tpu.memory_space<hbm>>
      %dma_wait3A_42 = tpu.memref_squeeze %dma_wait3A_41 : memref<1x640x128xf32, #tpu.memory_space<hbm>> -> memref<640x128xf32, #tpu.memory_space<hbm>>
      %dma_wait3A_43 = arith.constant 0 : i32
      %dma_wait3A_44 = tpu.memref_slice %arg6[%mul3A_34, %dma_wait3A_43] : memref<10240x128xf32, #tpu.memory_space<vmem_shared>> -> memref<640x128xf32, #tpu.memory_space<vmem_shared>>
      tpu.wait_dma2 semaphore(%run_scoped3A : memref<!tpu.dma_semaphore, #tpu.memory_space<semaphore_mem>>) src(%dma_wait3A_44 : memref<640x128xf32, #tpu.memory_space<vmem_shared>>) dst(%dma_wait3A_42 : memref<640x128xf32, #tpu.memory_space<hbm>>)
      tpu.yield
    }) : () -> ()
    return
  }
}

module attributes {stable_mosaic.version = 14 : i64} {
  func.func @_layer2_body(%arg0: i32, %arg1: memref<1000x1xf32, #tpu.memory_space<vmem>>, %arg2: memref<2x1000x128xf32, #tpu.memory_space<vmem>>, %arg3: memref<1000x128xf32, #tpu.memory_space<vmem>>, %arg4: memref<1x128xf32, #tpu.memory_space<vmem>>, %arg5: memref<128x128xf32, #tpu.memory_space<vmem>>, %arg6: memref<1000x128xf32, #tpu.memory_space<vmem>>) attributes {dimension_semantics = [#tpu.dimension_semantics<arbitrary>], iteration_bounds = array<i64: 10>, scalar_prefetch = 0 : i64, scratch_operands = 0 : i64, tpu.core_type = #tpu.core_type<tc>, window_params = [{transform_indices = @transform_0, window_bounds = array<i64: 1000, 1>}, {transform_indices = @transform_1, window_bounds = array<i64: 2, 1000, 128>}, {transform_indices = @transform_2, window_bounds = array<i64: 1000, 128>}, {pipeline_mode = #tpu.pipeline_mode<synchronous>, transform_indices = @transform_3, window_bounds = array<i64: 1, 128>}, {pipeline_mode = #tpu.pipeline_mode<synchronous>, transform_indices = @transform_4, window_bounds = array<i64: 128, 128>}, {transform_indices = @transform_5, window_bounds = array<i64: 1000, 128>}]} {
    %get3A = arith.constant 0 : index
    %get3A_0 = arith.constant 0 : index
    %get3A_1 = vector.load %arg1[%get3A, %get3A_0] : memref<1000x1xf32, #tpu.memory_space<vmem>>, vector<1000x1xf32>
    %get3A_2 = arith.constant 0 : index
    %get3A_3 = arith.constant 0 : index
    %get3A_4 = arith.constant 0 : index
    %get3A_5 = vector.load %arg2[%get3A_2, %get3A_3, %get3A_4] : memref<2x1000x128xf32, #tpu.memory_space<vmem>>, vector<1x1000x128xf32>
    %get3A_6 = vector.shape_cast %get3A_5 : vector<1x1000x128xf32> to vector<1000x128xf32>
    %get3A_7 = arith.constant 1 : index
    %get3A_8 = arith.constant 0 : index
    %get3A_9 = arith.constant 0 : index
    %get3A_10 = vector.load %arg2[%get3A_7, %get3A_8, %get3A_9] : memref<2x1000x128xf32, #tpu.memory_space<vmem>>, vector<1x1000x128xf32>
    %get3A_11 = vector.shape_cast %get3A_10 : vector<1x1000x128xf32> to vector<1000x128xf32>
    %add3A = arith.addf %get3A_6, %get3A_11 : vector<1000x128xf32>
    %get3A_12 = arith.constant 0 : index
    %get3A_13 = arith.constant 0 : index
    %get3A_14 = vector.load %arg3[%get3A_12, %get3A_13] : memref<1000x128xf32, #tpu.memory_space<vmem>>, vector<1000x128xf32>
    %add3A_15 = arith.addf %add3A, %get3A_14 : vector<1000x128xf32>
    %mul3A = vector.broadcast %get3A_1 : vector<1000x1xf32> to vector<1000x128xf32>
    %mul3A_16 = arith.mulf %mul3A, %add3A_15 : vector<1000x128xf32>
    %get3A_17 = arith.constant 0 : index
    %get3A_18 = arith.constant 0 : index
    %get3A_19 = vector.load %arg4[%get3A_17, %get3A_18] : memref<1x128xf32, #tpu.memory_space<vmem>>, vector<1x128xf32>
    %add3A_20 = vector.broadcast %get3A_19 : vector<1x128xf32> to vector<1000x128xf32>
    %add3A_21 = arith.addf %mul3A_16, %add3A_20 : vector<1000x128xf32>
    %max3A = arith.constant 0.000000e+00 : f32
    %max3A_22 = vector.broadcast %max3A : f32 to vector<1000x128xf32>
    %max3A_23 = arith.maximumf %add3A_21, %max3A_22 : vector<1000x128xf32>
    %get3A_24 = arith.constant 0 : index
    %get3A_25 = arith.constant 0 : index
    %get3A_26 = vector.load %arg5[%get3A_24, %get3A_25] : memref<128x128xf32, #tpu.memory_space<vmem>>, vector<128x128xf32>
    %dot_general3A = arith.constant dense<0.000000e+00> : vector<1000x128xf32>
    %dot_general3A_27 = tpu.matmul %max3A_23, %get3A_26, %dot_general3A {dimension_numbers = #tpu.dot_dimension_numbers<[1], [1], [0], [0], [0, 0, 1, 0], [], []>, transpose_lhs_hint = false} : vector<1000x128xf32>, vector<128x128xf32>, vector<1000x128xf32> -> vector<1000x128xf32>
    %mul3A_28 = vector.broadcast %get3A_1 : vector<1000x1xf32> to vector<1000x128xf32>
    %mul3A_29 = arith.mulf %dot_general3A_27, %mul3A_28 : vector<1000x128xf32>
    %swap3A = arith.constant 0 : index
    %swap3A_30 = arith.constant 0 : index
    %swap3A_31 = vector.load %arg6[%swap3A, %swap3A_30] : memref<1000x128xf32, #tpu.memory_space<vmem>>, vector<1000x128xf32>
    tpu.vector_store %arg6[%swap3A, %swap3A_30], %mul3A_29 {strides = array<i32>} : memref<1000x128xf32, #tpu.memory_space<vmem>>, vector<1000x128xf32>,
    return
  }
  func.func @transform_0(%arg0: i32) -> (i32, i32) {
    %c0_i32 = arith.constant 0 : i32
    %c0_i32_0 = arith.constant 0 : i32
    return %arg0, %c0_i32 : i32, i32
  }
  func.func @transform_1(%arg0: i32) -> (i32, i32, i32) {
    %c0_i32 = arith.constant 0 : i32
    %c0_i32_0 = arith.constant 0 : i32
    %c0_i32_1 = arith.constant 0 : i32
    return %c0_i32, %arg0, %c0_i32_0 : i32, i32, i32
  }
  func.func @transform_2(%arg0: i32) -> (i32, i32) {
    %c0_i32 = arith.constant 0 : i32
    %c0_i32_0 = arith.constant 0 : i32
    return %arg0, %c0_i32 : i32, i32
  }
  func.func @transform_3(%arg0: i32) -> (i32, i32) {
    %c0_i32 = arith.constant 0 : i32
    %c0_i32_0 = arith.constant 0 : i32
    %c0_i32_1 = arith.constant 0 : i32
    return %c0_i32, %c0_i32_0 : i32, i32
  }
  func.func @transform_4(%arg0: i32) -> (i32, i32) {
    %c0_i32 = arith.constant 0 : i32
    %c0_i32_0 = arith.constant 0 : i32
    %c0_i32_1 = arith.constant 0 : i32
    return %c0_i32, %c0_i32_0 : i32, i32
  }
  func.func @transform_5(%arg0: i32) -> (i32, i32) {
    %c0_i32 = arith.constant 0 : i32
    %c0_i32_0 = arith.constant 0 : i32
    return %arg0, %c0_i32 : i32, i32
  }
}

module attributes {stable_mosaic.version = 14 : i64} {
  func.func @_mm_scale_body(%arg0: i32, %arg1: memref<1000x1xf32, #tpu.memory_space<vmem>>, %arg2: memref<1000x128xf32, #tpu.memory_space<vmem>>, %arg3: memref<128x128xf32, #tpu.memory_space<vmem>>, %arg4: memref<1000x128xf32, #tpu.memory_space<vmem>>) attributes {dimension_semantics = [#tpu.dimension_semantics<arbitrary>], iteration_bounds = array<i64: 10>, scalar_prefetch = 0 : i64, scratch_operands = 0 : i64, tpu.core_type = #tpu.core_type<tc>, window_params = [{transform_indices = @transform_0, window_bounds = array<i64: 1000, 1>}, {transform_indices = @transform_1, window_bounds = array<i64: 1000, 128>}, {pipeline_mode = #tpu.pipeline_mode<synchronous>, transform_indices = @transform_2, window_bounds = array<i64: 128, 128>}, {transform_indices = @transform_3, window_bounds = array<i64: 1000, 128>}]} {
    %get3A = arith.constant 0 : index
    %get3A_0 = arith.constant 0 : index
    %get3A_1 = vector.load %arg2[%get3A, %get3A_0] : memref<1000x128xf32, #tpu.memory_space<vmem>>, vector<1000x128xf32>
    %get3A_2 = arith.constant 0 : index
    %get3A_3 = arith.constant 0 : index
    %get3A_4 = vector.load %arg3[%get3A_2, %get3A_3] : memref<128x128xf32, #tpu.memory_space<vmem>>, vector<128x128xf32>
    %dot_general3A = arith.constant dense<0.000000e+00> : vector<1000x128xf32>
    %dot_general3A_5 = tpu.matmul %get3A_1, %get3A_4, %dot_general3A {dimension_numbers = #tpu.dot_dimension_numbers<[1], [1], [0], [0], [0, 0, 1, 0], [], []>, transpose_lhs_hint = false} : vector<1000x128xf32>, vector<128x128xf32>, vector<1000x128xf32> -> vector<1000x128xf32>
    %get3A_6 = arith.constant 0 : index
    %get3A_7 = arith.constant 0 : index
    %get3A_8 = vector.load %arg1[%get3A_6, %get3A_7] : memref<1000x1xf32, #tpu.memory_space<vmem>>, vector<1000x1xf32>
    %mul3A = vector.broadcast %get3A_8 : vector<1000x1xf32> to vector<1000x128xf32>
    %mul3A_9 = arith.mulf %dot_general3A_5, %mul3A : vector<1000x128xf32>
    %swap3A = arith.constant 0 : index
    %swap3A_10 = arith.constant 0 : index
    %swap3A_11 = vector.load %arg4[%swap3A, %swap3A_10] : memref<1000x128xf32, #tpu.memory_space<vmem>>, vector<1000x128xf32>
    tpu.vector_store %arg4[%swap3A, %swap3A_10], %mul3A_9 {strides = array<i32>} : memref<1000x128xf32, #tpu.memory_space<vmem>>, vector<1000x128xf32>,
    return
  }
  func.func @transform_0(%arg0: i32) -> (i32, i32) {
    %c0_i32 = arith.constant 0 : i32
    %c0_i32_0 = arith.constant 0 : i32
    return %arg0, %c0_i32 : i32, i32
  }
  func.func @transform_1(%arg0: i32) -> (i32, i32) {
    %c0_i32 = arith.constant 0 : i32
    %c0_i32_0 = arith.constant 0 : i32
    return %arg0, %c0_i32 : i32, i32
  }
  func.func @transform_2(%arg0: i32) -> (i32, i32) {
    %c0_i32 = arith.constant 0 : i32
    %c0_i32_0 = arith.constant 0 : i32
    %c0_i32_1 = arith.constant 0 : i32
    return %c0_i32, %c0_i32_0 : i32, i32
  }
  func.func @transform_3(%arg0: i32) -> (i32, i32) {
    %c0_i32 = arith.constant 0 : i32
    %c0_i32_0 = arith.constant 0 : i32
    return %arg0, %c0_i32 : i32, i32
  }
}

module attributes {stable_mosaic.version = 14 : i64} {
  func.func @_final_body(%arg0: i32, %arg1: memref<1000x1xf32, #tpu.memory_space<vmem>>, %arg2: memref<2x1000x128xf32, #tpu.memory_space<vmem>>, %arg3: memref<1000x128xf32, #tpu.memory_space<vmem>>, %arg4: memref<1x128xf32, #tpu.memory_space<vmem>>, %arg5: memref<1000x128xf32, #tpu.memory_space<vmem>>) attributes {dimension_semantics = [#tpu.dimension_semantics<arbitrary>], iteration_bounds = array<i64: 10>, scalar_prefetch = 0 : i64, scratch_operands = 0 : i64, tpu.core_type = #tpu.core_type<tc>, window_params = [{transform_indices = @transform_0, window_bounds = array<i64: 1000, 1>}, {transform_indices = @transform_1, window_bounds = array<i64: 2, 1000, 128>}, {transform_indices = @transform_2, window_bounds = array<i64: 1000, 128>}, {pipeline_mode = #tpu.pipeline_mode<synchronous>, transform_indices = @transform_3, window_bounds = array<i64: 1, 128>}, {transform_indices = @transform_4, window_bounds = array<i64: 1000, 128>}]} {
    %get3A = arith.constant 0 : index
    %get3A_0 = arith.constant 0 : index
    %get3A_1 = vector.load %arg1[%get3A, %get3A_0] : memref<1000x1xf32, #tpu.memory_space<vmem>>, vector<1000x1xf32>
    %get3A_2 = arith.constant 0 : index
    %get3A_3 = arith.constant 0 : index
    %get3A_4 = arith.constant 0 : index
    %get3A_5 = vector.load %arg2[%get3A_2, %get3A_3, %get3A_4] : memref<2x1000x128xf32, #tpu.memory_space<vmem>>, vector<1x1000x128xf32>
    %get3A_6 = vector.shape_cast %get3A_5 : vector<1x1000x128xf32> to vector<1000x128xf32>
    %get3A_7 = arith.constant 1 : index
    %get3A_8 = arith.constant 0 : index
    %get3A_9 = arith.constant 0 : index
    %get3A_10 = vector.load %arg2[%get3A_7, %get3A_8, %get3A_9] : memref<2x1000x128xf32, #tpu.memory_space<vmem>>, vector<1x1000x128xf32>
    %get3A_11 = vector.shape_cast %get3A_10 : vector<1x1000x128xf32> to vector<1000x128xf32>
    %add3A = arith.addf %get3A_6, %get3A_11 : vector<1000x128xf32>
    %get3A_12 = arith.constant 0 : index
    %get3A_13 = arith.constant 0 : index
    %get3A_14 = vector.load %arg3[%get3A_12, %get3A_13] : memref<1000x128xf32, #tpu.memory_space<vmem>>, vector<1000x128xf32>
    %add3A_15 = arith.addf %add3A, %get3A_14 : vector<1000x128xf32>
    %mul3A = vector.broadcast %get3A_1 : vector<1000x1xf32> to vector<1000x128xf32>
    %mul3A_16 = arith.mulf %mul3A, %add3A_15 : vector<1000x128xf32>
    %get3A_17 = arith.constant 0 : index
    %get3A_18 = arith.constant 0 : index
    %get3A_19 = vector.load %arg4[%get3A_17, %get3A_18] : memref<1x128xf32, #tpu.memory_space<vmem>>, vector<1x128xf32>
    %add3A_20 = vector.broadcast %get3A_19 : vector<1x128xf32> to vector<1000x128xf32>
    %add3A_21 = arith.addf %mul3A_16, %add3A_20 : vector<1000x128xf32>
    %swap3A = arith.constant 0 : index
    %swap3A_22 = arith.constant 0 : index
    %swap3A_23 = vector.load %arg5[%swap3A, %swap3A_22] : memref<1000x128xf32, #tpu.memory_space<vmem>>, vector<1000x128xf32>
    tpu.vector_store %arg5[%swap3A, %swap3A_22], %add3A_21 {strides = array<i32>} : memref<1000x128xf32, #tpu.memory_space<vmem>>, vector<1000x128xf32>,
    return
  }
  func.func @transform_0(%arg0: i32) -> (i32, i32) {
    %c0_i32 = arith.constant 0 : i32
    %c0_i32_0 = arith.constant 0 : i32
    return %arg0, %c0_i32 : i32, i32
  }
  func.func @transform_1(%arg0: i32) -> (i32, i32, i32) {
    %c0_i32 = arith.constant 0 : i32
    %c0_i32_0 = arith.constant 0 : i32
    %c0_i32_1 = arith.constant 0 : i32
    return %c0_i32, %arg0, %c0_i32_0 : i32, i32, i32
  }
  func.func @transform_2(%arg0: i32) -> (i32, i32) {
    %c0_i32 = arith.constant 0 : i32
    %c0_i32_0 = arith.constant 0 : i32
    return %arg0, %c0_i32 : i32, i32
  }
  func.func @transform_3(%arg0: i32) -> (i32, i32) {
    %c0_i32 = arith.constant 0 : i32
    %c0_i32_0 = arith.constant 0 : i32
    %c0_i32_1 = arith.constant 0 : i32
    return %c0_i32, %c0_i32_0 : i32, i32
  }
  func.func @transform_4(%arg0: i32) -> (i32, i32) {
    %c0_i32 = arith.constant 0 : i32
    %c0_i32_0 = arith.constant 0 : i32
    return %arg0, %c0_i32 : i32, i32
  }
}

</mosaic_0001>

<sc_bundles>
// kernel: kernel.11.cloned.1.call-start
scs
__scs_entry_jumppad:
0x0: {  	(pc) =	sbr.rel $0x88, $3  }
0x1: {  	(tag) =	ssettag $0x0;
	lr =	simm.s32 $0x1  }
0x2: {  	[smem:$0x3F9B] =	sst lr;
	_ =	strace $0xD0000000  }
0x3: {  	_ = 	snop  }
0x4: {  	_ = 	snop  }
0x5: {  	_ = 	snop  }
0x6: {  	_ = 	snop  }
0x7: {  	_ = 	snop  }
__scs_overlays_trampoline_lowered:
0x8: {  	[smem:$0x3FAA] =	sst s0  }
0x9: {  	[smem:$0x3FAB] =	sst s1  }
0xa: {  	[smem:$0x3FAC] =	sst s2  }
0xb: {  	[smem:$0x3FAD] =	sst s3  }
0xc: {  	[smem:$0x3FAE] =	sst s4  }
0xd: {  	[smem:$0x3FAF] =	sst s5  }
0xe: {  	[smem:$0x3FB0] =	sst s6  }
0xf: {  	[smem:$0x3FB1] =	sst s7  }
0x10: {  	[smem:$0x3FB2] =	sst s8  }
0x11: {  	[smem:$0x3FB3] =	sst s9;
	s0 =	simm.s32 @!p0 $0x0  }
0x12: {  	s1 =	sld [smem:$0x3F99];
	s0 =	simm.s32 @p0 $0x1  }
0x13: {  	[smem:$0x3FB4] =	sst s0;
	s0 =	simm.s32 @!p1 $0x0  }
0x14: {  	s2 =	sld [smem:$0x3F98];
	s0 =	simm.s32 @p1 $0x1  }
0x15: {  	[smem:$0x3FB5] =	sst s0;
	s0 =	simm.s32 @!p2 $0x0  }
0x16: {  	s3 =	sld [smem:$0x3FDB];
	s0 =	simm.s32 @p2 $0x1  }
0x17: {  	s4 =	simm.s32 $0x1BF5;
	[smem:$0x3FB7] =	sst s0  }
0x18: {  	s0 =	sld [smem:$0x3F9A];
	_ =	swait.ge [sflag:s4], $0x0  }
0x19: {  	s7 =	sld [smem:$0x3F9B]  }
0x1a: {  	s8 =	sadd.s32 $0xFFFFE003, lr  }
0x1b: {  	s9 =	sadd.s32 $0xFFFFFEF7, lr;
	s5 =	simm.s32 $0xFFFFFFFF;
	p2 =	slt.u32 s8, $0xFFFFF086  }
0x1c: {  	p1 =	slt.u32 s9, $0xF7A;
	s5 =	simm.s32 @!p2 $0x0  }
0x1d: {  	s5 =	simm.s32 @p1 $0x1;
	p0 =	seq.s32 s7, s2  }
0x1e: {  	s7 =	smul.u32 @!p0 $0xF7A, s2;
	p2 =	seq.s32 @!p0 s5, $0x0  }
0x1f: {  	s9 =	smul.u32 $0xF7A, s1;
	s8 =	simm.s32 @!p0 $0x1BF5;
	p2 =	por !p2, p0  }
0x20: {  	[sflag:s8] =	ssyncset.s32 @!p0 $0xFFFFF086;
	s6 =	sadd.s32 @!p0 s3, s7;
	s7 =	simm.s32 @!p0 $0x108  }
0x21: {  	s3 =	sadd.s32 s3, s9;
	s6 =	sadd.s32 @!p0 $0x88, s6;
	s7 =	simm.s32 @p2 $0x1082  }
0x22: {  	[simem:s7], [sflag:s8] =	dma.local @!p0 [hbm:s6], $0xF7A  }
0x23: {  	s9 =	sor.u32 $0xD0000000, s2;
	s6 =	simm.s32 $0x108;
	_ =	swait.ge @!p0 [sflag:s8], $0x0  }
0x24: {  	s3 =	sadd.s32 $0x88, s3;
	s6 =	simm.s32 @!p1 $0x1082;
	[sflag:s4] =	ssyncset.s32 $0xFFFFF086  }
0x25: {  	[simem:s6], [sflag:s4] =	dma.local [hbm:s3], $0xF7A  }
0x26: {  	[smem:$0x3F9B] =	sst s1;
	(tag) =	ssettag s2;
	_ =	strace s9  }
0x27: {  	s1 =	sld [smem:$0x3FAB]  }
0x28: {  	s2 =	sld [smem:$0x3FAC]  }
0x29: {  	s4 =	sld [smem:$0x3FAE]  }
0x2a: {  	p0 =	seq.s32 s5, $0x0;
	s5 =	sld [smem:$0x3FAF]  }
0x2b: {  	s6 =	sld [smem:$0x3FB0]  }
0x2c: {  	s7 =	sld [smem:$0x3FB1]  }
0x2d: {  	s3 =	simm.s32 $0x108;
	s8 =	sld [smem:$0x3FB2]  }
0x2e: {  	s3 =	simm.s32 @!p0 $0x1082;
	s9 =	sld [smem:$0x3FB3]  }
0x2f: {  	lr =	sadd.s32 s0, s3;
	s0 =	sld [smem:$0x3FAA]  }
0x30: {  	s3 =	sld [smem:$0x3FAD]  }
0x31: {  	[smem:$0x3FB6] =	sst s10  }
0x32: {  	s10 =	sld [smem:$0x3FB4];
	_ =	sdelay $0x3  }
0x33: {  	p0 =	seq.s32 s10, $0x1;
	s10 =	sld [smem:$0x3FB6];
	_ =	sdelay $0x3  }
0x34: {  	[smem:$0x3FB6] =	sst s10  }
0x35: {  	s10 =	sld [smem:$0x3FB5];
	_ =	sdelay $0x3  }
0x36: {  	p1 =	seq.s32 s10, $0x1;
	s10 =	sld [smem:$0x3FB6];
	_ =	sdelay $0x3  }
0x37: {  	[smem:$0x3FB6] =	sst s10  }
0x38: {  	s10 =	sld [smem:$0x3FB7]  }
0x39: {  	_ = 	snop;
	(pc) =	sbr.ind lr, $3  }
0x3a: {  	_ = 	snop  }
0x3b: {  	_ = 	snop  }
0x3c: {  	p2 =	seq.s32 s10, $0x1;
	s10 =	sld [smem:$0x3FB6]  }
0x3d: {  	_ =	shalt  }
0x3e: {  	_ =	shalt  }
0x3f: {  	_ =	shalt  }
0x40: {  	_ =	shalt  }
0x41: {  	_ =	shalt  }
0x42: {  	_ =	shalt  }
0x43: {  	_ =	shalt  }
0x44: {  	_ =	shalt  }
0x45: {  	_ =	shalt  }
0x46: {  	_ =	shalt  }
0x47: {  	_ =	shalt  }
0x48: {  	_ =	shalt  }
0x49: {  	_ =	shalt  }
0x4a: {  	_ =	shalt  }
0x4b: {  	_ =	shalt  }
0x4c: {  	_ =	shalt  }
0x4d: {  	_ =	shalt  }
0x4e: {  	_ =	shalt  }
0x4f: {  	_ =	shalt  }
0x50: {  	_ =	shalt  }
0x51: {  	_ =	shalt  }
0x52: {  	_ =	shalt  }
0x53: {  	_ =	shalt  }
0x54: {  	_ =	shalt  }
0x55: {  	_ =	shalt  }
0x56: {  	_ =	shalt  }
0x57: {  	_ =	shalt  }
0x58: {  	_ =	shalt  }
0x59: {  	_ =	shalt  }
0x5a: {  	_ =	shalt  }
0x5b: {  	_ =	shalt  }
0x5c: {  	_ =	shalt  }
0x5d: {  	_ =	shalt  }
0x5e: {  	_ =	shalt  }
0x5f: {  	_ =	shalt  }
0x60: {  	_ =	shalt  }
0x61: {  	_ =	shalt  }
0x62: {  	_ =	shalt  }
0x63: {  	_ =	shalt  }
0x64: {  	_ =	shalt  }
0x65: {  	_ =	shalt  }
0x66: {  	_ =	shalt  }
0x67: {  	_ =	shalt  }
0x68: {  	_ =	shalt  }
0x69: {  	_ =	shalt  }
0x6a: {  	_ =	shalt  }
0x6b: {  	_ =	shalt  }
0x6c: {  	_ =	shalt  }
0x6d: {  	_ =	shalt  }
0x6e: {  	_ =	shalt  }
0x6f: {  	_ =	shalt  }
0x70: {  	_ =	shalt  }
0x71: {  	_ =	shalt  }
0x72: {  	_ =	shalt  }
0x73: {  	_ =	shalt  }
0x74: {  	_ =	shalt  }
0x75: {  	_ =	shalt  }
0x76: {  	_ =	shalt  }
0x77: {  	_ =	shalt  }
0x78: {  	_ =	shalt  }
0x79: {  	_ =	shalt  }
0x7a: {  	_ =	shalt  }
0x7b: {  	_ =	shalt  }
0x7c: {  	_ =	shalt  }
0x7d: {  	_ =	shalt  }
0x7e: {  	_ =	shalt  }
0x7f: {  	_ =	shalt  }
0x80: {  	_ =	shalt  }
0x81: {  	_ =	shalt  }
0x82: {  	_ =	shalt  }
0x83: {  	_ =	shalt  }
0x84: {  	_ =	shalt  }
0x85: {  	_ =	shalt  }
0x86: {  	_ =	shalt  }
0x87: {  	_ =	shalt  }
.Lfunc_end0:
.L_simem_size_0:
called_computation.1_lowered:
.L_overlay_start_0:
0x88: {  	s2 =	sld [smem:$0x3FD9]  }
0x89: {  	s3 =	sld [smem:$0x3FFE];
	_ =	sdelay $0x1  }
0x8a: {  	s1 =	srdreg.scid  }
0x8b: {  	s0 =	sand.u32 $0x1, s1  }
0x8c: {  	s17 =	sshll.u32 s0, $0xA;
	s2 =	sadd.s32 s3, s2  }
0x8d: {  	s2 =	sadd.s32 s2, s17  }
0x8e: {  	[smem:$0x3FC2] =	sst s2  }
0x8f: {  	_ = 	snop  }
0x90: {  	s2 =	sld [smem:$0x3FD0];
	(tm) =	ssettm $0x1  }
0x91: {  	s18 =	sld [smem:$0x3FFB];
	_ =	sdelay $0x3  }
0x92: {  	_ =	strace s18  }
0x93: {  	s3 =	sld [smem:$0x3FFC];
	_ =	sdelay $0x3  }
0x94: {  	_ =	strace s3  }
0x95: {  	s3 =	sld [smem:$0x3FFD];
	_ =	sdelay $0x3  }
0x96: {  	_ =	strace s3  }
0x97: {  	_ =	strace $0x8FFFFFFF  }
0x98: {  	s19 =	sld [smem:$0x3FDB];
	_ =	sdelay $0x1  }
0x99: {  	s4 =	simm.s32 $_scs_section_size  }
0x9a: {  	s5 =	simm.s32 $_size__tile_overlayer_lowered;
	s6 =	simm.s32 $_tile_overlayer_lowered  }
0x9b: {  	s22 =	simm.s32 $0x1BFF;
	s21 =	sshll.u32 s6, $0x1;
	s3 =	sadd.s32 s4, s19  }
0x9c: {  	s7 =	simm.s32 $0x0;
	s20 =	sshll.u32 s5, $0x1;
	s5 =	sadd.s32 s21, s3  }
0x9d: {  	[timem:s7], [sflag:s22] =	dma.local [hbm:s5], s20  }
0x9e: {  	_ =	swait.ge [sflag:s22], s20  }
0x9f: {  	s4 =	ssub.s32 $0x0, s20;
	[sflag:s22] =	ssyncset.done $0x0  }
0xa0: {  	[sflag:s22] =	ssyncadd.s32 s4;
	_ =	sdelay $0x1  }
0xa1: {  	s23 =	simm.s32 $0x1B8B  }
0xa2: {  	_ =	swait.ge [sflag:s23], $0x1  }
0xa3: {  	[sflag:s23] =	ssyncset.done $0x0  }
0xa4: {  	s25 =	simm.s32 $0x1B8E;
	s24 =	sld [smem:$0x3FFE];
	[sflag:s23] =	ssyncadd.s32 $0xFFFFFFFF  }
0xa5: {  	s26 =	simm.s32 $execute0_lowered;
	[smem:$0x3FD2] =	sst s25  }
0xa6: {  	s5 =	sshll.u32 s26, $0x1;
	_ =	strace $0x80000049;
	[dreg:$0x1] =	wrdreg $0xFFFFFFFF  }
0xa7: {  	s28 =	simm.s32 $_size_execute0_lowered;
	s3 =	sadd.s32 s3, s5;
	[dreg:$0x0] =	wrdreg $0x0  }
0xa8: {  	s5 =	sshll.u32 s28, $0x1;
	[dreg:$0x2] =	wrdreg s3  }
0xa9: {  	[dreg:$0x3] =	wrdreg s5  }
0xaa: {  	[dreg:$0x4] =	wrdreg $0xC0  }
0xab: {  	_ =	task [dreg:s7], $0x5FFFF  }
0xac: {  	[dreg:$0x1] =	wrdreg $0xFFFFFFFF  }
0xad: {  	[dreg:$0x0] =	wrdreg $0x60  }
0xae: {  	[dreg:$0x2] =	wrdreg s2  }
0xaf: {  	[dreg:$0x3] =	wrdreg s24  }
0xb0: {  	[dreg:$0x4] =	wrdreg $0x0  }
0xb1: {  	[dreg:$0x5] =	wrdreg $0x9  }
0xb2: {  	_ =	task.clear_ibuf [dreg:s7], $0x6FFFF;
	_ =	strace $0x90000049  }
0xb3: {  	s29 =	simm.s32 $0x9;
	_ =	strace $0x8000004B  }
0xb4: {  	_ =	swait.ge [sflag:s29], $0x1  }
0xb5: {  	[sflag:s29] =	ssyncadd.s32 $0xFFFFFFFF  }
0xb6: {  	_ =	strace $0x9000004B  }
0xb7: {  	_ =	sfence  }
0xb8: {  	s30 =	sld [smem:$0x0];
	_ =	sdelay $0x2  }
0xb9: {  	s31 =	sshll.u32 s1, $0xD;
	s1 =	sshrl.u32 s1, $0x2  }
0xba: {  	s3 =	sand.u32 $0x4000, s31;
	s1 =	sadd.s32 s1, s30  }
0xbb: {  	s0 =	sor.u32 s3, s0;
	s1 =	sshll.u32 s1, $0x11  }
0xbc: {  	s0 =	sor.u32 s1, s0  }
0xbd: {  	s0 =	sadd.s32 $0x8F2B, s0  }
0xbe: {  	[sflag:s0] =	ssyncadd.remote.s32 $0x1  }
0xbf: {  	_ =	sfence.sel $0xFFFF  }
0xc0: {  	[dreg:$0x0] =	wrdreg $0xFFFFFFFF;
	(pc) =	sbr.abs _section_cstart, $3  }
0xc1: {  	[dreg:$0x1] =	wrdreg $0xFFFFFFFF  }
0xc2: {  	_ =	task.clear_ibuf [dreg:s7], $0x2FFFF;
	_ =	strace $0x9FFFFFFF  }
0xc3: {  	(tm) =	ssettm $0x7FFFFFFF  }
tec
execute0_lowered:
.L_overlay_start_1:
0x0: {  	(tag) =	ssettag $0x1  }
0x1: {  	s1 =	rddreg [dreg:$0x0];
	s0 =	srdreg.scid  }
0x2: {  	s2 =	rddreg [dreg:$0x1];
	s8 =	stileid.u32  }
0x3: {  	s3 =	rddreg [dreg:$0x2];
	s4 =	simm.s32 $0x0;
	s13 =	simm.s32 $0x14800  }
0x4: {  	s14 =	simm.s32 $0x3;
	s15 =	simm.s32 $0x14000;
	s6 =	smul.u32 $0x2800, s8  }
0x5: {  	s16 =	simm.s32 $0x14400;
	s17 =	simm.s32 $0x80;
	s18 =	smul.u32 $0x14000, s8  }
0x6: {  	s28 =	simm.s32 $0x14200;
	s0 =	sand.u32 $0x1, s0;
	s8 =	smul.u32 $0x50000, s8  }
0x7: {  	s29 =	simm.s32 $0x14600;
	s30 =	simm.s32 $0x14280;
	s5 =	smul.u32 $0x28000, s0  }
0x8: {  	s31 =	simm.s32 $0x14680;
	[smem:$0x7FF] =	sst s4;
	s7 =	smul.u32 $0x140000, s0  }
0x9: {  	_ =	strace $0x8000004A;
	s0 =	ssub.s32 $0x2, s0;
	s20 =	sshrl.u32 s8, $0x2  }
0xa: {  	s21 =	sshrl.u32 s0, $0x1;
	s8 =	simm.s32 $0x0;
	s5 =	sadd.s32 s6, s5  }
0xb: {  	s19 =	sadd.s32 s18, s7;
	s11 =	sadd.s32 s20, s3;
	s0 =	ssub.s32 s0, s21  }
0xc: {  	s18 =	simm.s32 $0x1;
	s20 =	simm.s32 $0x18800;
	s21 =	simm.s32 $0x2  }
0xd: {  	s6 =	simm.s32 $0x14380;
	s22 =	sadd.s32 $0x4000, s11;
	[dreg:$0x5] =	wrdreg s11  }
0xe: {  	s7 =	simm.s32 $0x14780;
	s23 =	sadd.s32 $0x8000, s11;
	[dreg:$0x6] =	wrdreg s22  }
0xf: {  	s5 =	sshrl.u32 s5, $0x3;
	s24 =	sadd.s32 $0xC000, s11;
	[dreg:$0x7] =	wrdreg s23  }
0x10: {  	s25 =	sadd.s32 $0x10000, s11;
	s0 =	smax.u32 s0, $0x1;
	[dreg:$0x8] =	wrdreg s24  }
0x11: {  	s9 =	sadd.s32 s5, s2;
	s5 =	sshrl.u32 s19, $0x3;
	[dreg:$0x9] =	wrdreg s25  }
0x12: {  	[dreg:$0xb] =	wrdreg s0;
	s19 =	simm.s32 $0x14080;
	s22 =	simm.s32 $0x14480  }
0x13: {  	s23 =	simm.s32 $0x14100;
	s24 =	simm.s32 $0x14500;
	s25 =	simm.s32 $0x14180  }
0x14: {  	s0 =	simm.s32 $0x14700;
	s2 =	sadd.s32 s5, s2;
	s26 =	sadd.s32 $0x1E00, s9  }
0x15: {  	s12 =	sadd.s32 $0x65E00, s9;
	s2 =	sadd.s32 $0xBE00, s2;
	[dreg:$0x4] =	wrdreg s26  }
0x16: {  	v0 =	vimm.f32 $0.0e+00;
	s26 =	simm.s32 $0x14580;
	[dreg:$0xa] =	wrdreg s2;
	s2 =	simm.s32 $0x14300  }
.LBB2_1:
0x17: {  	s9 =	simm.s32 $0x0;
	s10 =	simm.s32 $0x200  }
.LBB2_2:
0x18: {  	p0 =	sne.s32 s10, $0xFE00;
	[tilespmem:s9+$0x14870] =	vst v0  }
0x19: {  	[tilespmem:s9+$0x14800] =	vst v0  }
0x1a: {  	[tilespmem:s9+$0x14810] =	vst v0  }
.Ltmp0:
0x1b: {  	[tilespmem:s9+$0x14820] =	vst v0;
	(pc) =	sbr.rel @p0 .LBB2_2-.Ltmp0, $4  }
0x1c: {  	[tilespmem:s9+$0x14830] =	vst v0  }
0x1d: {  	[tilespmem:s9+$0x14840] =	vst v0  }
0x1e: {  	[tilespmem:s9+$0x14850] =	vst v0  }
0x1f: {  	[tilespmem:s9+$0x14860] =	vst v0;
	s9 =	sshra.s32 s10, $0x2;
	s10 =	sadd.s32 $0x200, s10  }
0x20: {  	[tilespmem:s9+$0x14870] =	vst v0  }
0x21: {  	[tilespmem:s9+$0x14800] =	vst v0  }
0x22: {  	[tilespmem:s9+$0x14810] =	vst v0  }
0x23: {  	[tilespmem:s9+$0x14820] =	vst v0  }
0x24: {  	[tilespmem:s9+$0x14830] =	vst v0  }
0x25: {  	[tilespmem:s9+$0x14840] =	vst v0  }
0x26: {  	[tilespmem:s9+$0x14850] =	vst v0  }
0x27: {  	[dreg:$0xc] =	wrdreg s8;
	[tilespmem:s9+$0x14860] =	vst v0  }
0x28: {  	[spmem:s11] =	stream.linear.scatter [tilespmem:s13], [sflag:$0x3], $0x4000, $0x38;
	[tilespmem:$0x1C800] =	vst v63  }
0x29: {  	_ =	swait.ge [sflag:s14], $0x4000  }
0x2a: {  	[sflag:s14] =	ssyncset.done $0x0  }
0x2b: {  	s5 =	rddreg [dreg:$0x6];
	[sflag:s14] =	ssyncadd.s32 $0xFFFFC000  }
0x2c: {  	[spmem:s5] =	stream.linear.scatter [tilespmem:s13], [sflag:$0x3], $0x4000, $0x38;
	[tilespmem:$0x1C800] =	vst v63  }
0x2d: {  	_ =	swait.ge [sflag:s14], $0x4000  }
0x2e: {  	[sflag:s14] =	ssyncset.done $0x0  }
0x2f: {  	s11 =	rddreg [dreg:$0x7];
	[sflag:s14] =	ssyncadd.s32 $0xFFFFC000  }
0x30: {  	[spmem:s11] =	stream.linear.scatter [tilespmem:s13], [sflag:$0x3], $0x4000, $0x38;
	[tilespmem:$0x1C800] =	vst v63  }
0x31: {  	_ =	swait.ge [sflag:s14], $0x4000  }
0x32: {  	[sflag:s14] =	ssyncset.done $0x0  }
0x33: {  	s8 =	rddreg [dreg:$0x8];
	[sflag:s14] =	ssyncadd.s32 $0xFFFFC000  }
0x34: {  	[spmem:s8] =	stream.linear.scatter [tilespmem:s13], [sflag:$0x3], $0x4000, $0x38;
	[tilespmem:$0x1C800] =	vst v63  }
0x35: {  	_ =	swait.ge [sflag:s14], $0x4000  }
0x36: {  	[sflag:s14] =	ssyncset.done $0x0  }
0x37: {  	s9 =	rddreg [dreg:$0x9];
	[sflag:s14] =	ssyncadd.s32 $0xFFFFC000  }
0x38: {  	[spmem:s9] =	stream.linear.scatter [tilespmem:s13], [sflag:$0x3], $0x4000, $0x38;
	[tilespmem:$0x1C800] =	vst v63  }
0x39: {  	_ =	swait.ge [sflag:s14], $0x4000  }
0x3a: {  	[sflag:s14] =	ssyncset.done $0x0  }
0x3b: {  	[sflag:s14] =	ssyncadd.s32 $0xFFFFC000  }
0x3c: {  	s10 =	sadd.s32 $0x0, s12;
	[bflag:$0x0] =	sbarrier.arrive $0xFFFF  }
0x3d: {  	[tilespmem:s15], [sflag:$0x3] =	stream.linear.gather [hbm4b:s10+s4], $0x400, $0x38;
	[tilespmem:$0x1C800] =	vst v63  }
0x3e: {  	_ =	swait.ge [sflag:s14], $0x400  }
0x3f: {  	s11 =	rddreg [dreg:$0x4];
	[sflag:s14] =	ssyncset.done $0x0  }
0x40: {  	[sflag:s14] =	ssyncadd.s32 $0xFFFFFC00;
	s9 =	sadd.s32 $0x0, s11  }
0x41: {  	[tilespmem:s16], [sflag:$0x3] =	stream.linear.gather [hbm4b:s9+s4], $0x400, $0x38;
	[tilespmem:$0x1C800] =	vst v63  }
0x42: {  	_ =	swait.ge [sflag:s14], $0x400  }
0x43: {  	[sflag:s14] =	ssyncset.done $0x0  }
0x44: {  	[sflag:s14] =	ssyncadd.s32 $0xFFFFFC00  }
0x45: {  	[tilespmem:s13], [sflag:$0x1] =	stream.indirect.gather [hbm4b:s1+s17], $0x80, s15, s17, $0xb8;
	[tilespmem:$0x1C800] =	vst v63  }
0x46: {  	_ =	swait.ge [sflag:s18], $0x4000  }
0x47: {  	[sflag:s18] =	ssyncset.done $0x0  }
0x48: {  	[sflag:s18] =	ssyncadd.s32 $0xFFFFC000  }
0x49: {  	[spmem:s3] =	stream.indirect.scatter.add.f32 [tilespmem:s13], [sflag:$0x3], $0x80, s16, s17, $0xb8;
	[tilespmem:$0x1C800] =	vst v63  }
0x4a: {  	_ =	swait.ge [sflag:s14], $0x4000  }
0x4b: {  	[sflag:s14] =	ssyncset.done $0x0  }
0x4c: {  	[sflag:s14] =	ssyncadd.s32 $0xFFFFC000  }
0x4d: {  	[tilespmem:s20], [sflag:$0x2] =	stream.indirect.gather [hbm4b:s1+s17], $0x80, s19, s17, $0xb8;
	[tilespmem:$0x1C800] =	vst v63  }
0x4e: {  	_ =	swait.ge [sflag:s21], $0x4000  }
0x4f: {  	[sflag:s21] =	ssyncset.done $0x0  }
0x50: {  	[sflag:s21] =	ssyncadd.s32 $0xFFFFC000  }
0x51: {  	[spmem:s3] =	stream.indirect.scatter.add.f32 [tilespmem:s20], [sflag:$0x3], $0x80, s22, s17, $0xb8;
	[tilespmem:$0x1C800] =	vst v63  }
0x52: {  	_ =	swait.ge [sflag:s14], $0x4000  }
0x53: {  	[sflag:s14] =	ssyncset.done $0x0  }
0x54: {  	[sflag:s14] =	ssyncadd.s32 $0xFFFFC000  }
0x55: {  	[tilespmem:s13], [sflag:$0x1] =	stream.indirect.gather [hbm4b:s1+s17], $0x80, s23, s17, $0xb8;
	[tilespmem:$0x1C800] =	vst v63  }
0x56: {  	_ =	swait.ge [sflag:s18], $0x4000  }
0x57: {  	[sflag:s18] =	ssyncset.done $0x0  }
0x58: {  	[sflag:s18] =	ssyncadd.s32 $0xFFFFC000  }
0x59: {  	[spmem:s3] =	stream.indirect.scatter.add.f32 [tilespmem:s13], [sflag:$0x3], $0x80, s24, s17, $0xb8;
	[tilespmem:$0x1C800] =	vst v63  }
0x5a: {  	_ =	swait.ge [sflag:s14], $0x4000  }
0x5b: {  	[sflag:s14] =	ssyncset.done $0x0  }
0x5c: {  	[sflag:s14] =	ssyncadd.s32 $0xFFFFC000  }
0x5d: {  	[tilespmem:s20], [sflag:$0x2] =	stream.indirect.gather [hbm4b:s1+s17], $0x80, s25, s17, $0xb8;
	[tilespmem:$0x1C800] =	vst v63  }
0x5e: {  	_ =	swait.ge [sflag:s21], $0x4000  }
0x5f: {  	[sflag:s21] =	ssyncset.done $0x0  }
0x60: {  	[sflag:s21] =	ssyncadd.s32 $0xFFFFC000  }
0x61: {  	[spmem:s3] =	stream.indirect.scatter.add.f32 [tilespmem:s20], [sflag:$0x3], $0x80, s26, s17, $0xb8;
	[tilespmem:$0x1C800] =	vst v63  }
0x62: {  	_ =	swait.ge [sflag:s14], $0x4000  }
0x63: {  	[sflag:s14] =	ssyncset.done $0x0  }
0x64: {  	[sflag:s14] =	ssyncadd.s32 $0xFFFFC000  }
0x65: {  	[tilespmem:s13], [sflag:$0x1] =	stream.indirect.gather [hbm4b:s1+s17], $0x80, s28, s17, $0xb8;
	[tilespmem:$0x1C800] =	vst v63  }
0x66: {  	_ =	swait.ge [sflag:s18], $0x4000  }
0x67: {  	[sflag:s18] =	ssyncset.done $0x0  }
0x68: {  	[sflag:s18] =	ssyncadd.s32 $0xFFFFC000  }
0x69: {  	[spmem:s3] =	stream.indirect.scatter.add.f32 [tilespmem:s13], [sflag:$0x3], $0x80, s29, s17, $0xb8;
	[tilespmem:$0x1C800] =	vst v63  }
0x6a: {  	_ =	swait.ge [sflag:s14], $0x4000  }
0x6b: {  	[sflag:s14] =	ssyncset.done $0x0  }
0x6c: {  	[sflag:s14] =	ssyncadd.s32 $0xFFFFC000  }
0x6d: {  	[tilespmem:s20], [sflag:$0x2] =	stream.indirect.gather [hbm4b:s1+s17], $0x80, s30, s17, $0xb8;
	[tilespmem:$0x1C800] =	vst v63  }
0x6e: {  	_ =	swait.ge [sflag:s21], $0x4000  }
0x6f: {  	[sflag:s21] =	ssyncset.done $0x0  }
0x70: {  	[sflag:s21] =	ssyncadd.s32 $0xFFFFC000  }
0x71: {  	[spmem:s3] =	stream.indirect.scatter.add.f32 [tilespmem:s20], [sflag:$0x3], $0x80, s31, s17, $0xb8;
	[tilespmem:$0x1C800] =	vst v63  }
0x72: {  	_ =	swait.ge [sflag:s14], $0x4000  }
0x73: {  	[sflag:s14] =	ssyncset.done $0x0  }
0x74: {  	[sflag:s14] =	ssyncadd.s32 $0xFFFFC000  }
0x75: {  	[tilespmem:s13], [sflag:$0x1] =	stream.indirect.gather [hbm4b:s1+s17], $0x80, s2, s17, $0xb8;
	[tilespmem:$0x1C800] =	vst v63  }
0x76: {  	_ =	swait.ge [sflag:s18], $0x4000  }
0x77: {  	[sflag:s18] =	ssyncset.done $0x0  }
0x78: {  	[sflag:s18] =	ssyncadd.s32 $0xFFFFC000  }
0x79: {  	[spmem:s3] =	stream.indirect.scatter.add.f32 [tilespmem:s13], [sflag:$0x3], $0x80, s0, s17, $0xb8;
	[tilespmem:$0x1C800] =	vst v63  }
0x7a: {  	_ =	swait.ge [sflag:s14], $0x4000  }
0x7b: {  	[sflag:s14] =	ssyncset.done $0x0  }
0x7c: {  	[sflag:s14] =	ssyncadd.s32 $0xFFFFC000  }
0x7d: {  	[tilespmem:s20], [sflag:$0x2] =	stream.indirect.gather [hbm4b:s1+s17], $0x80, s6, s17, $0xb8;
	[tilespmem:$0x1C800] =	vst v63  }
0x7e: {  	_ =	swait.ge [sflag:s21], $0x4000  }
0x7f: {  	[sflag:s21] =	ssyncset.done $0x0  }
0x80: {  	[sflag:s21] =	ssyncadd.s32 $0xFFFFC000  }
0x81: {  	[spmem:s3] =	stream.indirect.scatter.add.f32 [tilespmem:s20], [sflag:$0x3], $0x80, s7, s17, $0xb8;
	[tilespmem:$0x1C800] =	vst v63  }
0x82: {  	_ =	swait.ge [sflag:s14], $0x4000  }
0x83: {  	s10 =	simm.s32 $0x100;
	s9 =	simm.s32 $0x80;
	[sflag:s14] =	ssyncset.done $0x0  }
.LBB2_4:
0x84: {  	s5 =	sadd.s32 s9, s12;
	[sflag:s14] =	ssyncadd.s32 $0xFFFFC000  }
0x85: {  	[tilespmem:s15], [sflag:$0x3] =	stream.linear.gather [hbm4b:s5+s4], $0x400, $0x38;
	[tilespmem:$0x1C800] =	vst v63  }
0x86: {  	s8 =	smov.u32 s10;
	s11 =	sadd.s32 $0x80, s10;
	_ =	swait.ge [sflag:s14], $0x400  }
0x87: {  	p0 =	sne.s32 s10, $0x480;
	s10 =	rddreg [dreg:$0x4];
	[sflag:s14] =	ssyncset.done $0x0  }
0x88: {  	[sflag:s14] =	ssyncadd.s32 $0xFFFFFC00;
	s5 =	sadd.s32 s9, s10  }
0x89: {  	[tilespmem:s16], [sflag:$0x3] =	stream.linear.gather [hbm4b:s5+s4], $0x400, $0x38;
	[tilespmem:$0x1C800] =	vst v63  }
0x8a: {  	_ =	swait.ge [sflag:s14], $0x400  }
0x8b: {  	[sflag:s14] =	ssyncset.done $0x0  }
0x8c: {  	[sflag:s14] =	ssyncadd.s32 $0xFFFFFC00  }
0x8d: {  	[tilespmem:s13], [sflag:$0x1] =	stream.indirect.gather [hbm4b:s1+s17], $0x80, s15, s17, $0xb8;
	[tilespmem:$0x1C800] =	vst v63  }
0x8e: {  	_ =	swait.ge [sflag:s18], $0x4000  }
0x8f: {  	[sflag:s18] =	ssyncset.done $0x0  }
0x90: {  	[sflag:s18] =	ssyncadd.s32 $0xFFFFC000  }
0x91: {  	[spmem:s3] =	stream.indirect.scatter.add.f32 [tilespmem:s13], [sflag:$0x3], $0x80, s16, s17, $0xb8;
	[tilespmem:$0x1C800] =	vst v63  }
0x92: {  	_ =	swait.ge [sflag:s14], $0x4000  }
0x93: {  	[sflag:s14] =	ssyncset.done $0x0  }
0x94: {  	[sflag:s14] =	ssyncadd.s32 $0xFFFFC000  }
0x95: {  	[tilespmem:s20], [sflag:$0x2] =	stream.indirect.gather [hbm4b:s1+s17], $0x80, s19, s17, $0xb8;
	[tilespmem:$0x1C800] =	vst v63  }
0x96: {  	_ =	swait.ge [sflag:s21], $0x4000  }
0x97: {  	[sflag:s21] =	ssyncset.done $0x0  }
0x98: {  	[sflag:s21] =	ssyncadd.s32 $0xFFFFC000  }
0x99: {  	[spmem:s3] =	stream.indirect.scatter.add.f32 [tilespmem:s20], [sflag:$0x3], $0x80, s22, s17, $0xb8;
	[tilespmem:$0x1C800] =	vst v63  }
0x9a: {  	_ =	swait.ge [sflag:s14], $0x4000  }
0x9b: {  	[sflag:s14] =	ssyncset.done $0x0  }
0x9c: {  	[sflag:s14] =	ssyncadd.s32 $0xFFFFC000  }
0x9d: {  	[tilespmem:s13], [sflag:$0x1] =	stream.indirect.gather [hbm4b:s1+s17], $0x80, s23, s17, $0xb8;
	[tilespmem:$0x1C800] =	vst v63  }
0x9e: {  	_ =	swait.ge [sflag:s18], $0x4000  }
0x9f: {  	[sflag:s18] =	ssyncset.done $0x0  }
0xa0: {  	[sflag:s18] =	ssyncadd.s32 $0xFFFFC000  }
0xa1: {  	[spmem:s3] =	stream.indirect.scatter.add.f32 [tilespmem:s13], [sflag:$0x3], $0x80, s24, s17, $0xb8;
	[tilespmem:$0x1C800] =	vst v63  }
0xa2: {  	_ =	swait.ge [sflag:s14], $0x4000  }
0xa3: {  	[sflag:s14] =	ssyncset.done $0x0  }
0xa4: {  	[sflag:s14] =	ssyncadd.s32 $0xFFFFC000  }
0xa5: {  	[tilespmem:s20], [sflag:$0x2] =	stream.indirect.gather [hbm4b:s1+s17], $0x80, s25, s17, $0xb8;
	[tilespmem:$0x1C800] =	vst v63  }
0xa6: {  	_ =	swait.ge [sflag:s21], $0x4000  }
0xa7: {  	[sflag:s21] =	ssyncset.done $0x0  }
0xa8: {  	[sflag:s21] =	ssyncadd.s32 $0xFFFFC000  }
0xa9: {  	[spmem:s3] =	stream.indirect.scatter.add.f32 [tilespmem:s20], [sflag:$0x3], $0x80, s26, s17, $0xb8;
	[tilespmem:$0x1C800] =	vst v63  }
0xaa: {  	_ =	swait.ge [sflag:s14], $0x4000  }
0xab: {  	[sflag:s14] =	ssyncset.done $0x0  }
0xac: {  	[sflag:s14] =	ssyncadd.s32 $0xFFFFC000  }
0xad: {  	[tilespmem:s13], [sflag:$0x1] =	stream.indirect.gather [hbm4b:s1+s17], $0x80, s28, s17, $0xb8;
	[tilespmem:$0x1C800] =	vst v63  }
0xae: {  	_ =	swait.ge [sflag:s18], $0x4000  }
0xaf: {  	[sflag:s18] =	ssyncset.done $0x0  }
0xb0: {  	[sflag:s18] =	ssyncadd.s32 $0xFFFFC000  }
0xb1: {  	[spmem:s3] =	stream.indirect.scatter.add.f32 [tilespmem:s13], [sflag:$0x3], $0x80, s29, s17, $0xb8;
	[tilespmem:$0x1C800] =	vst v63  }
0xb2: {  	_ =	swait.ge [sflag:s14], $0x4000  }
0xb3: {  	[sflag:s14] =	ssyncset.done $0x0  }
0xb4: {  	[sflag:s14] =	ssyncadd.s32 $0xFFFFC000  }
0xb5: {  	[tilespmem:s20], [sflag:$0x2] =	stream.indirect.gather [hbm4b:s1+s17], $0x80, s30, s17, $0xb8;
	[tilespmem:$0x1C800] =	vst v63  }
0xb6: {  	_ =	swait.ge [sflag:s21], $0x4000  }
0xb7: {  	[sflag:s21] =	ssyncset.done $0x0  }
0xb8: {  	[sflag:s21] =	ssyncadd.s32 $0xFFFFC000  }
0xb9: {  	[spmem:s3] =	stream.indirect.scatter.add.f32 [tilespmem:s20], [sflag:$0x3], $0x80, s31, s17, $0xb8;
	[tilespmem:$0x1C800] =	vst v63  }
0xba: {  	_ =	swait.ge [sflag:s14], $0x4000  }
0xbb: {  	[sflag:s14] =	ssyncset.done $0x0  }
0xbc: {  	[sflag:s14] =	ssyncadd.s32 $0xFFFFC000  }
0xbd: {  	[tilespmem:s13], [sflag:$0x1] =	stream.indirect.gather [hbm4b:s1+s17], $0x80, s2, s17, $0xb8;
	[tilespmem:$0x1C800] =	vst v63  }
0xbe: {  	_ =	swait.ge [sflag:s18], $0x4000  }
0xbf: {  	[sflag:s18] =	ssyncset.done $0x0  }
0xc0: {  	[sflag:s18] =	ssyncadd.s32 $0xFFFFC000  }
0xc1: {  	[spmem:s3] =	stream.indirect.scatter.add.f32 [tilespmem:s13], [sflag:$0x3], $0x80, s0, s17, $0xb8;
	[tilespmem:$0x1C800] =	vst v63  }
0xc2: {  	_ =	swait.ge [sflag:s14], $0x4000  }
0xc3: {  	[sflag:s14] =	ssyncset.done $0x0  }
0xc4: {  	[sflag:s14] =	ssyncadd.s32 $0xFFFFC000  }
0xc5: {  	[tilespmem:s20], [sflag:$0x2] =	stream.indirect.gather [hbm4b:s1+s17], $0x80, s6, s17, $0xb8;
	[tilespmem:$0x1C800] =	vst v63  }
0xc6: {  	_ =	swait.ge [sflag:s21], $0x4000  }
.Ltmp1:
0xc7: {  	[sflag:s21] =	ssyncset.done $0x0;
	(pc) =	sbr.rel @p0 .LBB2_4-.Ltmp1, $4  }
0xc8: {  	[sflag:s21] =	ssyncadd.s32 $0xFFFFC000  }
0xc9: {  	[spmem:s3] =	stream.indirect.scatter.add.f32 [tilespmem:s20], [sflag:$0x3], $0x80, s7, s17, $0xb8;
	[tilespmem:$0x1C800] =	vst v63  }
0xca: {  	_ =	swait.ge [sflag:s14], $0x4000  }
0xcb: {  	s9 =	smov.u32 s8;
	s10 =	smov.u32 s11;
	[sflag:s14] =	ssyncset.done $0x0  }
0xcc: {  	s5 =	sadd.s32 s9, s12;
	[sflag:s14] =	ssyncadd.s32 $0xFFFFC000  }
0xcd: {  	[tilespmem:s15], [sflag:$0x3] =	stream.linear.gather [hbm4b:s5+s4], $0x400, $0x38;
	[tilespmem:$0x1C800] =	vst v63  }
0xce: {  	_ =	swait.ge [sflag:s14], $0x400  }
0xcf: {  	s8 =	rddreg [dreg:$0x4];
	[sflag:s14] =	ssyncset.done $0x0  }
0xd0: {  	[sflag:s14] =	ssyncadd.s32 $0xFFFFFC00;
	s5 =	sadd.s32 s9, s8  }
0xd1: {  	[tilespmem:s16], [sflag:$0x3] =	stream.linear.gather [hbm4b:s5+s4], $0x400, $0x38;
	[tilespmem:$0x1C800] =	vst v63  }
0xd2: {  	_ =	swait.ge [sflag:s14], $0x400  }
0xd3: {  	[sflag:s14] =	ssyncset.done $0x0  }
0xd4: {  	[sflag:s14] =	ssyncadd.s32 $0xFFFFFC00  }
0xd5: {  	[tilespmem:s13], [sflag:$0x1] =	stream.indirect.gather [hbm4b:s1+s17], $0x80, s15, s17, $0xb8;
	[tilespmem:$0x1C800] =	vst v63  }
0xd6: {  	_ =	swait.ge [sflag:s18], $0x4000  }
0xd7: {  	[sflag:s18] =	ssyncset.done $0x0  }
0xd8: {  	[sflag:s18] =	ssyncadd.s32 $0xFFFFC000  }
0xd9: {  	[spmem:s3] =	stream.indirect.scatter.add.f32 [tilespmem:s13], [sflag:$0x3], $0x80, s16, s17, $0xb8;
	[tilespmem:$0x1C800] =	vst v63  }
0xda: {  	_ =	swait.ge [sflag:s14], $0x4000  }
0xdb: {  	[sflag:s14] =	ssyncset.done $0x0  }
0xdc: {  	[sflag:s14] =	ssyncadd.s32 $0xFFFFC000  }
0xdd: {  	[tilespmem:s20], [sflag:$0x2] =	stream.indirect.gather [hbm4b:s1+s17], $0x80, s19, s17, $0xb8;
	[tilespmem:$0x1C800] =	vst v63  }
0xde: {  	_ =	swait.ge [sflag:s21], $0x4000  }
0xdf: {  	[sflag:s21] =	ssyncset.done $0x0  }
0xe0: {  	[sflag:s21] =	ssyncadd.s32 $0xFFFFC000  }
0xe1: {  	[spmem:s3] =	stream.indirect.scatter.add.f32 [tilespmem:s20], [sflag:$0x3], $0x80, s22, s17, $0xb8;
	[tilespmem:$0x1C800] =	vst v63  }
0xe2: {  	_ =	swait.ge [sflag:s14], $0x4000  }
0xe3: {  	[sflag:s14] =	ssyncset.done $0x0  }
0xe4: {  	[sflag:s14] =	ssyncadd.s32 $0xFFFFC000  }
0xe5: {  	[tilespmem:s13], [sflag:$0x1] =	stream.indirect.gather [hbm4b:s1+s17], $0x80, s23, s17, $0xb8;
	[tilespmem:$0x1C800] =	vst v63  }
0xe6: {  	_ =	swait.ge [sflag:s18], $0x4000  }
0xe7: {  	[sflag:s18] =	ssyncset.done $0x0  }
0xe8: {  	[sflag:s18] =	ssyncadd.s32 $0xFFFFC000  }
0xe9: {  	[spmem:s3] =	stream.indirect.scatter.add.f32 [tilespmem:s13], [sflag:$0x3], $0x80, s24, s17, $0xb8;
	[tilespmem:$0x1C800] =	vst v63  }
0xea: {  	_ =	swait.ge [sflag:s14], $0x4000  }
0xeb: {  	[sflag:s14] =	ssyncset.done $0x0  }
0xec: {  	[sflag:s14] =	ssyncadd.s32 $0xFFFFC000  }
0xed: {  	[tilespmem:s20], [sflag:$0x2] =	stream.indirect.gather [hbm4b:s1+s17], $0x80, s25, s17, $0xb8;
	[tilespmem:$0x1C800] =	vst v63  }
0xee: {  	_ =	swait.ge [sflag:s21], $0x4000  }
0xef: {  	[sflag:s21] =	ssyncset.done $0x0  }
0xf0: {  	[sflag:s21] =	ssyncadd.s32 $0xFFFFC000  }
0xf1: {  	[spmem:s3] =	stream.indirect.scatter.add.f32 [tilespmem:s20], [sflag:$0x3], $0x80, s26, s17, $0xb8;
	[tilespmem:$0x1C800] =	vst v63  }
0xf2: {  	_ =	swait.ge [sflag:s14], $0x4000  }
0xf3: {  	[sflag:s14] =	ssyncset.done $0x0  }
0xf4: {  	[sflag:s14] =	ssyncadd.s32 $0xFFFFC000  }
0xf5: {  	[tilespmem:s13], [sflag:$0x1] =	stream.indirect.gather [hbm4b:s1+s17], $0x80, s28, s17, $0xb8;
	[tilespmem:$0x1C800] =	vst v63  }
0xf6: {  	_ =	swait.ge [sflag:s18], $0x4000  }
0xf7: {  	[sflag:s18] =	ssyncset.done $0x0  }
0xf8: {  	[sflag:s18] =	ssyncadd.s32 $0xFFFFC000  }
0xf9: {  	[spmem:s3] =	stream.indirect.scatter.add.f32 [tilespmem:s13], [sflag:$0x3], $0x80, s29, s17, $0xb8;
	[tilespmem:$0x1C800] =	vst v63  }
0xfa: {  	_ =	swait.ge [sflag:s14], $0x4000  }
0xfb: {  	[sflag:s14] =	ssyncset.done $0x0  }
0xfc: {  	[sflag:s14] =	ssyncadd.s32 $0xFFFFC000  }
0xfd: {  	[tilespmem:s20], [sflag:$0x2] =	stream.indirect.gather [hbm4b:s1+s17], $0x80, s30, s17, $0xb8;
	[tilespmem:$0x1C800] =	vst v63  }
0xfe: {  	_ =	swait.ge [sflag:s21], $0x4000  }
0xff: {  	[sflag:s21] =	ssyncset.done $0x0  }
0x100: {  	[sflag:s21] =	ssyncadd.s32 $0xFFFFC000  }
0x101: {  	[spmem:s3] =	stream.indirect.scatter.add.f32 [tilespmem:s20], [sflag:$0x3], $0x80, s31, s17, $0xb8;
	[tilespmem:$0x1C800] =	vst v63  }
0x102: {  	_ =	swait.ge [sflag:s14], $0x4000  }
0x103: {  	[sflag:s14] =	ssyncset.done $0x0  }
0x104: {  	[sflag:s14] =	ssyncadd.s32 $0xFFFFC000  }
0x105: {  	[tilespmem:s13], [sflag:$0x1] =	stream.indirect.gather [hbm4b:s1+s17], $0x80, s2, s17, $0xb8;
	[tilespmem:$0x1C800] =	vst v63  }
0x106: {  	_ =	swait.ge [sflag:s18], $0x4000  }
0x107: {  	[sflag:s18] =	ssyncset.done $0x0  }
0x108: {  	[sflag:s18] =	ssyncadd.s32 $0xFFFFC000  }
0x109: {  	[spmem:s3] =	stream.indirect.scatter.add.f32 [tilespmem:s13], [sflag:$0x3], $0x80, s0, s17, $0xb8;
	[tilespmem:$0x1C800] =	vst v63  }
0x10a: {  	_ =	swait.ge [sflag:s14], $0x4000  }
0x10b: {  	[sflag:s14] =	ssyncset.done $0x0  }
0x10c: {  	[sflag:s14] =	ssyncadd.s32 $0xFFFFC000  }
0x10d: {  	[tilespmem:s20], [sflag:$0x2] =	stream.indirect.gather [hbm4b:s1+s17], $0x80, s6, s17, $0xb8;
	[tilespmem:$0x1C800] =	vst v63  }
0x10e: {  	_ =	swait.ge [sflag:s21], $0x4000  }
0x10f: {  	[sflag:s21] =	ssyncset.done $0x0  }
0x110: {  	[sflag:s21] =	ssyncadd.s32 $0xFFFFC000  }
0x111: {  	[spmem:s3] =	stream.indirect.scatter.add.f32 [tilespmem:s20], [sflag:$0x3], $0x80, s7, s17, $0xb8;
	[tilespmem:$0x1C800] =	vst v63  }
0x112: {  	_ =	swait.ge [sflag:s14], $0x4000  }
0x113: {  	[sflag:s14] =	ssyncset.done $0x0  }
0x114: {  	[sflag:s14] =	ssyncadd.s32 $0xFFFFC000  }
0x115: {  	s9 =	stileid.u32;
	[bflag:$0x0] =	sbarrier.arrive $0xFFFF  }
0x116: {  	s5 =	sshll.u32 s9, $0x6;
	s11 =	rddreg [dreg:$0x5]  }
0x117: {  	s5 =	sor.u32 $0x1C03, s5;
	s10 =	rddreg [dreg:$0xa];
	s8 =	sshrl.u32 s11, $0x3  }
0x118: {  	[hbm:s10], [sflag:s5] =	dma.local [spmem:s8], $0x2800  }
0x119: {  	_ =	swait.ge [sflag:s14], $0x2800  }
0x11a: {  	s9 =	rddreg [dreg:$0xc]  }
0x11b: {  	s10 =	rddreg [dreg:$0xb];
	s8 =	sadd.s32 $0x1, s9  }
0x11c: {  	p0 =	sne.s32 s8, s10  }
.Ltmp2:
0x11d: {  	_ = 	snop;
	(pc) =	sbr.rel @p0 .LBB2_1-.Ltmp2, $3  }
0x11e: {  	_ =	sdelay $0x1  }
0x11f: {  	[sflag:s14] =	ssyncset.done $0x0  }
0x120: {  	[sflag:s14] =	ssyncadd.s32 $0xFFFFD800  }
0x121: {  	_ =	sfence.sel $0x180000  }
0x122: {  	[bflag:$0x0] =	sbarrier.arrive $0xFFFF  }
0x123: {  	_ =	strace $0x9000004A  }
0x124: {  	s0 =	stileid.u32;
	[bflag:$0x2] =	sbarrier.arrive $0xFFFF  }
0x125: {  	p0 =	sne.s32 s0, $0x0;
	s0 =	rddreg [dreg:$0x3]  }
0x126: {  	s0 =	sadd.s32 @!p0 $0x100000, s0  }
0x127: {  	[sflag:s0] =	ssyncadd.tile.s32 @!p0 $0x1;
	_ =	shalt  }
.Lfunc_end2:
_tile_overlayer_lowered:
.L_overlay_start_2:
0x128: {  	(tag) =	ssettag $0x2  }
0x129: {  	s0 =	rddreg [dreg:$0x0];
	s2 =	stileid.u32  }
0x12a: {  	s1 =	rddreg [dreg:$0x1];
	p0 =	sne.s32 s2, $0x0  }
0x12b: {  	s3 =	rddreg [dreg:$0x2];
	[bflag:$0x3] =	sbarrier.arrive $0xFFFF;
	s2 =	simm.s32 @!p0 $0x1C03  }
0x12c: {  	[timem:s3], [sflag:s2] =	dma.local @!p0 [hbm:s0], s1  }
0x12d: {  	s0 =	simm.s32 @!p0 $0x3  }
0x12e: {  	_ =	swait.ge @!p0 [sflag:s0], s1  }
0x12f: {  	s1 =	ssub.s32 @!p0 $0x0, s1;
	[sflag:s0] =	ssyncset.done @!p0 $0x0  }
0x130: {  	[sflag:s0] =	ssyncadd.s32 @!p0 s1  }
0x131: {  	[bflag:$0x3] =	sbarrier.arrive $0xFFFF  }
0x132: {  	_ =	shalt  }

// kernel: kernel.14.cloned.1.call-start
scs
__scs_entry_jumppad:
0x0: {  	(pc) =	sbr.rel $0x88, $3  }
0x1: {  	(tag) =	ssettag $0x0;
	lr =	simm.s32 $0x1  }
0x2: {  	[smem:$0x3F9B] =	sst lr;
	_ =	strace $0xD0000000  }
0x3: {  	_ = 	snop  }
0x4: {  	_ = 	snop  }
0x5: {  	_ = 	snop  }
0x6: {  	_ = 	snop  }
0x7: {  	_ = 	snop  }
__scs_overlays_trampoline_lowered:
0x8: {  	[smem:$0x3FAA] =	sst s0  }
0x9: {  	[smem:$0x3FAB] =	sst s1  }
0xa: {  	[smem:$0x3FAC] =	sst s2  }
0xb: {  	[smem:$0x3FAD] =	sst s3  }
0xc: {  	[smem:$0x3FAE] =	sst s4  }
0xd: {  	[smem:$0x3FAF] =	sst s5  }
0xe: {  	[smem:$0x3FB0] =	sst s6  }
0xf: {  	[smem:$0x3FB1] =	sst s7  }
0x10: {  	[smem:$0x3FB2] =	sst s8  }
0x11: {  	[smem:$0x3FB3] =	sst s9;
	s0 =	simm.s32 @!p0 $0x0  }
0x12: {  	s1 =	sld [smem:$0x3F99];
	s0 =	simm.s32 @p0 $0x1  }
0x13: {  	[smem:$0x3FB4] =	sst s0;
	s0 =	simm.s32 @!p1 $0x0  }
0x14: {  	s2 =	sld [smem:$0x3F98];
	s0 =	simm.s32 @p1 $0x1  }
0x15: {  	[smem:$0x3FB5] =	sst s0;
	s0 =	simm.s32 @!p2 $0x0  }
0x16: {  	s3 =	sld [smem:$0x3FDB];
	s0 =	simm.s32 @p2 $0x1  }
0x17: {  	s4 =	simm.s32 $0x1BF5;
	[smem:$0x3FB7] =	sst s0  }
0x18: {  	s0 =	sld [smem:$0x3F9A];
	_ =	swait.ge [sflag:s4], $0x0  }
0x19: {  	s7 =	sld [smem:$0x3F9B]  }
0x1a: {  	s8 =	sadd.s32 $0xFFFFE003, lr  }
0x1b: {  	s9 =	sadd.s32 $0xFFFFFEF7, lr;
	s5 =	simm.s32 $0xFFFFFFFF;
	p2 =	slt.u32 s8, $0xFFFFF086  }
0x1c: {  	p1 =	slt.u32 s9, $0xF7A;
	s5 =	simm.s32 @!p2 $0x0  }
0x1d: {  	s5 =	simm.s32 @p1 $0x1;
	p0 =	seq.s32 s7, s2  }
0x1e: {  	s7 =	smul.u32 @!p0 $0xF7A, s2;
	p2 =	seq.s32 @!p0 s5, $0x0  }
0x1f: {  	s9 =	smul.u32 $0xF7A, s1;
	s8 =	simm.s32 @!p0 $0x1BF5;
	p2 =	por !p2, p0  }
0x20: {  	[sflag:s8] =	ssyncset.s32 @!p0 $0xFFFFF086;
	s6 =	sadd.s32 @!p0 s3, s7;
	s7 =	simm.s32 @!p0 $0x108  }
0x21: {  	s3 =	sadd.s32 s3, s9;
	s6 =	sadd.s32 @!p0 $0x88, s6;
	s7 =	simm.s32 @p2 $0x1082  }
0x22: {  	[simem:s7], [sflag:s8] =	dma.local @!p0 [hbm:s6], $0xF7A  }
0x23: {  	s9 =	sor.u32 $0xD0000000, s2;
	s6 =	simm.s32 $0x108;
	_ =	swait.ge @!p0 [sflag:s8], $0x0  }
0x24: {  	s3 =	sadd.s32 $0x88, s3;
	s6 =	simm.s32 @!p1 $0x1082;
	[sflag:s4] =	ssyncset.s32 $0xFFFFF086  }
0x25: {  	[simem:s6], [sflag:s4] =	dma.local [hbm:s3], $0xF7A  }
0x26: {  	[smem:$0x3F9B] =	sst s1;
	(tag) =	ssettag s2;
	_ =	strace s9  }
0x27: {  	s1 =	sld [smem:$0x3FAB]  }
0x28: {  	s2 =	sld [smem:$0x3FAC]  }
0x29: {  	s4 =	sld [smem:$0x3FAE]  }
0x2a: {  	p0 =	seq.s32 s5, $0x0;
	s5 =	sld [smem:$0x3FAF]  }
0x2b: {  	s6 =	sld [smem:$0x3FB0]  }
0x2c: {  	s7 =	sld [smem:$0x3FB1]  }
0x2d: {  	s3 =	simm.s32 $0x108;
	s8 =	sld [smem:$0x3FB2]  }
0x2e: {  	s3 =	simm.s32 @!p0 $0x1082;
	s9 =	sld [smem:$0x3FB3]  }
0x2f: {  	lr =	sadd.s32 s0, s3;
	s0 =	sld [smem:$0x3FAA]  }
0x30: {  	s3 =	sld [smem:$0x3FAD]  }
0x31: {  	[smem:$0x3FB6] =	sst s10  }
0x32: {  	s10 =	sld [smem:$0x3FB4];
	_ =	sdelay $0x3  }
0x33: {  	p0 =	seq.s32 s10, $0x1;
	s10 =	sld [smem:$0x3FB6];
	_ =	sdelay $0x3  }
0x34: {  	[smem:$0x3FB6] =	sst s10  }
0x35: {  	s10 =	sld [smem:$0x3FB5];
	_ =	sdelay $0x3  }
0x36: {  	p1 =	seq.s32 s10, $0x1;
	s10 =	sld [smem:$0x3FB6];
	_ =	sdelay $0x3  }
0x37: {  	[smem:$0x3FB6] =	sst s10  }
0x38: {  	s10 =	sld [smem:$0x3FB7]  }
0x39: {  	_ = 	snop;
	(pc) =	sbr.ind lr, $3  }
0x3a: {  	_ = 	snop  }
0x3b: {  	_ = 	snop  }
0x3c: {  	p2 =	seq.s32 s10, $0x1;
	s10 =	sld [smem:$0x3FB6]  }
0x3d: {  	_ =	shalt  }
0x3e: {  	_ =	shalt  }
0x3f: {  	_ =	shalt  }
0x40: {  	_ =	shalt  }
0x41: {  	_ =	shalt  }
0x42: {  	_ =	shalt  }
0x43: {  	_ =	shalt  }
0x44: {  	_ =	shalt  }
0x45: {  	_ =	shalt  }
0x46: {  	_ =	shalt  }
0x47: {  	_ =	shalt  }
0x48: {  	_ =	shalt  }
0x49: {  	_ =	shalt  }
0x4a: {  	_ =	shalt  }
0x4b: {  	_ =	shalt  }
0x4c: {  	_ =	shalt  }
0x4d: {  	_ =	shalt  }
0x4e: {  	_ =	shalt  }
0x4f: {  	_ =	shalt  }
0x50: {  	_ =	shalt  }
0x51: {  	_ =	shalt  }
0x52: {  	_ =	shalt  }
0x53: {  	_ =	shalt  }
0x54: {  	_ =	shalt  }
0x55: {  	_ =	shalt  }
0x56: {  	_ =	shalt  }
0x57: {  	_ =	shalt  }
0x58: {  	_ =	shalt  }
0x59: {  	_ =	shalt  }
0x5a: {  	_ =	shalt  }
0x5b: {  	_ =	shalt  }
0x5c: {  	_ =	shalt  }
0x5d: {  	_ =	shalt  }
0x5e: {  	_ =	shalt  }
0x5f: {  	_ =	shalt  }
0x60: {  	_ =	shalt  }
0x61: {  	_ =	shalt  }
0x62: {  	_ =	shalt  }
0x63: {  	_ =	shalt  }
0x64: {  	_ =	shalt  }
0x65: {  	_ =	shalt  }
0x66: {  	_ =	shalt  }
0x67: {  	_ =	shalt  }
0x68: {  	_ =	shalt  }
0x69: {  	_ =	shalt  }
0x6a: {  	_ =	shalt  }
0x6b: {  	_ =	shalt  }
0x6c: {  	_ =	shalt  }
0x6d: {  	_ =	shalt  }
0x6e: {  	_ =	shalt  }
0x6f: {  	_ =	shalt  }
0x70: {  	_ =	shalt  }
0x71: {  	_ =	shalt  }
0x72: {  	_ =	shalt  }
0x73: {  	_ =	shalt  }
0x74: {  	_ =	shalt  }
0x75: {  	_ =	shalt  }
0x76: {  	_ =	shalt  }
0x77: {  	_ =	shalt  }
0x78: {  	_ =	shalt  }
0x79: {  	_ =	shalt  }
0x7a: {  	_ =	shalt  }
0x7b: {  	_ =	shalt  }
0x7c: {  	_ =	shalt  }
0x7d: {  	_ =	shalt  }
0x7e: {  	_ =	shalt  }
0x7f: {  	_ =	shalt  }
0x80: {  	_ =	shalt  }
0x81: {  	_ =	shalt  }
0x82: {  	_ =	shalt  }
0x83: {  	_ =	shalt  }
0x84: {  	_ =	shalt  }
0x85: {  	_ =	shalt  }
0x86: {  	_ =	shalt  }
0x87: {  	_ =	shalt  }
.Lfunc_end0:
.L_simem_size_0:
called_computation.2_lowered:
.L_overlay_start_0:
0x88: {  	s2 =	sld [smem:$0x3FD9]  }
0x89: {  	s3 =	sld [smem:$0x3FFE];
	_ =	sdelay $0x1  }
0x8a: {  	s1 =	srdreg.scid  }
0x8b: {  	s0 =	sand.u32 $0x1, s1  }
0x8c: {  	s17 =	sshll.u32 s0, $0xA;
	s2 =	sadd.s32 s3, s2  }
0x8d: {  	s2 =	sadd.s32 s2, s17  }
0x8e: {  	[smem:$0x3FC2] =	sst s2  }
0x8f: {  	_ = 	snop  }
0x90: {  	s2 =	sld [smem:$0x3FD0];
	(tm) =	ssettm $0x1  }
0x91: {  	s18 =	sld [smem:$0x3FFB];
	_ =	sdelay $0x3  }
0x92: {  	_ =	strace s18  }
0x93: {  	s3 =	sld [smem:$0x3FFC];
	_ =	sdelay $0x3  }
0x94: {  	_ =	strace s3  }
0x95: {  	s3 =	sld [smem:$0x3FFD];
	_ =	sdelay $0x3  }
0x96: {  	_ =	strace s3  }
0x97: {  	_ =	strace $0x8FFFFFFF  }
0x98: {  	s19 =	sld [smem:$0x3FDB];
	_ =	sdelay $0x1  }
0x99: {  	s4 =	simm.s32 $_scs_section_size  }
0x9a: {  	s5 =	simm.s32 $_size__tile_overlayer_lowered;
	s6 =	simm.s32 $_tile_overlayer_lowered  }
0x9b: {  	s22 =	simm.s32 $0x1BFF;
	s21 =	sshll.u32 s6, $0x1;
	s3 =	sadd.s32 s4, s19  }
0x9c: {  	s7 =	simm.s32 $0x0;
	s20 =	sshll.u32 s5, $0x1;
	s5 =	sadd.s32 s21, s3  }
0x9d: {  	[timem:s7], [sflag:s22] =	dma.local [hbm:s5], s20  }
0x9e: {  	_ =	swait.ge [sflag:s22], s20  }
0x9f: {  	s4 =	ssub.s32 $0x0, s20;
	[sflag:s22] =	ssyncset.done $0x0  }
0xa0: {  	[sflag:s22] =	ssyncadd.s32 s4;
	_ =	sdelay $0x1  }
0xa1: {  	s23 =	simm.s32 $0x1B8B  }
0xa2: {  	_ =	swait.ge [sflag:s23], $0x1  }
0xa3: {  	[sflag:s23] =	ssyncset.done $0x0  }
0xa4: {  	s25 =	simm.s32 $0x1B8E;
	s24 =	sld [smem:$0x3FFE];
	[sflag:s23] =	ssyncadd.s32 $0xFFFFFFFF  }
0xa5: {  	s26 =	simm.s32 $execute0_lowered;
	[smem:$0x3FD2] =	sst s25  }
0xa6: {  	s5 =	sshll.u32 s26, $0x1;
	_ =	strace $0x8000004C;
	[dreg:$0x1] =	wrdreg $0xFFFFFFFF  }
0xa7: {  	s28 =	simm.s32 $_size_execute0_lowered;
	s3 =	sadd.s32 s3, s5;
	[dreg:$0x0] =	wrdreg $0x0  }
0xa8: {  	s5 =	sshll.u32 s28, $0x1;
	[dreg:$0x2] =	wrdreg s3  }
0xa9: {  	[dreg:$0x3] =	wrdreg s5  }
0xaa: {  	[dreg:$0x4] =	wrdreg $0xC0  }
0xab: {  	_ =	task [dreg:s7], $0x5FFFF  }
0xac: {  	[dreg:$0x1] =	wrdreg $0xFFFFFFFF  }
0xad: {  	[dreg:$0x0] =	wrdreg $0x60  }
0xae: {  	[dreg:$0x2] =	wrdreg s2  }
0xaf: {  	[dreg:$0x3] =	wrdreg s24  }
0xb0: {  	[dreg:$0x4] =	wrdreg $0x0  }
0xb1: {  	[dreg:$0x5] =	wrdreg $0x9  }
0xb2: {  	_ =	task.clear_ibuf [dreg:s7], $0x6FFFF;
	_ =	strace $0x9000004C  }
0xb3: {  	s29 =	simm.s32 $0x9;
	_ =	strace $0x8000004E  }
0xb4: {  	_ =	swait.ge [sflag:s29], $0x1  }
0xb5: {  	[sflag:s29] =	ssyncadd.s32 $0xFFFFFFFF  }
0xb6: {  	_ =	strace $0x9000004E  }
0xb7: {  	_ =	sfence  }
0xb8: {  	s30 =	sld [smem:$0x0];
	_ =	sdelay $0x2  }
0xb9: {  	s31 =	sshll.u32 s1, $0xD;
	s1 =	sshrl.u32 s1, $0x2  }
0xba: {  	s3 =	sand.u32 $0x4000, s31;
	s1 =	sadd.s32 s1, s30  }
0xbb: {  	s0 =	sor.u32 s3, s0;
	s1 =	sshll.u32 s1, $0x11  }
0xbc: {  	s0 =	sor.u32 s1, s0  }
0xbd: {  	s0 =	sadd.s32 $0x8F2B, s0  }
0xbe: {  	[sflag:s0] =	ssyncadd.remote.s32 $0x1  }
0xbf: {  	_ =	sfence.sel $0xFFFF  }
0xc0: {  	[dreg:$0x0] =	wrdreg $0xFFFFFFFF;
	(pc) =	sbr.abs _section_cstart, $3  }
0xc1: {  	[dreg:$0x1] =	wrdreg $0xFFFFFFFF  }
0xc2: {  	_ =	task.clear_ibuf [dreg:s7], $0x2FFFF;
	_ =	strace $0x9FFFFFFF  }
0xc3: {  	(tm) =	ssettm $0x7FFFFFFF  }
tec
execute0_lowered:
.L_overlay_start_1:
0x0: {  	(tag) =	ssettag $0x1  }
0x1: {  	s1 =	rddreg [dreg:$0x0];
	s0 =	srdreg.scid  }
0x2: {  	s2 =	rddreg [dreg:$0x1];
	s8 =	stileid.u32  }
0x3: {  	s3 =	rddreg [dreg:$0x2];
	s4 =	simm.s32 $0x0;
	s13 =	simm.s32 $0x14800  }
0x4: {  	s14 =	simm.s32 $0x3;
	s15 =	simm.s32 $0x14000;
	s6 =	smul.u32 $0x2800, s8  }
0x5: {  	s16 =	simm.s32 $0x14400;
	s17 =	simm.s32 $0x80;
	s18 =	smul.u32 $0x14000, s8  }
0x6: {  	s28 =	simm.s32 $0x14200;
	s0 =	sand.u32 $0x1, s0;
	s8 =	smul.u32 $0x50000, s8  }
0x7: {  	s29 =	simm.s32 $0x14600;
	s30 =	simm.s32 $0x14280;
	s5 =	smul.u32 $0x28000, s0  }
0x8: {  	s31 =	simm.s32 $0x14680;
	[smem:$0x7FF] =	sst s4;
	s7 =	smul.u32 $0x140000, s0  }
0x9: {  	_ =	strace $0x8000004D;
	s0 =	ssub.s32 $0x2, s0;
	s20 =	sshrl.u32 s8, $0x2  }
0xa: {  	s21 =	sshrl.u32 s0, $0x1;
	s8 =	simm.s32 $0x0;
	s5 =	sadd.s32 s6, s5  }
0xb: {  	s19 =	sadd.s32 s18, s7;
	s11 =	sadd.s32 s20, s3;
	s0 =	ssub.s32 s0, s21  }
0xc: {  	s18 =	simm.s32 $0x1;
	s20 =	simm.s32 $0x18800;
	s21 =	simm.s32 $0x2  }
0xd: {  	s6 =	simm.s32 $0x14380;
	s22 =	sadd.s32 $0x4000, s11;
	[dreg:$0x5] =	wrdreg s11  }
0xe: {  	s7 =	simm.s32 $0x14780;
	s23 =	sadd.s32 $0x8000, s11;
	[dreg:$0x6] =	wrdreg s22  }
0xf: {  	s5 =	sshrl.u32 s5, $0x3;
	s24 =	sadd.s32 $0xC000, s11;
	[dreg:$0x7] =	wrdreg s23  }
0x10: {  	s25 =	sadd.s32 $0x10000, s11;
	s0 =	smax.u32 s0, $0x1;
	[dreg:$0x8] =	wrdreg s24  }
0x11: {  	s9 =	sadd.s32 s5, s2;
	s5 =	sshrl.u32 s19, $0x3;
	[dreg:$0x9] =	wrdreg s25  }
0x12: {  	[dreg:$0xb] =	wrdreg s0;
	s19 =	simm.s32 $0x14080;
	s22 =	simm.s32 $0x14480  }
0x13: {  	s23 =	simm.s32 $0x14100;
	s24 =	simm.s32 $0x14500;
	s25 =	simm.s32 $0x14180  }
0x14: {  	s0 =	simm.s32 $0x14700;
	s2 =	sadd.s32 s5, s2;
	s26 =	sadd.s32 $0x1E00, s9  }
0x15: {  	s12 =	sadd.s32 $0x65E00, s9;
	s2 =	sadd.s32 $0xBE00, s2;
	[dreg:$0x4] =	wrdreg s26  }
0x16: {  	v0 =	vimm.f32 $0.0e+00;
	s26 =	simm.s32 $0x14580;
	[dreg:$0xa] =	wrdreg s2;
	s2 =	simm.s32 $0x14300  }
.LBB2_1:
0x17: {  	s9 =	simm.s32 $0x0;
	s10 =	simm.s32 $0x200  }
.LBB2_2:
0x18: {  	p0 =	sne.s32 s10, $0xFE00;
	[tilespmem:s9+$0x14870] =	vst v0  }
0x19: {  	[tilespmem:s9+$0x14800] =	vst v0  }
0x1a: {  	[tilespmem:s9+$0x14810] =	vst v0  }
.Ltmp0:
0x1b: {  	[tilespmem:s9+$0x14820] =	vst v0;
	(pc) =	sbr.rel @p0 .LBB2_2-.Ltmp0, $4  }
0x1c: {  	[tilespmem:s9+$0x14830] =	vst v0  }
0x1d: {  	[tilespmem:s9+$0x14840] =	vst v0  }
0x1e: {  	[tilespmem:s9+$0x14850] =	vst v0  }
0x1f: {  	[tilespmem:s9+$0x14860] =	vst v0;
	s9 =	sshra.s32 s10, $0x2;
	s10 =	sadd.s32 $0x200, s10  }
0x20: {  	[tilespmem:s9+$0x14870] =	vst v0  }
0x21: {  	[tilespmem:s9+$0x14800] =	vst v0  }
0x22: {  	[tilespmem:s9+$0x14810] =	vst v0  }
0x23: {  	[tilespmem:s9+$0x14820] =	vst v0  }
0x24: {  	[tilespmem:s9+$0x14830] =	vst v0  }
0x25: {  	[tilespmem:s9+$0x14840] =	vst v0  }
0x26: {  	[tilespmem:s9+$0x14850] =	vst v0  }
0x27: {  	[dreg:$0xc] =	wrdreg s8;
	[tilespmem:s9+$0x14860] =	vst v0  }
0x28: {  	[spmem:s11] =	stream.linear.scatter [tilespmem:s13], [sflag:$0x3], $0x4000, $0x38;
	[tilespmem:$0x1C800] =	vst v63  }
0x29: {  	_ =	swait.ge [sflag:s14], $0x4000  }
0x2a: {  	[sflag:s14] =	ssyncset.done $0x0  }
0x2b: {  	s5 =	rddreg [dreg:$0x6];
	[sflag:s14] =	ssyncadd.s32 $0xFFFFC000  }
0x2c: {  	[spmem:s5] =	stream.linear.scatter [tilespmem:s13], [sflag:$0x3], $0x4000, $0x38;
	[tilespmem:$0x1C800] =	vst v63  }
0x2d: {  	_ =	swait.ge [sflag:s14], $0x4000  }
0x2e: {  	[sflag:s14] =	ssyncset.done $0x0  }
0x2f: {  	s11 =	rddreg [dreg:$0x7];
	[sflag:s14] =	ssyncadd.s32 $0xFFFFC000  }
0x30: {  	[spmem:s11] =	stream.linear.scatter [tilespmem:s13], [sflag:$0x3], $0x4000, $0x38;
	[tilespmem:$0x1C800] =	vst v63  }
0x31: {  	_ =	swait.ge [sflag:s14], $0x4000  }
0x32: {  	[sflag:s14] =	ssyncset.done $0x0  }
0x33: {  	s8 =	rddreg [dreg:$0x8];
	[sflag:s14] =	ssyncadd.s32 $0xFFFFC000  }
0x34: {  	[spmem:s8] =	stream.linear.scatter [tilespmem:s13], [sflag:$0x3], $0x4000, $0x38;
	[tilespmem:$0x1C800] =	vst v63  }
0x35: {  	_ =	swait.ge [sflag:s14], $0x4000  }
0x36: {  	[sflag:s14] =	ssyncset.done $0x0  }
0x37: {  	s9 =	rddreg [dreg:$0x9];
	[sflag:s14] =	ssyncadd.s32 $0xFFFFC000  }
0x38: {  	[spmem:s9] =	stream.linear.scatter [tilespmem:s13], [sflag:$0x3], $0x4000, $0x38;
	[tilespmem:$0x1C800] =	vst v63  }
0x39: {  	_ =	swait.ge [sflag:s14], $0x4000  }
0x3a: {  	[sflag:s14] =	ssyncset.done $0x0  }
0x3b: {  	[sflag:s14] =	ssyncadd.s32 $0xFFFFC000  }
0x3c: {  	s10 =	sadd.s32 $0x0, s12;
	[bflag:$0x0] =	sbarrier.arrive $0xFFFF  }
0x3d: {  	[tilespmem:s15], [sflag:$0x3] =	stream.linear.gather [hbm4b:s10+s4], $0x400, $0x38;
	[tilespmem:$0x1C800] =	vst v63  }
0x3e: {  	_ =	swait.ge [sflag:s14], $0x400  }
0x3f: {  	s11 =	rddreg [dreg:$0x4];
	[sflag:s14] =	ssyncset.done $0x0  }
0x40: {  	[sflag:s14] =	ssyncadd.s32 $0xFFFFFC00;
	s9 =	sadd.s32 $0x0, s11  }
0x41: {  	[tilespmem:s16], [sflag:$0x3] =	stream.linear.gather [hbm4b:s9+s4], $0x400, $0x38;
	[tilespmem:$0x1C800] =	vst v63  }
0x42: {  	_ =	swait.ge [sflag:s14], $0x400  }
0x43: {  	[sflag:s14] =	ssyncset.done $0x0  }
0x44: {  	[sflag:s14] =	ssyncadd.s32 $0xFFFFFC00  }
0x45: {  	[tilespmem:s13], [sflag:$0x1] =	stream.indirect.gather [hbm4b:s1+s17], $0x80, s15, s17, $0xb8;
	[tilespmem:$0x1C800] =	vst v63  }
0x46: {  	_ =	swait.ge [sflag:s18], $0x4000  }
0x47: {  	[sflag:s18] =	ssyncset.done $0x0  }
0x48: {  	[sflag:s18] =	ssyncadd.s32 $0xFFFFC000  }
0x49: {  	[spmem:s3] =	stream.indirect.scatter.add.f32 [tilespmem:s13], [sflag:$0x3], $0x80, s16, s17, $0xb8;
	[tilespmem:$0x1C800] =	vst v63  }
0x4a: {  	_ =	swait.ge [sflag:s14], $0x4000  }
0x4b: {  	[sflag:s14] =	ssyncset.done $0x0  }
0x4c: {  	[sflag:s14] =	ssyncadd.s32 $0xFFFFC000  }
0x4d: {  	[tilespmem:s20], [sflag:$0x2] =	stream.indirect.gather [hbm4b:s1+s17], $0x80, s19, s17, $0xb8;
	[tilespmem:$0x1C800] =	vst v63  }
0x4e: {  	_ =	swait.ge [sflag:s21], $0x4000  }
0x4f: {  	[sflag:s21] =	ssyncset.done $0x0  }
0x50: {  	[sflag:s21] =	ssyncadd.s32 $0xFFFFC000  }
0x51: {  	[spmem:s3] =	stream.indirect.scatter.add.f32 [tilespmem:s20], [sflag:$0x3], $0x80, s22, s17, $0xb8;
	[tilespmem:$0x1C800] =	vst v63  }
0x52: {  	_ =	swait.ge [sflag:s14], $0x4000  }
0x53: {  	[sflag:s14] =	ssyncset.done $0x0  }
0x54: {  	[sflag:s14] =	ssyncadd.s32 $0xFFFFC000  }
0x55: {  	[tilespmem:s13], [sflag:$0x1] =	stream.indirect.gather [hbm4b:s1+s17], $0x80, s23, s17, $0xb8;
	[tilespmem:$0x1C800] =	vst v63  }
0x56: {  	_ =	swait.ge [sflag:s18], $0x4000  }
0x57: {  	[sflag:s18] =	ssyncset.done $0x0  }
0x58: {  	[sflag:s18] =	ssyncadd.s32 $0xFFFFC000  }
0x59: {  	[spmem:s3] =	stream.indirect.scatter.add.f32 [tilespmem:s13], [sflag:$0x3], $0x80, s24, s17, $0xb8;
	[tilespmem:$0x1C800] =	vst v63  }
0x5a: {  	_ =	swait.ge [sflag:s14], $0x4000  }
0x5b: {  	[sflag:s14] =	ssyncset.done $0x0  }
0x5c: {  	[sflag:s14] =	ssyncadd.s32 $0xFFFFC000  }
0x5d: {  	[tilespmem:s20], [sflag:$0x2] =	stream.indirect.gather [hbm4b:s1+s17], $0x80, s25, s17, $0xb8;
	[tilespmem:$0x1C800] =	vst v63  }
0x5e: {  	_ =	swait.ge [sflag:s21], $0x4000  }
0x5f: {  	[sflag:s21] =	ssyncset.done $0x0  }
0x60: {  	[sflag:s21] =	ssyncadd.s32 $0xFFFFC000  }
0x61: {  	[spmem:s3] =	stream.indirect.scatter.add.f32 [tilespmem:s20], [sflag:$0x3], $0x80, s26, s17, $0xb8;
	[tilespmem:$0x1C800] =	vst v63  }
0x62: {  	_ =	swait.ge [sflag:s14], $0x4000  }
0x63: {  	[sflag:s14] =	ssyncset.done $0x0  }
0x64: {  	[sflag:s14] =	ssyncadd.s32 $0xFFFFC000  }
0x65: {  	[tilespmem:s13], [sflag:$0x1] =	stream.indirect.gather [hbm4b:s1+s17], $0x80, s28, s17, $0xb8;
	[tilespmem:$0x1C800] =	vst v63  }
0x66: {  	_ =	swait.ge [sflag:s18], $0x4000  }
0x67: {  	[sflag:s18] =	ssyncset.done $0x0  }
0x68: {  	[sflag:s18] =	ssyncadd.s32 $0xFFFFC000  }
0x69: {  	[spmem:s3] =	stream.indirect.scatter.add.f32 [tilespmem:s13], [sflag:$0x3], $0x80, s29, s17, $0xb8;
	[tilespmem:$0x1C800] =	vst v63  }
0x6a: {  	_ =	swait.ge [sflag:s14], $0x4000  }
0x6b: {  	[sflag:s14] =	ssyncset.done $0x0  }
0x6c: {  	[sflag:s14] =	ssyncadd.s32 $0xFFFFC000  }
0x6d: {  	[tilespmem:s20], [sflag:$0x2] =	stream.indirect.gather [hbm4b:s1+s17], $0x80, s30, s17, $0xb8;
	[tilespmem:$0x1C800] =	vst v63  }
0x6e: {  	_ =	swait.ge [sflag:s21], $0x4000  }
0x6f: {  	[sflag:s21] =	ssyncset.done $0x0  }
0x70: {  	[sflag:s21] =	ssyncadd.s32 $0xFFFFC000  }
0x71: {  	[spmem:s3] =	stream.indirect.scatter.add.f32 [tilespmem:s20], [sflag:$0x3], $0x80, s31, s17, $0xb8;
	[tilespmem:$0x1C800] =	vst v63  }
0x72: {  	_ =	swait.ge [sflag:s14], $0x4000  }
0x73: {  	[sflag:s14] =	ssyncset.done $0x0  }
0x74: {  	[sflag:s14] =	ssyncadd.s32 $0xFFFFC000  }
0x75: {  	[tilespmem:s13], [sflag:$0x1] =	stream.indirect.gather [hbm4b:s1+s17], $0x80, s2, s17, $0xb8;
	[tilespmem:$0x1C800] =	vst v63  }
0x76: {  	_ =	swait.ge [sflag:s18], $0x4000  }
0x77: {  	[sflag:s18] =	ssyncset.done $0x0  }
0x78: {  	[sflag:s18] =	ssyncadd.s32 $0xFFFFC000  }
0x79: {  	[spmem:s3] =	stream.indirect.scatter.add.f32 [tilespmem:s13], [sflag:$0x3], $0x80, s0, s17, $0xb8;
	[tilespmem:$0x1C800] =	vst v63  }
0x7a: {  	_ =	swait.ge [sflag:s14], $0x4000  }
0x7b: {  	[sflag:s14] =	ssyncset.done $0x0  }
0x7c: {  	[sflag:s14] =	ssyncadd.s32 $0xFFFFC000  }
0x7d: {  	[tilespmem:s20], [sflag:$0x2] =	stream.indirect.gather [hbm4b:s1+s17], $0x80, s6, s17, $0xb8;
	[tilespmem:$0x1C800] =	vst v63  }
0x7e: {  	_ =	swait.ge [sflag:s21], $0x4000  }
0x7f: {  	[sflag:s21] =	ssyncset.done $0x0  }
0x80: {  	[sflag:s21] =	ssyncadd.s32 $0xFFFFC000  }
0x81: {  	[spmem:s3] =	stream.indirect.scatter.add.f32 [tilespmem:s20], [sflag:$0x3], $0x80, s7, s17, $0xb8;
	[tilespmem:$0x1C800] =	vst v63  }
0x82: {  	_ =	swait.ge [sflag:s14], $0x4000  }
0x83: {  	s10 =	simm.s32 $0x100;
	s9 =	simm.s32 $0x80;
	[sflag:s14] =	ssyncset.done $0x0  }
.LBB2_4:
0x84: {  	s5 =	sadd.s32 s9, s12;
	[sflag:s14] =	ssyncadd.s32 $0xFFFFC000  }
0x85: {  	[tilespmem:s15], [sflag:$0x3] =	stream.linear.gather [hbm4b:s5+s4], $0x400, $0x38;
	[tilespmem:$0x1C800] =	vst v63  }
0x86: {  	s8 =	smov.u32 s10;
	s11 =	sadd.s32 $0x80, s10;
	_ =	swait.ge [sflag:s14], $0x400  }
0x87: {  	p0 =	sne.s32 s10, $0x480;
	s10 =	rddreg [dreg:$0x4];
	[sflag:s14] =	ssyncset.done $0x0  }
0x88: {  	[sflag:s14] =	ssyncadd.s32 $0xFFFFFC00;
	s5 =	sadd.s32 s9, s10  }
0x89: {  	[tilespmem:s16], [sflag:$0x3] =	stream.linear.gather [hbm4b:s5+s4], $0x400, $0x38;
	[tilespmem:$0x1C800] =	vst v63  }
0x8a: {  	_ =	swait.ge [sflag:s14], $0x400  }
0x8b: {  	[sflag:s14] =	ssyncset.done $0x0  }
0x8c: {  	[sflag:s14] =	ssyncadd.s32 $0xFFFFFC00  }
0x8d: {  	[tilespmem:s13], [sflag:$0x1] =	stream.indirect.gather [hbm4b:s1+s17], $0x80, s15, s17, $0xb8;
	[tilespmem:$0x1C800] =	vst v63  }
0x8e: {  	_ =	swait.ge [sflag:s18], $0x4000  }
0x8f: {  	[sflag:s18] =	ssyncset.done $0x0  }
0x90: {  	[sflag:s18] =	ssyncadd.s32 $0xFFFFC000  }
0x91: {  	[spmem:s3] =	stream.indirect.scatter.add.f32 [tilespmem:s13], [sflag:$0x3], $0x80, s16, s17, $0xb8;
	[tilespmem:$0x1C800] =	vst v63  }
0x92: {  	_ =	swait.ge [sflag:s14], $0x4000  }
0x93: {  	[sflag:s14] =	ssyncset.done $0x0  }
0x94: {  	[sflag:s14] =	ssyncadd.s32 $0xFFFFC000  }
0x95: {  	[tilespmem:s20], [sflag:$0x2] =	stream.indirect.gather [hbm4b:s1+s17], $0x80, s19, s17, $0xb8;
	[tilespmem:$0x1C800] =	vst v63  }
0x96: {  	_ =	swait.ge [sflag:s21], $0x4000  }
0x97: {  	[sflag:s21] =	ssyncset.done $0x0  }
0x98: {  	[sflag:s21] =	ssyncadd.s32 $0xFFFFC000  }
0x99: {  	[spmem:s3] =	stream.indirect.scatter.add.f32 [tilespmem:s20], [sflag:$0x3], $0x80, s22, s17, $0xb8;
	[tilespmem:$0x1C800] =	vst v63  }
0x9a: {  	_ =	swait.ge [sflag:s14], $0x4000  }
0x9b: {  	[sflag:s14] =	ssyncset.done $0x0  }
0x9c: {  	[sflag:s14] =	ssyncadd.s32 $0xFFFFC000  }
0x9d: {  	[tilespmem:s13], [sflag:$0x1] =	stream.indirect.gather [hbm4b:s1+s17], $0x80, s23, s17, $0xb8;
	[tilespmem:$0x1C800] =	vst v63  }
0x9e: {  	_ =	swait.ge [sflag:s18], $0x4000  }
0x9f: {  	[sflag:s18] =	ssyncset.done $0x0  }
0xa0: {  	[sflag:s18] =	ssyncadd.s32 $0xFFFFC000  }
0xa1: {  	[spmem:s3] =	stream.indirect.scatter.add.f32 [tilespmem:s13], [sflag:$0x3], $0x80, s24, s17, $0xb8;
	[tilespmem:$0x1C800] =	vst v63  }
0xa2: {  	_ =	swait.ge [sflag:s14], $0x4000  }
0xa3: {  	[sflag:s14] =	ssyncset.done $0x0  }
0xa4: {  	[sflag:s14] =	ssyncadd.s32 $0xFFFFC000  }
0xa5: {  	[tilespmem:s20], [sflag:$0x2] =	stream.indirect.gather [hbm4b:s1+s17], $0x80, s25, s17, $0xb8;
	[tilespmem:$0x1C800] =	vst v63  }
0xa6: {  	_ =	swait.ge [sflag:s21], $0x4000  }
0xa7: {  	[sflag:s21] =	ssyncset.done $0x0  }
0xa8: {  	[sflag:s21] =	ssyncadd.s32 $0xFFFFC000  }
0xa9: {  	[spmem:s3] =	stream.indirect.scatter.add.f32 [tilespmem:s20], [sflag:$0x3], $0x80, s26, s17, $0xb8;
	[tilespmem:$0x1C800] =	vst v63  }
0xaa: {  	_ =	swait.ge [sflag:s14], $0x4000  }
0xab: {  	[sflag:s14] =	ssyncset.done $0x0  }
0xac: {  	[sflag:s14] =	ssyncadd.s32 $0xFFFFC000  }
0xad: {  	[tilespmem:s13], [sflag:$0x1] =	stream.indirect.gather [hbm4b:s1+s17], $0x80, s28, s17, $0xb8;
	[tilespmem:$0x1C800] =	vst v63  }
0xae: {  	_ =	swait.ge [sflag:s18], $0x4000  }
0xaf: {  	[sflag:s18] =	ssyncset.done $0x0  }
0xb0: {  	[sflag:s18] =	ssyncadd.s32 $0xFFFFC000  }
0xb1: {  	[spmem:s3] =	stream.indirect.scatter.add.f32 [tilespmem:s13], [sflag:$0x3], $0x80, s29, s17, $0xb8;
	[tilespmem:$0x1C800] =	vst v63  }
0xb2: {  	_ =	swait.ge [sflag:s14], $0x4000  }
0xb3: {  	[sflag:s14] =	ssyncset.done $0x0  }
0xb4: {  	[sflag:s14] =	ssyncadd.s32 $0xFFFFC000  }
0xb5: {  	[tilespmem:s20], [sflag:$0x2] =	stream.indirect.gather [hbm4b:s1+s17], $0x80, s30, s17, $0xb8;
	[tilespmem:$0x1C800] =	vst v63  }
0xb6: {  	_ =	swait.ge [sflag:s21], $0x4000  }
0xb7: {  	[sflag:s21] =	ssyncset.done $0x0  }
0xb8: {  	[sflag:s21] =	ssyncadd.s32 $0xFFFFC000  }
0xb9: {  	[spmem:s3] =	stream.indirect.scatter.add.f32 [tilespmem:s20], [sflag:$0x3], $0x80, s31, s17, $0xb8;
	[tilespmem:$0x1C800] =	vst v63  }
0xba: {  	_ =	swait.ge [sflag:s14], $0x4000  }
0xbb: {  	[sflag:s14] =	ssyncset.done $0x0  }
0xbc: {  	[sflag:s14] =	ssyncadd.s32 $0xFFFFC000  }
0xbd: {  	[tilespmem:s13], [sflag:$0x1] =	stream.indirect.gather [hbm4b:s1+s17], $0x80, s2, s17, $0xb8;
	[tilespmem:$0x1C800] =	vst v63  }
0xbe: {  	_ =	swait.ge [sflag:s18], $0x4000  }
0xbf: {  	[sflag:s18] =	ssyncset.done $0x0  }
0xc0: {  	[sflag:s18] =	ssyncadd.s32 $0xFFFFC000  }
0xc1: {  	[spmem:s3] =	stream.indirect.scatter.add.f32 [tilespmem:s13], [sflag:$0x3], $0x80, s0, s17, $0xb8;
	[tilespmem:$0x1C800] =	vst v63  }
0xc2: {  	_ =	swait.ge [sflag:s14], $0x4000  }
0xc3: {  	[sflag:s14] =	ssyncset.done $0x0  }
0xc4: {  	[sflag:s14] =	ssyncadd.s32 $0xFFFFC000  }
0xc5: {  	[tilespmem:s20], [sflag:$0x2] =	stream.indirect.gather [hbm4b:s1+s17], $0x80, s6, s17, $0xb8;
	[tilespmem:$0x1C800] =	vst v63  }
0xc6: {  	_ =	swait.ge [sflag:s21], $0x4000  }
.Ltmp1:
0xc7: {  	[sflag:s21] =	ssyncset.done $0x0;
	(pc) =	sbr.rel @p0 .LBB2_4-.Ltmp1, $4  }
0xc8: {  	[sflag:s21] =	ssyncadd.s32 $0xFFFFC000  }
0xc9: {  	[spmem:s3] =	stream.indirect.scatter.add.f32 [tilespmem:s20], [sflag:$0x3], $0x80, s7, s17, $0xb8;
	[tilespmem:$0x1C800] =	vst v63  }
0xca: {  	_ =	swait.ge [sflag:s14], $0x4000  }
0xcb: {  	s9 =	smov.u32 s8;
	s10 =	smov.u32 s11;
	[sflag:s14] =	ssyncset.done $0x0  }
0xcc: {  	s5 =	sadd.s32 s9, s12;
	[sflag:s14] =	ssyncadd.s32 $0xFFFFC000  }
0xcd: {  	[tilespmem:s15], [sflag:$0x3] =	stream.linear.gather [hbm4b:s5+s4], $0x400, $0x38;
	[tilespmem:$0x1C800] =	vst v63  }
0xce: {  	_ =	swait.ge [sflag:s14], $0x400  }
0xcf: {  	s8 =	rddreg [dreg:$0x4];
	[sflag:s14] =	ssyncset.done $0x0  }
0xd0: {  	[sflag:s14] =	ssyncadd.s32 $0xFFFFFC00;
	s5 =	sadd.s32 s9, s8  }
0xd1: {  	[tilespmem:s16], [sflag:$0x3] =	stream.linear.gather [hbm4b:s5+s4], $0x400, $0x38;
	[tilespmem:$0x1C800] =	vst v63  }
0xd2: {  	_ =	swait.ge [sflag:s14], $0x400  }
0xd3: {  	[sflag:s14] =	ssyncset.done $0x0  }
0xd4: {  	[sflag:s14] =	ssyncadd.s32 $0xFFFFFC00  }
0xd5: {  	[tilespmem:s13], [sflag:$0x1] =	stream.indirect.gather [hbm4b:s1+s17], $0x80, s15, s17, $0xb8;
	[tilespmem:$0x1C800] =	vst v63  }
0xd6: {  	_ =	swait.ge [sflag:s18], $0x4000  }
0xd7: {  	[sflag:s18] =	ssyncset.done $0x0  }
0xd8: {  	[sflag:s18] =	ssyncadd.s32 $0xFFFFC000  }
0xd9: {  	[spmem:s3] =	stream.indirect.scatter.add.f32 [tilespmem:s13], [sflag:$0x3], $0x80, s16, s17, $0xb8;
	[tilespmem:$0x1C800] =	vst v63  }
0xda: {  	_ =	swait.ge [sflag:s14], $0x4000  }
0xdb: {  	[sflag:s14] =	ssyncset.done $0x0  }
0xdc: {  	[sflag:s14] =	ssyncadd.s32 $0xFFFFC000  }
0xdd: {  	[tilespmem:s20], [sflag:$0x2] =	stream.indirect.gather [hbm4b:s1+s17], $0x80, s19, s17, $0xb8;
	[tilespmem:$0x1C800] =	vst v63  }
0xde: {  	_ =	swait.ge [sflag:s21], $0x4000  }
0xdf: {  	[sflag:s21] =	ssyncset.done $0x0  }
0xe0: {  	[sflag:s21] =	ssyncadd.s32 $0xFFFFC000  }
0xe1: {  	[spmem:s3] =	stream.indirect.scatter.add.f32 [tilespmem:s20], [sflag:$0x3], $0x80, s22, s17, $0xb8;
	[tilespmem:$0x1C800] =	vst v63  }
0xe2: {  	_ =	swait.ge [sflag:s14], $0x4000  }
0xe3: {  	[sflag:s14] =	ssyncset.done $0x0  }
0xe4: {  	[sflag:s14] =	ssyncadd.s32 $0xFFFFC000  }
0xe5: {  	[tilespmem:s13], [sflag:$0x1] =	stream.indirect.gather [hbm4b:s1+s17], $0x80, s23, s17, $0xb8;
	[tilespmem:$0x1C800] =	vst v63  }
0xe6: {  	_ =	swait.ge [sflag:s18], $0x4000  }
0xe7: {  	[sflag:s18] =	ssyncset.done $0x0  }
0xe8: {  	[sflag:s18] =	ssyncadd.s32 $0xFFFFC000  }
0xe9: {  	[spmem:s3] =	stream.indirect.scatter.add.f32 [tilespmem:s13], [sflag:$0x3], $0x80, s24, s17, $0xb8;
	[tilespmem:$0x1C800] =	vst v63  }
0xea: {  	_ =	swait.ge [sflag:s14], $0x4000  }
0xeb: {  	[sflag:s14] =	ssyncset.done $0x0  }
0xec: {  	[sflag:s14] =	ssyncadd.s32 $0xFFFFC000  }
0xed: {  	[tilespmem:s20], [sflag:$0x2] =	stream.indirect.gather [hbm4b:s1+s17], $0x80, s25, s17, $0xb8;
	[tilespmem:$0x1C800] =	vst v63  }
0xee: {  	_ =	swait.ge [sflag:s21], $0x4000  }
0xef: {  	[sflag:s21] =	ssyncset.done $0x0  }
0xf0: {  	[sflag:s21] =	ssyncadd.s32 $0xFFFFC000  }
0xf1: {  	[spmem:s3] =	stream.indirect.scatter.add.f32 [tilespmem:s20], [sflag:$0x3], $0x80, s26, s17, $0xb8;
	[tilespmem:$0x1C800] =	vst v63  }
0xf2: {  	_ =	swait.ge [sflag:s14], $0x4000  }
0xf3: {  	[sflag:s14] =	ssyncset.done $0x0  }
0xf4: {  	[sflag:s14] =	ssyncadd.s32 $0xFFFFC000  }
0xf5: {  	[tilespmem:s13], [sflag:$0x1] =	stream.indirect.gather [hbm4b:s1+s17], $0x80, s28, s17, $0xb8;
	[tilespmem:$0x1C800] =	vst v63  }
0xf6: {  	_ =	swait.ge [sflag:s18], $0x4000  }
0xf7: {  	[sflag:s18] =	ssyncset.done $0x0  }
0xf8: {  	[sflag:s18] =	ssyncadd.s32 $0xFFFFC000  }
0xf9: {  	[spmem:s3] =	stream.indirect.scatter.add.f32 [tilespmem:s13], [sflag:$0x3], $0x80, s29, s17, $0xb8;
	[tilespmem:$0x1C800] =	vst v63  }
0xfa: {  	_ =	swait.ge [sflag:s14], $0x4000  }
0xfb: {  	[sflag:s14] =	ssyncset.done $0x0  }
0xfc: {  	[sflag:s14] =	ssyncadd.s32 $0xFFFFC000  }
0xfd: {  	[tilespmem:s20], [sflag:$0x2] =	stream.indirect.gather [hbm4b:s1+s17], $0x80, s30, s17, $0xb8;
	[tilespmem:$0x1C800] =	vst v63  }
0xfe: {  	_ =	swait.ge [sflag:s21], $0x4000  }
0xff: {  	[sflag:s21] =	ssyncset.done $0x0  }
0x100: {  	[sflag:s21] =	ssyncadd.s32 $0xFFFFC000  }
0x101: {  	[spmem:s3] =	stream.indirect.scatter.add.f32 [tilespmem:s20], [sflag:$0x3], $0x80, s31, s17, $0xb8;
	[tilespmem:$0x1C800] =	vst v63  }
0x102: {  	_ =	swait.ge [sflag:s14], $0x4000  }
0x103: {  	[sflag:s14] =	ssyncset.done $0x0  }
0x104: {  	[sflag:s14] =	ssyncadd.s32 $0xFFFFC000  }
0x105: {  	[tilespmem:s13], [sflag:$0x1] =	stream.indirect.gather [hbm4b:s1+s17], $0x80, s2, s17, $0xb8;
	[tilespmem:$0x1C800] =	vst v63  }
0x106: {  	_ =	swait.ge [sflag:s18], $0x4000  }
0x107: {  	[sflag:s18] =	ssyncset.done $0x0  }
0x108: {  	[sflag:s18] =	ssyncadd.s32 $0xFFFFC000  }
0x109: {  	[spmem:s3] =	stream.indirect.scatter.add.f32 [tilespmem:s13], [sflag:$0x3], $0x80, s0, s17, $0xb8;
	[tilespmem:$0x1C800] =	vst v63  }
0x10a: {  	_ =	swait.ge [sflag:s14], $0x4000  }
0x10b: {  	[sflag:s14] =	ssyncset.done $0x0  }
0x10c: {  	[sflag:s14] =	ssyncadd.s32 $0xFFFFC000  }
0x10d: {  	[tilespmem:s20], [sflag:$0x2] =	stream.indirect.gather [hbm4b:s1+s17], $0x80, s6, s17, $0xb8;
	[tilespmem:$0x1C800] =	vst v63  }
0x10e: {  	_ =	swait.ge [sflag:s21], $0x4000  }
0x10f: {  	[sflag:s21] =	ssyncset.done $0x0  }
0x110: {  	[sflag:s21] =	ssyncadd.s32 $0xFFFFC000  }
0x111: {  	[spmem:s3] =	stream.indirect.scatter.add.f32 [tilespmem:s20], [sflag:$0x3], $0x80, s7, s17, $0xb8;
	[tilespmem:$0x1C800] =	vst v63  }
0x112: {  	_ =	swait.ge [sflag:s14], $0x4000  }
0x113: {  	[sflag:s14] =	ssyncset.done $0x0  }
0x114: {  	[sflag:s14] =	ssyncadd.s32 $0xFFFFC000  }
0x115: {  	s9 =	stileid.u32;
	[bflag:$0x0] =	sbarrier.arrive $0xFFFF  }
0x116: {  	s5 =	sshll.u32 s9, $0x6;
	s11 =	rddreg [dreg:$0x5]  }
0x117: {  	s5 =	sor.u32 $0x1C03, s5;
	s10 =	rddreg [dreg:$0xa];
	s8 =	sshrl.u32 s11, $0x3  }
0x118: {  	[hbm:s10], [sflag:s5] =	dma.local [spmem:s8], $0x2800  }
0x119: {  	_ =	swait.ge [sflag:s14], $0x2800  }
0x11a: {  	s9 =	rddreg [dreg:$0xc]  }
0x11b: {  	s10 =	rddreg [dreg:$0xb];
	s8 =	sadd.s32 $0x1, s9  }
0x11c: {  	p0 =	sne.s32 s8, s10  }
.Ltmp2:
0x11d: {  	_ = 	snop;
	(pc) =	sbr.rel @p0 .LBB2_1-.Ltmp2, $3  }
0x11e: {  	_ =	sdelay $0x1  }
0x11f: {  	[sflag:s14] =	ssyncset.done $0x0  }
0x120: {  	[sflag:s14] =	ssyncadd.s32 $0xFFFFD800  }
0x121: {  	_ =	sfence.sel $0x180000  }
0x122: {  	[bflag:$0x0] =	sbarrier.arrive $0xFFFF  }
0x123: {  	_ =	strace $0x9000004D  }
0x124: {  	s0 =	stileid.u32;
	[bflag:$0x2] =	sbarrier.arrive $0xFFFF  }
0x125: {  	p0 =	sne.s32 s0, $0x0;
	s0 =	rddreg [dreg:$0x3]  }
0x126: {  	s0 =	sadd.s32 @!p0 $0x100000, s0  }
0x127: {  	[sflag:s0] =	ssyncadd.tile.s32 @!p0 $0x1;
	_ =	shalt  }
.Lfunc_end2:
_tile_overlayer_lowered:
.L_overlay_start_2:
0x128: {  	(tag) =	ssettag $0x2  }
0x129: {  	s0 =	rddreg [dreg:$0x0];
	s2 =	stileid.u32  }
0x12a: {  	s1 =	rddreg [dreg:$0x1];
	p0 =	sne.s32 s2, $0x0  }
0x12b: {  	s3 =	rddreg [dreg:$0x2];
	[bflag:$0x3] =	sbarrier.arrive $0xFFFF;
	s2 =	simm.s32 @!p0 $0x1C03  }
0x12c: {  	[timem:s3], [sflag:s2] =	dma.local @!p0 [hbm:s0], s1  }
0x12d: {  	s0 =	simm.s32 @!p0 $0x3  }
0x12e: {  	_ =	swait.ge @!p0 [sflag:s0], s1  }
0x12f: {  	s1 =	ssub.s32 @!p0 $0x0, s1;
	[sflag:s0] =	ssyncset.done @!p0 $0x0  }
0x130: {  	[sflag:s0] =	ssyncadd.s32 @!p0 s1  }
0x131: {  	[bflag:$0x3] =	sbarrier.arrive $0xFFFF  }
0x132: {  	_ =	shalt  }

// kernel: kernel.8.cloned.1.call-start
scs
__scs_entry_jumppad:
0x0: {  	(pc) =	sbr.rel $0x88, $3  }
0x1: {  	(tag) =	ssettag $0x0;
	lr =	simm.s32 $0x1  }
0x2: {  	[smem:$0x3F9B] =	sst lr;
	_ =	strace $0xD0000000  }
0x3: {  	_ = 	snop  }
0x4: {  	_ = 	snop  }
0x5: {  	_ = 	snop  }
0x6: {  	_ = 	snop  }
0x7: {  	_ = 	snop  }
__scs_overlays_trampoline_lowered:
0x8: {  	[smem:$0x3FAA] =	sst s0  }
0x9: {  	[smem:$0x3FAB] =	sst s1  }
0xa: {  	[smem:$0x3FAC] =	sst s2  }
0xb: {  	[smem:$0x3FAD] =	sst s3  }
0xc: {  	[smem:$0x3FAE] =	sst s4  }
0xd: {  	[smem:$0x3FAF] =	sst s5  }
0xe: {  	[smem:$0x3FB0] =	sst s6  }
0xf: {  	[smem:$0x3FB1] =	sst s7  }
0x10: {  	[smem:$0x3FB2] =	sst s8  }
0x11: {  	[smem:$0x3FB3] =	sst s9;
	s0 =	simm.s32 @!p0 $0x0  }
0x12: {  	s1 =	sld [smem:$0x3F99];
	s0 =	simm.s32 @p0 $0x1  }
0x13: {  	[smem:$0x3FB4] =	sst s0;
	s0 =	simm.s32 @!p1 $0x0  }
0x14: {  	s2 =	sld [smem:$0x3F98];
	s0 =	simm.s32 @p1 $0x1  }
0x15: {  	[smem:$0x3FB5] =	sst s0;
	s0 =	simm.s32 @!p2 $0x0  }
0x16: {  	s3 =	sld [smem:$0x3FDB];
	s0 =	simm.s32 @p2 $0x1  }
0x17: {  	s4 =	simm.s32 $0x1BF5;
	[smem:$0x3FB7] =	sst s0  }
0x18: {  	s0 =	sld [smem:$0x3F9A];
	_ =	swait.ge [sflag:s4], $0x0  }
0x19: {  	s7 =	sld [smem:$0x3F9B]  }
0x1a: {  	s8 =	sadd.s32 $0xFFFFE003, lr  }
0x1b: {  	s9 =	sadd.s32 $0xFFFFFEF7, lr;
	s5 =	simm.s32 $0xFFFFFFFF;
	p2 =	slt.u32 s8, $0xFFFFF086  }
0x1c: {  	p1 =	slt.u32 s9, $0xF7A;
	s5 =	simm.s32 @!p2 $0x0  }
0x1d: {  	s5 =	simm.s32 @p1 $0x1;
	p0 =	seq.s32 s7, s2  }
0x1e: {  	s7 =	smul.u32 @!p0 $0xF7A, s2;
	p2 =	seq.s32 @!p0 s5, $0x0  }
0x1f: {  	s9 =	smul.u32 $0xF7A, s1;
	s8 =	simm.s32 @!p0 $0x1BF5;
	p2 =	por !p2, p0  }
0x20: {  	[sflag:s8] =	ssyncset.s32 @!p0 $0xFFFFF086;
	s6 =	sadd.s32 @!p0 s3, s7;
	s7 =	simm.s32 @!p0 $0x108  }
0x21: {  	s3 =	sadd.s32 s3, s9;
	s6 =	sadd.s32 @!p0 $0x88, s6;
	s7 =	simm.s32 @p2 $0x1082  }
0x22: {  	[simem:s7], [sflag:s8] =	dma.local @!p0 [hbm:s6], $0xF7A  }
0x23: {  	s9 =	sor.u32 $0xD0000000, s2;
	s6 =	simm.s32 $0x108;
	_ =	swait.ge @!p0 [sflag:s8], $0x0  }
0x24: {  	s3 =	sadd.s32 $0x88, s3;
	s6 =	simm.s32 @!p1 $0x1082;
	[sflag:s4] =	ssyncset.s32 $0xFFFFF086  }
0x25: {  	[simem:s6], [sflag:s4] =	dma.local [hbm:s3], $0xF7A  }
0x26: {  	[smem:$0x3F9B] =	sst s1;
	(tag) =	ssettag s2;
	_ =	strace s9  }
0x27: {  	s1 =	sld [smem:$0x3FAB]  }
0x28: {  	s2 =	sld [smem:$0x3FAC]  }
0x29: {  	s4 =	sld [smem:$0x3FAE]  }
0x2a: {  	p0 =	seq.s32 s5, $0x0;
	s5 =	sld [smem:$0x3FAF]  }
0x2b: {  	s6 =	sld [smem:$0x3FB0]  }
0x2c: {  	s7 =	sld [smem:$0x3FB1]  }
0x2d: {  	s3 =	simm.s32 $0x108;
	s8 =	sld [smem:$0x3FB2]  }
0x2e: {  	s3 =	simm.s32 @!p0 $0x1082;
	s9 =	sld [smem:$0x3FB3]  }
0x2f: {  	lr =	sadd.s32 s0, s3;
	s0 =	sld [smem:$0x3FAA]  }
0x30: {  	s3 =	sld [smem:$0x3FAD]  }
0x31: {  	[smem:$0x3FB6] =	sst s10  }
0x32: {  	s10 =	sld [smem:$0x3FB4];
	_ =	sdelay $0x3  }
0x33: {  	p0 =	seq.s32 s10, $0x1;
	s10 =	sld [smem:$0x3FB6];
	_ =	sdelay $0x3  }
0x34: {  	[smem:$0x3FB6] =	sst s10  }
0x35: {  	s10 =	sld [smem:$0x3FB5];
	_ =	sdelay $0x3  }
0x36: {  	p1 =	seq.s32 s10, $0x1;
	s10 =	sld [smem:$0x3FB6];
	_ =	sdelay $0x3  }
0x37: {  	[smem:$0x3FB6] =	sst s10  }
0x38: {  	s10 =	sld [smem:$0x3FB7]  }
0x39: {  	_ = 	snop;
	(pc) =	sbr.ind lr, $3  }
0x3a: {  	_ = 	snop  }
0x3b: {  	_ = 	snop  }
0x3c: {  	p2 =	seq.s32 s10, $0x1;
	s10 =	sld [smem:$0x3FB6]  }
0x3d: {  	_ =	shalt  }
0x3e: {  	_ =	shalt  }
0x3f: {  	_ =	shalt  }
0x40: {  	_ =	shalt  }
0x41: {  	_ =	shalt  }
0x42: {  	_ =	shalt  }
0x43: {  	_ =	shalt  }
0x44: {  	_ =	shalt  }
0x45: {  	_ =	shalt  }
0x46: {  	_ =	shalt  }
0x47: {  	_ =	shalt  }
0x48: {  	_ =	shalt  }
0x49: {  	_ =	shalt  }
0x4a: {  	_ =	shalt  }
0x4b: {  	_ =	shalt  }
0x4c: {  	_ =	shalt  }
0x4d: {  	_ =	shalt  }
0x4e: {  	_ =	shalt  }
0x4f: {  	_ =	shalt  }
0x50: {  	_ =	shalt  }
0x51: {  	_ =	shalt  }
0x52: {  	_ =	shalt  }
0x53: {  	_ =	shalt  }
0x54: {  	_ =	shalt  }
0x55: {  	_ =	shalt  }
0x56: {  	_ =	shalt  }
0x57: {  	_ =	shalt  }
0x58: {  	_ =	shalt  }
0x59: {  	_ =	shalt  }
0x5a: {  	_ =	shalt  }
0x5b: {  	_ =	shalt  }
0x5c: {  	_ =	shalt  }
0x5d: {  	_ =	shalt  }
0x5e: {  	_ =	shalt  }
0x5f: {  	_ =	shalt  }
0x60: {  	_ =	shalt  }
0x61: {  	_ =	shalt  }
0x62: {  	_ =	shalt  }
0x63: {  	_ =	shalt  }
0x64: {  	_ =	shalt  }
0x65: {  	_ =	shalt  }
0x66: {  	_ =	shalt  }
0x67: {  	_ =	shalt  }
0x68: {  	_ =	shalt  }
0x69: {  	_ =	shalt  }
0x6a: {  	_ =	shalt  }
0x6b: {  	_ =	shalt  }
0x6c: {  	_ =	shalt  }
0x6d: {  	_ =	shalt  }
0x6e: {  	_ =	shalt  }
0x6f: {  	_ =	shalt  }
0x70: {  	_ =	shalt  }
0x71: {  	_ =	shalt  }
0x72: {  	_ =	shalt  }
0x73: {  	_ =	shalt  }
0x74: {  	_ =	shalt  }
0x75: {  	_ =	shalt  }
0x76: {  	_ =	shalt  }
0x77: {  	_ =	shalt  }
0x78: {  	_ =	shalt  }
0x79: {  	_ =	shalt  }
0x7a: {  	_ =	shalt  }
0x7b: {  	_ =	shalt  }
0x7c: {  	_ =	shalt  }
0x7d: {  	_ =	shalt  }
0x7e: {  	_ =	shalt  }
0x7f: {  	_ =	shalt  }
0x80: {  	_ =	shalt  }
0x81: {  	_ =	shalt  }
0x82: {  	_ =	shalt  }
0x83: {  	_ =	shalt  }
0x84: {  	_ =	shalt  }
0x85: {  	_ =	shalt  }
0x86: {  	_ =	shalt  }
0x87: {  	_ =	shalt  }
.Lfunc_end0:
.L_simem_size_0:
called_computation_lowered:
.L_overlay_start_0:
0x88: {  	s2 =	sld [smem:$0x3FD9]  }
0x89: {  	s3 =	sld [smem:$0x3FFE];
	_ =	sdelay $0x1  }
0x8a: {  	s1 =	srdreg.scid  }
0x8b: {  	s0 =	sand.u32 $0x1, s1  }
0x8c: {  	s17 =	sshll.u32 s0, $0xA;
	s2 =	sadd.s32 s3, s2  }
0x8d: {  	s2 =	sadd.s32 s2, s17  }
0x8e: {  	[smem:$0x3FC2] =	sst s2  }
0x8f: {  	_ = 	snop  }
0x90: {  	s2 =	sld [smem:$0x3FD0];
	(tm) =	ssettm $0x1  }
0x91: {  	s18 =	sld [smem:$0x3FFB];
	_ =	sdelay $0x3  }
0x92: {  	_ =	strace s18  }
0x93: {  	s3 =	sld [smem:$0x3FFC];
	_ =	sdelay $0x3  }
0x94: {  	_ =	strace s3  }
0x95: {  	s3 =	sld [smem:$0x3FFD];
	_ =	sdelay $0x3  }
0x96: {  	_ =	strace s3  }
0x97: {  	_ =	strace $0x8FFFFFFF  }
0x98: {  	s19 =	sld [smem:$0x3FDB];
	_ =	sdelay $0x1  }
0x99: {  	s4 =	simm.s32 $_scs_section_size  }
0x9a: {  	s5 =	simm.s32 $_size__tile_overlayer_lowered;
	s6 =	simm.s32 $_tile_overlayer_lowered  }
0x9b: {  	s22 =	simm.s32 $0x1BFF;
	s21 =	sshll.u32 s6, $0x1;
	s3 =	sadd.s32 s4, s19  }
0x9c: {  	s7 =	simm.s32 $0x0;
	s20 =	sshll.u32 s5, $0x1;
	s5 =	sadd.s32 s21, s3  }
0x9d: {  	[timem:s7], [sflag:s22] =	dma.local [hbm:s5], s20  }
0x9e: {  	_ =	swait.ge [sflag:s22], s20  }
0x9f: {  	s4 =	ssub.s32 $0x0, s20;
	[sflag:s22] =	ssyncset.done $0x0  }
0xa0: {  	[sflag:s22] =	ssyncadd.s32 s4;
	_ =	sdelay $0x1  }
0xa1: {  	s23 =	simm.s32 $0x1B8B  }
0xa2: {  	_ =	swait.ge [sflag:s23], $0x1  }
0xa3: {  	[sflag:s23] =	ssyncset.done $0x0  }
0xa4: {  	s25 =	simm.s32 $0x1B8E;
	s24 =	sld [smem:$0x3FFE];
	[sflag:s23] =	ssyncadd.s32 $0xFFFFFFFF  }
0xa5: {  	s26 =	simm.s32 $execute0_lowered;
	[smem:$0x3FD2] =	sst s25  }
0xa6: {  	s5 =	sshll.u32 s26, $0x1;
	_ =	strace $0x80000046;
	[dreg:$0x1] =	wrdreg $0xFFFFFFFF  }
0xa7: {  	s28 =	simm.s32 $_size_execute0_lowered;
	s3 =	sadd.s32 s3, s5;
	[dreg:$0x0] =	wrdreg $0x0  }
0xa8: {  	s5 =	sshll.u32 s28, $0x1;
	[dreg:$0x2] =	wrdreg s3  }
0xa9: {  	[dreg:$0x3] =	wrdreg s5  }
0xaa: {  	[dreg:$0x4] =	wrdreg $0xC0  }
0xab: {  	_ =	task [dreg:s7], $0x5FFFF  }
0xac: {  	[dreg:$0x1] =	wrdreg $0xFFFFFFFF  }
0xad: {  	[dreg:$0x0] =	wrdreg $0x60  }
0xae: {  	[dreg:$0x2] =	wrdreg s2  }
0xaf: {  	[dreg:$0x3] =	wrdreg s24  }
0xb0: {  	[dreg:$0x4] =	wrdreg $0x0  }
0xb1: {  	[dreg:$0x5] =	wrdreg $0x9  }
0xb2: {  	_ =	task.clear_ibuf [dreg:s7], $0x6FFFF;
	_ =	strace $0x90000046  }
0xb3: {  	s29 =	simm.s32 $0x9;
	_ =	strace $0x80000048  }
0xb4: {  	_ =	swait.ge [sflag:s29], $0x1  }
0xb5: {  	[sflag:s29] =	ssyncadd.s32 $0xFFFFFFFF  }
0xb6: {  	_ =	strace $0x90000048  }
0xb7: {  	_ =	sfence  }
0xb8: {  	s30 =	sld [smem:$0x0];
	_ =	sdelay $0x2  }
0xb9: {  	s31 =	sshll.u32 s1, $0xD;
	s1 =	sshrl.u32 s1, $0x2  }
0xba: {  	s3 =	sand.u32 $0x4000, s31;
	s1 =	sadd.s32 s1, s30  }
0xbb: {  	s0 =	sor.u32 s3, s0;
	s1 =	sshll.u32 s1, $0x11  }
0xbc: {  	s0 =	sor.u32 s1, s0  }
0xbd: {  	s0 =	sadd.s32 $0x8F2B, s0  }
0xbe: {  	[sflag:s0] =	ssyncadd.remote.s32 $0x1  }
0xbf: {  	_ =	sfence.sel $0xFFFF  }
0xc0: {  	[dreg:$0x0] =	wrdreg $0xFFFFFFFF;
	(pc) =	sbr.abs _section_cstart, $3  }
0xc1: {  	[dreg:$0x1] =	wrdreg $0xFFFFFFFF  }
0xc2: {  	_ =	task.clear_ibuf [dreg:s7], $0x2FFFF;
	_ =	strace $0x9FFFFFFF  }
0xc3: {  	(tm) =	ssettm $0x7FFFFFFF  }
tec
execute0_lowered:
.L_overlay_start_1:
0x0: {  	(tag) =	ssettag $0x1  }
0x1: {  	s1 =	rddreg [dreg:$0x0];
	s0 =	srdreg.scid  }
0x2: {  	s2 =	rddreg [dreg:$0x1];
	s8 =	stileid.u32  }
0x3: {  	s3 =	rddreg [dreg:$0x2];
	s4 =	simm.s32 $0x0;
	s13 =	simm.s32 $0x14800  }
0x4: {  	s14 =	simm.s32 $0x3;
	s15 =	simm.s32 $0x14000;
	s6 =	smul.u32 $0x2800, s8  }
0x5: {  	s16 =	simm.s32 $0x14400;
	s17 =	simm.s32 $0x80;
	s18 =	smul.u32 $0x14000, s8  }
0x6: {  	s28 =	simm.s32 $0x14200;
	s0 =	sand.u32 $0x1, s0;
	s8 =	smul.u32 $0x50000, s8  }
0x7: {  	s29 =	simm.s32 $0x14600;
	s30 =	simm.s32 $0x14280;
	s5 =	smul.u32 $0x28000, s0  }
0x8: {  	s31 =	simm.s32 $0x14680;
	[smem:$0x7FF] =	sst s4;
	s7 =	smul.u32 $0x140000, s0  }
0x9: {  	_ =	strace $0x80000047;
	s0 =	ssub.s32 $0x2, s0;
	s20 =	sshrl.u32 s8, $0x2  }
0xa: {  	s21 =	sshrl.u32 s0, $0x1;
	s8 =	simm.s32 $0x0;
	s5 =	sadd.s32 s6, s5  }
0xb: {  	s19 =	sadd.s32 s18, s7;
	s11 =	sadd.s32 s20, s3;
	s0 =	ssub.s32 s0, s21  }
0xc: {  	s18 =	simm.s32 $0x1;
	s20 =	simm.s32 $0x18800;
	s21 =	simm.s32 $0x2  }
0xd: {  	s6 =	simm.s32 $0x14380;
	s22 =	sadd.s32 $0x4000, s11;
	[dreg:$0x5] =	wrdreg s11  }
0xe: {  	s7 =	simm.s32 $0x14780;
	s23 =	sadd.s32 $0x8000, s11;
	[dreg:$0x6] =	wrdreg s22  }
0xf: {  	s5 =	sshrl.u32 s5, $0x3;
	s24 =	sadd.s32 $0xC000, s11;
	[dreg:$0x7] =	wrdreg s23  }
0x10: {  	s25 =	sadd.s32 $0x10000, s11;
	s0 =	smax.u32 s0, $0x1;
	[dreg:$0x8] =	wrdreg s24  }
0x11: {  	s9 =	sadd.s32 s5, s2;
	s5 =	sshrl.u32 s19, $0x3;
	[dreg:$0x9] =	wrdreg s25  }
0x12: {  	[dreg:$0xb] =	wrdreg s0;
	s19 =	simm.s32 $0x14080;
	s22 =	simm.s32 $0x14480  }
0x13: {  	s23 =	simm.s32 $0x14100;
	s24 =	simm.s32 $0x14500;
	s25 =	simm.s32 $0x14180  }
0x14: {  	s0 =	simm.s32 $0x14700;
	s2 =	sadd.s32 s5, s2;
	s26 =	sadd.s32 $0x1E00, s9  }
0x15: {  	s12 =	sadd.s32 $0xBE00, s9;
	s2 =	sadd.s32 $0x15E00, s2;
	[dreg:$0x4] =	wrdreg s26  }
0x16: {  	v0 =	vimm.f32 $0.0e+00;
	s26 =	simm.s32 $0x14580;
	[dreg:$0xa] =	wrdreg s2;
	s2 =	simm.s32 $0x14300  }
.LBB2_1:
0x17: {  	s9 =	simm.s32 $0x0;
	s10 =	simm.s32 $0x200  }
.LBB2_2:
0x18: {  	p0 =	sne.s32 s10, $0xFE00;
	[tilespmem:s9+$0x14870] =	vst v0  }
0x19: {  	[tilespmem:s9+$0x14800] =	vst v0  }
0x1a: {  	[tilespmem:s9+$0x14810] =	vst v0  }
.Ltmp0:
0x1b: {  	[tilespmem:s9+$0x14820] =	vst v0;
	(pc) =	sbr.rel @p0 .LBB2_2-.Ltmp0, $4  }
0x1c: {  	[tilespmem:s9+$0x14830] =	vst v0  }
0x1d: {  	[tilespmem:s9+$0x14840] =	vst v0  }
0x1e: {  	[tilespmem:s9+$0x14850] =	vst v0  }
0x1f: {  	[tilespmem:s9+$0x14860] =	vst v0;
	s9 =	sshra.s32 s10, $0x2;
	s10 =	sadd.s32 $0x200, s10  }
0x20: {  	[tilespmem:s9+$0x14870] =	vst v0  }
0x21: {  	[tilespmem:s9+$0x14800] =	vst v0  }
0x22: {  	[tilespmem:s9+$0x14810] =	vst v0  }
0x23: {  	[tilespmem:s9+$0x14820] =	vst v0  }
0x24: {  	[tilespmem:s9+$0x14830] =	vst v0  }
0x25: {  	[tilespmem:s9+$0x14840] =	vst v0  }
0x26: {  	[tilespmem:s9+$0x14850] =	vst v0  }
0x27: {  	[dreg:$0xc] =	wrdreg s8;
	[tilespmem:s9+$0x14860] =	vst v0  }
0x28: {  	[spmem:s11] =	stream.linear.scatter [tilespmem:s13], [sflag:$0x3], $0x4000, $0x38;
	[tilespmem:$0x1C800] =	vst v63  }
0x29: {  	_ =	swait.ge [sflag:s14], $0x4000  }
0x2a: {  	[sflag:s14] =	ssyncset.done $0x0  }
0x2b: {  	s5 =	rddreg [dreg:$0x6];
	[sflag:s14] =	ssyncadd.s32 $0xFFFFC000  }
0x2c: {  	[spmem:s5] =	stream.linear.scatter [tilespmem:s13], [sflag:$0x3], $0x4000, $0x38;
	[tilespmem:$0x1C800] =	vst v63  }
0x2d: {  	_ =	swait.ge [sflag:s14], $0x4000  }
0x2e: {  	[sflag:s14] =	ssyncset.done $0x0  }
0x2f: {  	s11 =	rddreg [dreg:$0x7];
	[sflag:s14] =	ssyncadd.s32 $0xFFFFC000  }
0x30: {  	[spmem:s11] =	stream.linear.scatter [tilespmem:s13], [sflag:$0x3], $0x4000, $0x38;
	[tilespmem:$0x1C800] =	vst v63  }
0x31: {  	_ =	swait.ge [sflag:s14], $0x4000  }
0x32: {  	[sflag:s14] =	ssyncset.done $0x0  }
0x33: {  	s8 =	rddreg [dreg:$0x8];
	[sflag:s14] =	ssyncadd.s32 $0xFFFFC000  }
0x34: {  	[spmem:s8] =	stream.linear.scatter [tilespmem:s13], [sflag:$0x3], $0x4000, $0x38;
	[tilespmem:$0x1C800] =	vst v63  }
0x35: {  	_ =	swait.ge [sflag:s14], $0x4000  }
0x36: {  	[sflag:s14] =	ssyncset.done $0x0  }
0x37: {  	s9 =	rddreg [dreg:$0x9];
	[sflag:s14] =	ssyncadd.s32 $0xFFFFC000  }
0x38: {  	[spmem:s9] =	stream.linear.scatter [tilespmem:s13], [sflag:$0x3], $0x4000, $0x38;
	[tilespmem:$0x1C800] =	vst v63  }
0x39: {  	_ =	swait.ge [sflag:s14], $0x4000  }
0x3a: {  	[sflag:s14] =	ssyncset.done $0x0  }
0x3b: {  	[sflag:s14] =	ssyncadd.s32 $0xFFFFC000  }
0x3c: {  	s10 =	sadd.s32 $0x0, s12;
	[bflag:$0x0] =	sbarrier.arrive $0xFFFF  }
0x3d: {  	[tilespmem:s15], [sflag:$0x3] =	stream.linear.gather [hbm4b:s10+s4], $0x400, $0x38;
	[tilespmem:$0x1C800] =	vst v63  }
0x3e: {  	_ =	swait.ge [sflag:s14], $0x400  }
0x3f: {  	s11 =	rddreg [dreg:$0x4];
	[sflag:s14] =	ssyncset.done $0x0  }
0x40: {  	[sflag:s14] =	ssyncadd.s32 $0xFFFFFC00;
	s9 =	sadd.s32 $0x0, s11  }
0x41: {  	[tilespmem:s16], [sflag:$0x3] =	stream.linear.gather [hbm4b:s9+s4], $0x400, $0x38;
	[tilespmem:$0x1C800] =	vst v63  }
0x42: {  	_ =	swait.ge [sflag:s14], $0x400  }
0x43: {  	[sflag:s14] =	ssyncset.done $0x0  }
0x44: {  	[sflag:s14] =	ssyncadd.s32 $0xFFFFFC00  }
0x45: {  	[tilespmem:s13], [sflag:$0x1] =	stream.indirect.gather [hbm4b:s1+s17], $0x80, s15, s17, $0xb8;
	[tilespmem:$0x1C800] =	vst v63  }
0x46: {  	_ =	swait.ge [sflag:s18], $0x4000  }
0x47: {  	[sflag:s18] =	ssyncset.done $0x0  }
0x48: {  	[sflag:s18] =	ssyncadd.s32 $0xFFFFC000  }
0x49: {  	[spmem:s3] =	stream.indirect.scatter.add.f32 [tilespmem:s13], [sflag:$0x3], $0x80, s16, s17, $0xb8;
	[tilespmem:$0x1C800] =	vst v63  }
0x4a: {  	_ =	swait.ge [sflag:s14], $0x4000  }
0x4b: {  	[sflag:s14] =	ssyncset.done $0x0  }
0x4c: {  	[sflag:s14] =	ssyncadd.s32 $0xFFFFC000  }
0x4d: {  	[tilespmem:s20], [sflag:$0x2] =	stream.indirect.gather [hbm4b:s1+s17], $0x80, s19, s17, $0xb8;
	[tilespmem:$0x1C800] =	vst v63  }
0x4e: {  	_ =	swait.ge [sflag:s21], $0x4000  }
0x4f: {  	[sflag:s21] =	ssyncset.done $0x0  }
0x50: {  	[sflag:s21] =	ssyncadd.s32 $0xFFFFC000  }
0x51: {  	[spmem:s3] =	stream.indirect.scatter.add.f32 [tilespmem:s20], [sflag:$0x3], $0x80, s22, s17, $0xb8;
	[tilespmem:$0x1C800] =	vst v63  }
0x52: {  	_ =	swait.ge [sflag:s14], $0x4000  }
0x53: {  	[sflag:s14] =	ssyncset.done $0x0  }
0x54: {  	[sflag:s14] =	ssyncadd.s32 $0xFFFFC000  }
0x55: {  	[tilespmem:s13], [sflag:$0x1] =	stream.indirect.gather [hbm4b:s1+s17], $0x80, s23, s17, $0xb8;
	[tilespmem:$0x1C800] =	vst v63  }
0x56: {  	_ =	swait.ge [sflag:s18], $0x4000  }
0x57: {  	[sflag:s18] =	ssyncset.done $0x0  }
0x58: {  	[sflag:s18] =	ssyncadd.s32 $0xFFFFC000  }
0x59: {  	[spmem:s3] =	stream.indirect.scatter.add.f32 [tilespmem:s13], [sflag:$0x3], $0x80, s24, s17, $0xb8;
	[tilespmem:$0x1C800] =	vst v63  }
0x5a: {  	_ =	swait.ge [sflag:s14], $0x4000  }
0x5b: {  	[sflag:s14] =	ssyncset.done $0x0  }
0x5c: {  	[sflag:s14] =	ssyncadd.s32 $0xFFFFC000  }
0x5d: {  	[tilespmem:s20], [sflag:$0x2] =	stream.indirect.gather [hbm4b:s1+s17], $0x80, s25, s17, $0xb8;
	[tilespmem:$0x1C800] =	vst v63  }
0x5e: {  	_ =	swait.ge [sflag:s21], $0x4000  }
0x5f: {  	[sflag:s21] =	ssyncset.done $0x0  }
0x60: {  	[sflag:s21] =	ssyncadd.s32 $0xFFFFC000  }
0x61: {  	[spmem:s3] =	stream.indirect.scatter.add.f32 [tilespmem:s20], [sflag:$0x3], $0x80, s26, s17, $0xb8;
	[tilespmem:$0x1C800] =	vst v63  }
0x62: {  	_ =	swait.ge [sflag:s14], $0x4000  }
0x63: {  	[sflag:s14] =	ssyncset.done $0x0  }
0x64: {  	[sflag:s14] =	ssyncadd.s32 $0xFFFFC000  }
0x65: {  	[tilespmem:s13], [sflag:$0x1] =	stream.indirect.gather [hbm4b:s1+s17], $0x80, s28, s17, $0xb8;
	[tilespmem:$0x1C800] =	vst v63  }
0x66: {  	_ =	swait.ge [sflag:s18], $0x4000  }
0x67: {  	[sflag:s18] =	ssyncset.done $0x0  }
0x68: {  	[sflag:s18] =	ssyncadd.s32 $0xFFFFC000  }
0x69: {  	[spmem:s3] =	stream.indirect.scatter.add.f32 [tilespmem:s13], [sflag:$0x3], $0x80, s29, s17, $0xb8;
	[tilespmem:$0x1C800] =	vst v63  }
0x6a: {  	_ =	swait.ge [sflag:s14], $0x4000  }
0x6b: {  	[sflag:s14] =	ssyncset.done $0x0  }
0x6c: {  	[sflag:s14] =	ssyncadd.s32 $0xFFFFC000  }
0x6d: {  	[tilespmem:s20], [sflag:$0x2] =	stream.indirect.gather [hbm4b:s1+s17], $0x80, s30, s17, $0xb8;
	[tilespmem:$0x1C800] =	vst v63  }
0x6e: {  	_ =	swait.ge [sflag:s21], $0x4000  }
0x6f: {  	[sflag:s21] =	ssyncset.done $0x0  }
0x70: {  	[sflag:s21] =	ssyncadd.s32 $0xFFFFC000  }
0x71: {  	[spmem:s3] =	stream.indirect.scatter.add.f32 [tilespmem:s20], [sflag:$0x3], $0x80, s31, s17, $0xb8;
	[tilespmem:$0x1C800] =	vst v63  }
0x72: {  	_ =	swait.ge [sflag:s14], $0x4000  }
0x73: {  	[sflag:s14] =	ssyncset.done $0x0  }
0x74: {  	[sflag:s14] =	ssyncadd.s32 $0xFFFFC000  }
0x75: {  	[tilespmem:s13], [sflag:$0x1] =	stream.indirect.gather [hbm4b:s1+s17], $0x80, s2, s17, $0xb8;
	[tilespmem:$0x1C800] =	vst v63  }
0x76: {  	_ =	swait.ge [sflag:s18], $0x4000  }
0x77: {  	[sflag:s18] =	ssyncset.done $0x0  }
0x78: {  	[sflag:s18] =	ssyncadd.s32 $0xFFFFC000  }
0x79: {  	[spmem:s3] =	stream.indirect.scatter.add.f32 [tilespmem:s13], [sflag:$0x3], $0x80, s0, s17, $0xb8;
	[tilespmem:$0x1C800] =	vst v63  }
0x7a: {  	_ =	swait.ge [sflag:s14], $0x4000  }
0x7b: {  	[sflag:s14] =	ssyncset.done $0x0  }
0x7c: {  	[sflag:s14] =	ssyncadd.s32 $0xFFFFC000  }
0x7d: {  	[tilespmem:s20], [sflag:$0x2] =	stream.indirect.gather [hbm4b:s1+s17], $0x80, s6, s17, $0xb8;
	[tilespmem:$0x1C800] =	vst v63  }
0x7e: {  	_ =	swait.ge [sflag:s21], $0x4000  }
0x7f: {  	[sflag:s21] =	ssyncset.done $0x0  }
0x80: {  	[sflag:s21] =	ssyncadd.s32 $0xFFFFC000  }
0x81: {  	[spmem:s3] =	stream.indirect.scatter.add.f32 [tilespmem:s20], [sflag:$0x3], $0x80, s7, s17, $0xb8;
	[tilespmem:$0x1C800] =	vst v63  }
0x82: {  	_ =	swait.ge [sflag:s14], $0x4000  }
0x83: {  	s10 =	simm.s32 $0x100;
	s9 =	simm.s32 $0x80;
	[sflag:s14] =	ssyncset.done $0x0  }
.LBB2_4:
0x84: {  	s5 =	sadd.s32 s9, s12;
	[sflag:s14] =	ssyncadd.s32 $0xFFFFC000  }
0x85: {  	[tilespmem:s15], [sflag:$0x3] =	stream.linear.gather [hbm4b:s5+s4], $0x400, $0x38;
	[tilespmem:$0x1C800] =	vst v63  }
0x86: {  	s8 =	smov.u32 s10;
	s11 =	sadd.s32 $0x80, s10;
	_ =	swait.ge [sflag:s14], $0x400  }
0x87: {  	p0 =	sne.s32 s10, $0x480;
	s10 =	rddreg [dreg:$0x4];
	[sflag:s14] =	ssyncset.done $0x0  }
0x88: {  	[sflag:s14] =	ssyncadd.s32 $0xFFFFFC00;
	s5 =	sadd.s32 s9, s10  }
0x89: {  	[tilespmem:s16], [sflag:$0x3] =	stream.linear.gather [hbm4b:s5+s4], $0x400, $0x38;
	[tilespmem:$0x1C800] =	vst v63  }
0x8a: {  	_ =	swait.ge [sflag:s14], $0x400  }
0x8b: {  	[sflag:s14] =	ssyncset.done $0x0  }
0x8c: {  	[sflag:s14] =	ssyncadd.s32 $0xFFFFFC00  }
0x8d: {  	[tilespmem:s13], [sflag:$0x1] =	stream.indirect.gather [hbm4b:s1+s17], $0x80, s15, s17, $0xb8;
	[tilespmem:$0x1C800] =	vst v63  }
0x8e: {  	_ =	swait.ge [sflag:s18], $0x4000  }
0x8f: {  	[sflag:s18] =	ssyncset.done $0x0  }
0x90: {  	[sflag:s18] =	ssyncadd.s32 $0xFFFFC000  }
0x91: {  	[spmem:s3] =	stream.indirect.scatter.add.f32 [tilespmem:s13], [sflag:$0x3], $0x80, s16, s17, $0xb8;
	[tilespmem:$0x1C800] =	vst v63  }
0x92: {  	_ =	swait.ge [sflag:s14], $0x4000  }
0x93: {  	[sflag:s14] =	ssyncset.done $0x0  }
0x94: {  	[sflag:s14] =	ssyncadd.s32 $0xFFFFC000  }
0x95: {  	[tilespmem:s20], [sflag:$0x2] =	stream.indirect.gather [hbm4b:s1+s17], $0x80, s19, s17, $0xb8;
	[tilespmem:$0x1C800] =	vst v63  }
0x96: {  	_ =	swait.ge [sflag:s21], $0x4000  }
0x97: {  	[sflag:s21] =	ssyncset.done $0x0  }
0x98: {  	[sflag:s21] =	ssyncadd.s32 $0xFFFFC000  }
0x99: {  	[spmem:s3] =	stream.indirect.scatter.add.f32 [tilespmem:s20], [sflag:$0x3], $0x80, s22, s17, $0xb8;
	[tilespmem:$0x1C800] =	vst v63  }
0x9a: {  	_ =	swait.ge [sflag:s14], $0x4000  }
0x9b: {  	[sflag:s14] =	ssyncset.done $0x0  }
0x9c: {  	[sflag:s14] =	ssyncadd.s32 $0xFFFFC000  }
0x9d: {  	[tilespmem:s13], [sflag:$0x1] =	stream.indirect.gather [hbm4b:s1+s17], $0x80, s23, s17, $0xb8;
	[tilespmem:$0x1C800] =	vst v63  }
0x9e: {  	_ =	swait.ge [sflag:s18], $0x4000  }
0x9f: {  	[sflag:s18] =	ssyncset.done $0x0  }
0xa0: {  	[sflag:s18] =	ssyncadd.s32 $0xFFFFC000  }
0xa1: {  	[spmem:s3] =	stream.indirect.scatter.add.f32 [tilespmem:s13], [sflag:$0x3], $0x80, s24, s17, $0xb8;
	[tilespmem:$0x1C800] =	vst v63  }
0xa2: {  	_ =	swait.ge [sflag:s14], $0x4000  }
0xa3: {  	[sflag:s14] =	ssyncset.done $0x0  }
0xa4: {  	[sflag:s14] =	ssyncadd.s32 $0xFFFFC000  }
0xa5: {  	[tilespmem:s20], [sflag:$0x2] =	stream.indirect.gather [hbm4b:s1+s17], $0x80, s25, s17, $0xb8;
	[tilespmem:$0x1C800] =	vst v63  }
0xa6: {  	_ =	swait.ge [sflag:s21], $0x4000  }
0xa7: {  	[sflag:s21] =	ssyncset.done $0x0  }
0xa8: {  	[sflag:s21] =	ssyncadd.s32 $0xFFFFC000  }
0xa9: {  	[spmem:s3] =	stream.indirect.scatter.add.f32 [tilespmem:s20], [sflag:$0x3], $0x80, s26, s17, $0xb8;
	[tilespmem:$0x1C800] =	vst v63  }
0xaa: {  	_ =	swait.ge [sflag:s14], $0x4000  }
0xab: {  	[sflag:s14] =	ssyncset.done $0x0  }
0xac: {  	[sflag:s14] =	ssyncadd.s32 $0xFFFFC000  }
0xad: {  	[tilespmem:s13], [sflag:$0x1] =	stream.indirect.gather [hbm4b:s1+s17], $0x80, s28, s17, $0xb8;
	[tilespmem:$0x1C800] =	vst v63  }
0xae: {  	_ =	swait.ge [sflag:s18], $0x4000  }
0xaf: {  	[sflag:s18] =	ssyncset.done $0x0  }
0xb0: {  	[sflag:s18] =	ssyncadd.s32 $0xFFFFC000  }
0xb1: {  	[spmem:s3] =	stream.indirect.scatter.add.f32 [tilespmem:s13], [sflag:$0x3], $0x80, s29, s17, $0xb8;
	[tilespmem:$0x1C800] =	vst v63  }
0xb2: {  	_ =	swait.ge [sflag:s14], $0x4000  }
0xb3: {  	[sflag:s14] =	ssyncset.done $0x0  }
0xb4: {  	[sflag:s14] =	ssyncadd.s32 $0xFFFFC000  }
0xb5: {  	[tilespmem:s20], [sflag:$0x2] =	stream.indirect.gather [hbm4b:s1+s17], $0x80, s30, s17, $0xb8;
	[tilespmem:$0x1C800] =	vst v63  }
0xb6: {  	_ =	swait.ge [sflag:s21], $0x4000  }
0xb7: {  	[sflag:s21] =	ssyncset.done $0x0  }
0xb8: {  	[sflag:s21] =	ssyncadd.s32 $0xFFFFC000  }
0xb9: {  	[spmem:s3] =	stream.indirect.scatter.add.f32 [tilespmem:s20], [sflag:$0x3], $0x80, s31, s17, $0xb8;
	[tilespmem:$0x1C800] =	vst v63  }
0xba: {  	_ =	swait.ge [sflag:s14], $0x4000  }
0xbb: {  	[sflag:s14] =	ssyncset.done $0x0  }
0xbc: {  	[sflag:s14] =	ssyncadd.s32 $0xFFFFC000  }
0xbd: {  	[tilespmem:s13], [sflag:$0x1] =	stream.indirect.gather [hbm4b:s1+s17], $0x80, s2, s17, $0xb8;
	[tilespmem:$0x1C800] =	vst v63  }
0xbe: {  	_ =	swait.ge [sflag:s18], $0x4000  }
0xbf: {  	[sflag:s18] =	ssyncset.done $0x0  }
0xc0: {  	[sflag:s18] =	ssyncadd.s32 $0xFFFFC000  }
0xc1: {  	[spmem:s3] =	stream.indirect.scatter.add.f32 [tilespmem:s13], [sflag:$0x3], $0x80, s0, s17, $0xb8;
	[tilespmem:$0x1C800] =	vst v63  }
0xc2: {  	_ =	swait.ge [sflag:s14], $0x4000  }
0xc3: {  	[sflag:s14] =	ssyncset.done $0x0  }
0xc4: {  	[sflag:s14] =	ssyncadd.s32 $0xFFFFC000  }
0xc5: {  	[tilespmem:s20], [sflag:$0x2] =	stream.indirect.gather [hbm4b:s1+s17], $0x80, s6, s17, $0xb8;
	[tilespmem:$0x1C800] =	vst v63  }
0xc6: {  	_ =	swait.ge [sflag:s21], $0x4000  }
.Ltmp1:
0xc7: {  	[sflag:s21] =	ssyncset.done $0x0;
	(pc) =	sbr.rel @p0 .LBB2_4-.Ltmp1, $4  }
0xc8: {  	[sflag:s21] =	ssyncadd.s32 $0xFFFFC000  }
0xc9: {  	[spmem:s3] =	stream.indirect.scatter.add.f32 [tilespmem:s20], [sflag:$0x3], $0x80, s7, s17, $0xb8;
	[tilespmem:$0x1C800] =	vst v63  }
0xca: {  	_ =	swait.ge [sflag:s14], $0x4000  }
0xcb: {  	s9 =	smov.u32 s8;
	s10 =	smov.u32 s11;
	[sflag:s14] =	ssyncset.done $0x0  }
0xcc: {  	s5 =	sadd.s32 s9, s12;
	[sflag:s14] =	ssyncadd.s32 $0xFFFFC000  }
0xcd: {  	[tilespmem:s15], [sflag:$0x3] =	stream.linear.gather [hbm4b:s5+s4], $0x400, $0x38;
	[tilespmem:$0x1C800] =	vst v63  }
0xce: {  	_ =	swait.ge [sflag:s14], $0x400  }
0xcf: {  	s8 =	rddreg [dreg:$0x4];
	[sflag:s14] =	ssyncset.done $0x0  }
0xd0: {  	[sflag:s14] =	ssyncadd.s32 $0xFFFFFC00;
	s5 =	sadd.s32 s9, s8  }
0xd1: {  	[tilespmem:s16], [sflag:$0x3] =	stream.linear.gather [hbm4b:s5+s4], $0x400, $0x38;
	[tilespmem:$0x1C800] =	vst v63  }
0xd2: {  	_ =	swait.ge [sflag:s14], $0x400  }
0xd3: {  	[sflag:s14] =	ssyncset.done $0x0  }
0xd4: {  	[sflag:s14] =	ssyncadd.s32 $0xFFFFFC00  }
0xd5: {  	[tilespmem:s13], [sflag:$0x1] =	stream.indirect.gather [hbm4b:s1+s17], $0x80, s15, s17, $0xb8;
	[tilespmem:$0x1C800] =	vst v63  }
0xd6: {  	_ =	swait.ge [sflag:s18], $0x4000  }
0xd7: {  	[sflag:s18] =	ssyncset.done $0x0  }
0xd8: {  	[sflag:s18] =	ssyncadd.s32 $0xFFFFC000  }
0xd9: {  	[spmem:s3] =	stream.indirect.scatter.add.f32 [tilespmem:s13], [sflag:$0x3], $0x80, s16, s17, $0xb8;
	[tilespmem:$0x1C800] =	vst v63  }
0xda: {  	_ =	swait.ge [sflag:s14], $0x4000  }
0xdb: {  	[sflag:s14] =	ssyncset.done $0x0  }
0xdc: {  	[sflag:s14] =	ssyncadd.s32 $0xFFFFC000  }
0xdd: {  	[tilespmem:s20], [sflag:$0x2] =	stream.indirect.gather [hbm4b:s1+s17], $0x80, s19, s17, $0xb8;
	[tilespmem:$0x1C800] =	vst v63  }
0xde: {  	_ =	swait.ge [sflag:s21], $0x4000  }
0xdf: {  	[sflag:s21] =	ssyncset.done $0x0  }
0xe0: {  	[sflag:s21] =	ssyncadd.s32 $0xFFFFC000  }
0xe1: {  	[spmem:s3] =	stream.indirect.scatter.add.f32 [tilespmem:s20], [sflag:$0x3], $0x80, s22, s17, $0xb8;
	[tilespmem:$0x1C800] =	vst v63  }
0xe2: {  	_ =	swait.ge [sflag:s14], $0x4000  }
0xe3: {  	[sflag:s14] =	ssyncset.done $0x0  }
0xe4: {  	[sflag:s14] =	ssyncadd.s32 $0xFFFFC000  }
0xe5: {  	[tilespmem:s13], [sflag:$0x1] =	stream.indirect.gather [hbm4b:s1+s17], $0x80, s23, s17, $0xb8;
	[tilespmem:$0x1C800] =	vst v63  }
0xe6: {  	_ =	swait.ge [sflag:s18], $0x4000  }
0xe7: {  	[sflag:s18] =	ssyncset.done $0x0  }
0xe8: {  	[sflag:s18] =	ssyncadd.s32 $0xFFFFC000  }
0xe9: {  	[spmem:s3] =	stream.indirect.scatter.add.f32 [tilespmem:s13], [sflag:$0x3], $0x80, s24, s17, $0xb8;
	[tilespmem:$0x1C800] =	vst v63  }
0xea: {  	_ =	swait.ge [sflag:s14], $0x4000  }
0xeb: {  	[sflag:s14] =	ssyncset.done $0x0  }
0xec: {  	[sflag:s14] =	ssyncadd.s32 $0xFFFFC000  }
0xed: {  	[tilespmem:s20], [sflag:$0x2] =	stream.indirect.gather [hbm4b:s1+s17], $0x80, s25, s17, $0xb8;
	[tilespmem:$0x1C800] =	vst v63  }
0xee: {  	_ =	swait.ge [sflag:s21], $0x4000  }
0xef: {  	[sflag:s21] =	ssyncset.done $0x0  }
0xf0: {  	[sflag:s21] =	ssyncadd.s32 $0xFFFFC000  }
0xf1: {  	[spmem:s3] =	stream.indirect.scatter.add.f32 [tilespmem:s20], [sflag:$0x3], $0x80, s26, s17, $0xb8;
	[tilespmem:$0x1C800] =	vst v63  }
0xf2: {  	_ =	swait.ge [sflag:s14], $0x4000  }
0xf3: {  	[sflag:s14] =	ssyncset.done $0x0  }
0xf4: {  	[sflag:s14] =	ssyncadd.s32 $0xFFFFC000  }
0xf5: {  	[tilespmem:s13], [sflag:$0x1] =	stream.indirect.gather [hbm4b:s1+s17], $0x80, s28, s17, $0xb8;
	[tilespmem:$0x1C800] =	vst v63  }
0xf6: {  	_ =	swait.ge [sflag:s18], $0x4000  }
0xf7: {  	[sflag:s18] =	ssyncset.done $0x0  }
0xf8: {  	[sflag:s18] =	ssyncadd.s32 $0xFFFFC000  }
0xf9: {  	[spmem:s3] =	stream.indirect.scatter.add.f32 [tilespmem:s13], [sflag:$0x3], $0x80, s29, s17, $0xb8;
	[tilespmem:$0x1C800] =	vst v63  }
0xfa: {  	_ =	swait.ge [sflag:s14], $0x4000  }
0xfb: {  	[sflag:s14] =	ssyncset.done $0x0  }
0xfc: {  	[sflag:s14] =	ssyncadd.s32 $0xFFFFC000  }
0xfd: {  	[tilespmem:s20], [sflag:$0x2] =	stream.indirect.gather [hbm4b:s1+s17], $0x80, s30, s17, $0xb8;
	[tilespmem:$0x1C800] =	vst v63  }
0xfe: {  	_ =	swait.ge [sflag:s21], $0x4000  }
0xff: {  	[sflag:s21] =	ssyncset.done $0x0  }
0x100: {  	[sflag:s21] =	ssyncadd.s32 $0xFFFFC000  }
0x101: {  	[spmem:s3] =	stream.indirect.scatter.add.f32 [tilespmem:s20], [sflag:$0x3], $0x80, s31, s17, $0xb8;
	[tilespmem:$0x1C800] =	vst v63  }
0x102: {  	_ =	swait.ge [sflag:s14], $0x4000  }
0x103: {  	[sflag:s14] =	ssyncset.done $0x0  }
0x104: {  	[sflag:s14] =	ssyncadd.s32 $0xFFFFC000  }
0x105: {  	[tilespmem:s13], [sflag:$0x1] =	stream.indirect.gather [hbm4b:s1+s17], $0x80, s2, s17, $0xb8;
	[tilespmem:$0x1C800] =	vst v63  }
0x106: {  	_ =	swait.ge [sflag:s18], $0x4000  }
0x107: {  	[sflag:s18] =	ssyncset.done $0x0  }
0x108: {  	[sflag:s18] =	ssyncadd.s32 $0xFFFFC000  }
0x109: {  	[spmem:s3] =	stream.indirect.scatter.add.f32 [tilespmem:s13], [sflag:$0x3], $0x80, s0, s17, $0xb8;
	[tilespmem:$0x1C800] =	vst v63  }
0x10a: {  	_ =	swait.ge [sflag:s14], $0x4000  }
0x10b: {  	[sflag:s14] =	ssyncset.done $0x0  }
0x10c: {  	[sflag:s14] =	ssyncadd.s32 $0xFFFFC000  }
0x10d: {  	[tilespmem:s20], [sflag:$0x2] =	stream.indirect.gather [hbm4b:s1+s17], $0x80, s6, s17, $0xb8;
	[tilespmem:$0x1C800] =	vst v63  }
0x10e: {  	_ =	swait.ge [sflag:s21], $0x4000  }
0x10f: {  	[sflag:s21] =	ssyncset.done $0x0  }
0x110: {  	[sflag:s21] =	ssyncadd.s32 $0xFFFFC000  }
0x111: {  	[spmem:s3] =	stream.indirect.scatter.add.f32 [tilespmem:s20], [sflag:$0x3], $0x80, s7, s17, $0xb8;
	[tilespmem:$0x1C800] =	vst v63  }
0x112: {  	_ =	swait.ge [sflag:s14], $0x4000  }
0x113: {  	[sflag:s14] =	ssyncset.done $0x0  }
0x114: {  	[sflag:s14] =	ssyncadd.s32 $0xFFFFC000  }
0x115: {  	s9 =	stileid.u32;
	[bflag:$0x0] =	sbarrier.arrive $0xFFFF  }
0x116: {  	s5 =	sshll.u32 s9, $0x6;
	s11 =	rddreg [dreg:$0x5]  }
0x117: {  	s5 =	sor.u32 $0x1C03, s5;
	s10 =	rddreg [dreg:$0xa];
	s8 =	sshrl.u32 s11, $0x3  }
0x118: {  	[hbm:s10], [sflag:s5] =	dma.local [spmem:s8], $0x2800  }
0x119: {  	_ =	swait.ge [sflag:s14], $0x2800  }
0x11a: {  	s9 =	rddreg [dreg:$0xc]  }
0x11b: {  	s10 =	rddreg [dreg:$0xb];
	s8 =	sadd.s32 $0x1, s9  }
0x11c: {  	p0 =	sne.s32 s8, s10  }
.Ltmp2:
0x11d: {  	_ = 	snop;
	(pc) =	sbr.rel @p0 .LBB2_1-.Ltmp2, $3  }
0x11e: {  	_ =	sdelay $0x1  }
0x11f: {  	[sflag:s14] =	ssyncset.done $0x0  }
0x120: {  	[sflag:s14] =	ssyncadd.s32 $0xFFFFD800  }
0x121: {  	_ =	sfence.sel $0x180000  }
0x122: {  	[bflag:$0x0] =	sbarrier.arrive $0xFFFF  }
0x123: {  	_ =	strace $0x90000047  }
0x124: {  	s0 =	stileid.u32;
	[bflag:$0x2] =	sbarrier.arrive $0xFFFF  }
0x125: {  	p0 =	sne.s32 s0, $0x0;
	s0 =	rddreg [dreg:$0x3]  }
0x126: {  	s0 =	sadd.s32 @!p0 $0x100000, s0  }
0x127: {  	[sflag:s0] =	ssyncadd.tile.s32 @!p0 $0x1;
	_ =	shalt  }
.Lfunc_end2:
_tile_overlayer_lowered:
.L_overlay_start_2:
0x128: {  	(tag) =	ssettag $0x2  }
0x129: {  	s0 =	rddreg [dreg:$0x0];
	s2 =	stileid.u32  }
0x12a: {  	s1 =	rddreg [dreg:$0x1];
	p0 =	sne.s32 s2, $0x0  }
0x12b: {  	s3 =	rddreg [dreg:$0x2];
	[bflag:$0x3] =	sbarrier.arrive $0xFFFF;
	s2 =	simm.s32 @!p0 $0x1C03  }
0x12c: {  	[timem:s3], [sflag:s2] =	dma.local @!p0 [hbm:s0], s1  }
0x12d: {  	s0 =	simm.s32 @!p0 $0x3  }
0x12e: {  	_ =	swait.ge @!p0 [sflag:s0], s1  }
0x12f: {  	s1 =	ssub.s32 @!p0 $0x0, s1;
	[sflag:s0] =	ssyncset.done @!p0 $0x0  }
0x130: {  	[sflag:s0] =	ssyncadd.s32 @!p0 s1  }
0x131: {  	[bflag:$0x3] =	sbarrier.arrive $0xFFFF  }
0x132: {  	_ =	shalt  }

</sc_bundles>
